<compile_context>
chip_gen: v7x
topology: tpu7x:2x2x1
jax: 0.10.2.dev20260603
libtpu: 0.0.44.dev20260713+nightly
codegen_flags: <defaults>
</compile_context>

<pallas_src>
import functools
import jax
import jax.numpy as jnp
from jax import lax
from jax.experimental import pallas as pl
from jax.experimental.pallas import tpu as pltpu
from jax.experimental.pallas import tpu_sc as plsc

C = 128
W = 128


def _proj_hash_kernel(x_ref, val_ref, wqt_ref, bq_ref, wvt_ref, bv_ref, hw_ref,
                      qv_ref, codes_ref, *, R, H, NHh, Dh):
    xb = x_ref[...]
    qb = jnp.dot(xb, wqt_ref[...], preferred_element_type=jnp.float32) + bq_ref[...]
    vb = jnp.dot(val_ref[...], wvt_ref[...], preferred_element_type=jnp.float32) + bv_ref[...]
    rows = rot_rows = xb.shape[0]
    qv = jnp.concatenate([qb.reshape(rows, H, Dh), vb.reshape(rows, H, Dh)], axis=-1)
    qv_ref[...] = qv.reshape(rows, H * 2 * Dh)
    rot = jnp.dot(qb, hw_ref[...], preferred_element_type=jnp.float32)
    rot4 = rot.reshape(rows, R, H, NHh)
    iota = lax.broadcasted_iota(jnp.int32, rot4.shape, 3)
    amax = jnp.max(rot4, axis=-1, keepdims=True)
    ia = jnp.min(jnp.where(rot4 >= amax, iota, NHh), axis=-1)
    amin = jnp.min(rot4, axis=-1, keepdims=True)
    ib = jnp.min(jnp.where(rot4 <= amin, iota, NHh), axis=-1)
    code = jnp.where(amax[..., 0] >= -amin[..., 0], ia, NHh + ib)
    codes_ref[...] = code.reshape(rows, R * H)


def _attn_kernel(qv_ref, qvp_ref, p_ref, pp_ref, h_ref, hp_ref,
                 olse_ref, *, scaling, Dh):
    qc = qv_ref[0][:, :Dh]
    qp = qvp_ref[0][:, :Dh]

    def norm(x):
        return x / (jnp.sqrt(jnp.sum(x * x, axis=-1, keepdims=True)) + 1e-6)

    k2 = jnp.concatenate([norm(qc), norm(qp)], axis=0)
    v2 = jnp.concatenate([qv_ref[0][:, Dh:], qvp_ref[0][:, Dh:]], axis=0)
    pc = p_ref[0, 0]
    p2 = jnp.concatenate([pc, pp_ref[0, 0]], axis=0)
    hc = h_ref[0, 0]
    h2 = jnp.concatenate([hc, hp_ref[0, 0]], axis=0)
    scores = jnp.dot(qc, k2.T, preferred_element_type=jnp.float32) * scaling
    self_m = pc[:, None] == p2[None, :]
    diff_m = hc[:, None] != h2[None, :]
    scores = jnp.where(self_m, -1e8, scores)
    scores = jnp.where(diff_m, -1e16, scores)
    m = jnp.max(scores, axis=-1, keepdims=True)
    p = jnp.exp(scores - m)
    denom = jnp.sum(p, axis=-1, keepdims=True)
    o = jnp.dot(p, v2, preferred_element_type=jnp.float32) / denom
    lse = m + jnp.log(denom)
    pad = jnp.zeros((o.shape[0], W - Dh - 1), jnp.float32)
    olse_ref[0] = jnp.concatenate([o, lse, pad], axis=1)


def _sc_unsort_gather(table, idx, per_w, ch, nch):
    mesh = plsc.VectorSubcoreMesh(core_axis_name="c", subcore_axis_name="s")

    @functools.partial(
        pl.kernel, mesh=mesh,
        out_type=jax.ShapeDtypeStruct((idx.shape[0], table.shape[1]), jnp.float32),
        scratch_types=[
            pltpu.VMEM((ch,), jnp.int32),
            pltpu.VMEM((ch, table.shape[1]), jnp.float32),
            pltpu.SemaphoreType.DMA,
        ],
    )
    def k(table_hbm, idx_hbm, out_hbm, idx_v, rows_v, sem):
        cid = lax.axis_index("c")
        sid = lax.axis_index("s")
        wid = sid * 2 + cid
        base = wid * per_w
        for ci in range(nch):
            off = base + ci * ch
            pltpu.sync_copy(idx_hbm.at[pl.ds(off, ch)], idx_v)
            pltpu.async_copy(table_hbm.at[idx_v], rows_v, sem).wait()
            pltpu.sync_copy(rows_v, out_hbm.at[pl.ds(off, ch)])

    return k(table, idx)


def _combine_kernel(g_ref, wot_ref, bo_ref, out_ref, *, H, Dh):
    g = g_ref[...]
    R_, rows, _ = g.shape
    g4 = g.reshape(R_, rows, H, W)
    o = g4[..., :Dh].reshape(R_, rows, H * Dh)
    l = g4[..., Dh]
    m = jnp.max(l, axis=0, keepdims=True)
    w = jnp.exp(l - m)
    w = w / jnp.sum(w, axis=0, keepdims=True)
    wexp = jnp.broadcast_to(w[..., None], (R_, rows, H, Dh)).reshape(R_, rows, H * Dh)
    comb = jnp.sum(wexp * o, axis=0)
    out_ref[...] = jnp.dot(comb, wot_ref[...], preferred_element_type=jnp.float32) + bo_ref[...]


def kernel(query, key, value, Wq, bq, Wv, bv, Wout, bout, hash_w):
    T, B, E = query.shape
    R, H, Dh, NHh = hash_w.shape
    nC = T // C
    rows = T * B
    scaling = Dh ** -0.5

    eye = jnp.eye(H, dtype=jnp.float32)
    HW = jnp.einsum('rhdm,hg->hdrgm', hash_w, eye).reshape(E, R * H * NHh)

    x2d = query.reshape(rows, E)
    val2d = value.reshape(rows, E)
    BLK = 256
    nblk = rows // BLK

    qv2d, codes2d = pl.pallas_call(
        functools.partial(_proj_hash_kernel, R=R, H=H, NHh=NHh, Dh=Dh),
        grid=(nblk,),
        in_specs=[
            pl.BlockSpec((BLK, E), lambda i: (i, 0)),
            pl.BlockSpec((BLK, E), lambda i: (i, 0)),
            pl.BlockSpec((E, E), lambda i: (0, 0)),
            pl.BlockSpec((1, E), lambda i: (0, 0)),
            pl.BlockSpec((E, E), lambda i: (0, 0)),
            pl.BlockSpec((1, E), lambda i: (0, 0)),
            pl.BlockSpec((E, R * H * NHh), lambda i: (0, 0)),
        ],
        out_specs=[
            pl.BlockSpec((BLK, H * 2 * Dh), lambda i: (i, 0)),
            pl.BlockSpec((BLK, R * H), lambda i: (i, 0)),
        ],
        out_shape=[
            jax.ShapeDtypeStruct((rows, H * 2 * Dh), jnp.float32),
            jax.ShapeDtypeStruct((rows, R * H), jnp.int32),
        ],
    )(x2d, val2d, Wq.T, bq.reshape(1, E), Wv.T, bv.reshape(1, E), HW)

    codes = codes2d.reshape(T, B, R, H).transpose(2, 1, 3, 0)

    pos = jnp.arange(T, dtype=jnp.int32)
    keys = codes * T + pos[None, None, None, :]
    skey = jnp.sort(keys, axis=-1)
    sidx = (skey % T).astype(jnp.int32)
    sh = skey // T
    undo = jnp.argsort(sidx, axis=-1).astype(jnp.int32)

    N2 = R * B * H * T
    bidx2 = jnp.arange(B, dtype=jnp.int32)
    hidx2 = jnp.arange(H, dtype=jnp.int32)
    sgidx = (sidx * (B * H)
             + (bidx2[None, :, None, None] * H + hidx2[None, None, :, None])
             ).reshape(N2)
    per_w2 = N2 // 32
    ch2 = 512
    sqv_rows = _sc_unsort_gather(qv2d.reshape(T * B * H, 2 * Dh), sgidx,
                                 per_w2, ch2, per_w2 // ch2)
    sp = sidx

    G = R * B * H * nC
    sqv4 = sqv_rows.reshape(G, C, 2 * Dh)
    sp3 = sp.reshape(G, 1, C)
    sh3 = sh.reshape(G, 1, C)

    def cur(g):
        return (g, 0, 0)

    def prev(g):
        return ((g // nC) * nC + (g % nC + nC - 1) % nC, 0, 0)

    olse = pl.pallas_call(
        functools.partial(_attn_kernel, scaling=scaling, Dh=Dh),
        grid=(G,),
        in_specs=[
            pl.BlockSpec((1, C, 2 * Dh), cur),
            pl.BlockSpec((1, C, 2 * Dh), prev),
            pl.BlockSpec((1, 1, C), cur),
            pl.BlockSpec((1, 1, C), prev),
            pl.BlockSpec((1, 1, C), cur),
            pl.BlockSpec((1, 1, C), prev),
        ],
        out_specs=pl.BlockSpec((1, C, W), cur),
        out_shape=jax.ShapeDtypeStruct((G, C, W), jnp.float32),
    )(sqv4, sqv4, sp3, sp3, sh3, sh3)

    N = R * B * H * T
    table = olse.reshape(N, W)
    undo_m = jnp.moveaxis(undo, 3, 1)
    bidx = jnp.arange(B, dtype=jnp.int32)
    hidx = jnp.arange(H, dtype=jnp.int32)
    ridx = jnp.arange(R, dtype=jnp.int32)
    base = ((ridx[:, None, None] * B + bidx[None, :, None]) * H
            + hidx[None, None, :]) * T
    gidx = (undo_m + base[:, None, :, :]).reshape(N)

    NW = 32
    per_w = N // NW
    ch = 512
    nch = per_w // ch
    gathered = _sc_unsort_gather(table, gidx, per_w, ch, nch)

    g3 = gathered.reshape(R, rows, H * W)

    out2d = pl.pallas_call(
        functools.partial(_combine_kernel, H=H, Dh=Dh),
        grid=(nblk,),
        in_specs=[
            pl.BlockSpec((R, BLK, H * W), lambda i: (0, i, 0)),
            pl.BlockSpec((E, E), lambda i: (0, 0)),
            pl.BlockSpec((1, E), lambda i: (0, 0)),
        ],
        out_specs=pl.BlockSpec((BLK, E), lambda i: (i, 0)),
        out_shape=jax.ShapeDtypeStruct((rows, E), jnp.float32),
    )(g3, Wout.T, bout.reshape(1, E))

    return out2d.reshape(T, B, E)

# --- scband reference (transcript-rebuilt; emitter-appended) ---
"""Pipeline reference for scband-multihead-lsh-attention-17274358465228 (READ-ONLY COPY).

The authoritative reference and input builder live on the scoring server;
editing this copy changes nothing except your own understanding.
"""

import jax, jax.numpy as jnp
import numpy as np

T, B, E, H = 4096, 2, 1024, 16
Dh = E // H
R, NH, C = 2, 16, 128


def setup_inputs(seed: int = 0) -> dict:
    key = jax.random.key(seed)
    ks = jax.random.split(key, 8)
    std = 1.0 / np.sqrt(E)
    hstd = np.sqrt(2.0 / (Dh + NH // 2))
    return {
        "query": jax.random.normal(ks[0], (T, B, E), jnp.float32),
        "key": jax.random.normal(ks[1], (T, B, E), jnp.float32),
        "value": jax.random.normal(ks[2], (T, B, E), jnp.float32),
        "Wq": jax.random.normal(ks[3], (E, E), jnp.float32) * std,
        "bq": jnp.zeros((E,), jnp.float32),
        "Wv": jax.random.normal(ks[4], (E, E), jnp.float32) * std,
        "bv": jnp.zeros((E,), jnp.float32),
        "Wout": jax.random.normal(ks[5], (E, E), jnp.float32) * std,
        "bout": jnp.zeros((E,), jnp.float32),
        "hash_w": jax.random.normal(ks[6], (R, H, Dh, NH // 2), jnp.float32) * hstd,
    }


def reference(query, key, value, Wq, bq, Wv, bv, Wout, bout, hash_w):
    T_, B_, E_ = query.shape
    scaling = Dh ** -0.5
    big = 1e8
    neg_inf = -1e16
    # projections (share_kq self-attention: k is normalized q, k_proj unused)
    q = query @ Wq.T + bq
    v = value @ Wv.T + bv
    q = q.reshape(T_, B_, H, Dh).transpose(1, 2, 0, 3)  # [B,H,T,Dh]
    v = v.reshape(T_, B_, H, Dh).transpose(1, 2, 0, 3)
    k = q / (jnp.linalg.norm(q, axis=-1, keepdims=True) + 1e-6)
    nC = T_ // C
    pos = jnp.arange(T_)
    outs = []
    lses = []
    for r in range(R):
        w = hash_w[r]  # [H,Dh,NH//2]
        rot = jnp.einsum('bhtd,hdm->bhtm', q, w)
        codes = jnp.argmax(jnp.concatenate([rot, -rot], axis=-1), axis=-1)  # [B,H,T]
        sidx = jnp.argsort(codes * T_ + pos[None, None, :], axis=-1)  # stable bucket sort
        undo = jnp.argsort(sidx, axis=-1)
        sq = jnp.take_along_axis(q, sidx[..., None], axis=2)
        sk = jnp.take_along_axis(k, sidx[..., None], axis=2)
        sv = jnp.take_along_axis(v, sidx[..., None], axis=2)
        sh = jnp.take_along_axis(codes, sidx, axis=-1)
        spos = sidx
        cq = sq.reshape(B_, H, nC, C, Dh)
        ck = sk.reshape(B_, H, nC, C, Dh)
        cv = sv.reshape(B_, H, nC, C, Dh)
        ch = sh.reshape(B_, H, nC, C)
        cp = spos.reshape(B_, H, nC, C)
        # attend within own chunk + previous chunk (wrap)
        ck2 = jnp.concatenate([ck, jnp.roll(ck, 1, axis=2)], axis=3)
        cv2 = jnp.concatenate([cv, jnp.roll(cv, 1, axis=2)], axis=3)
        ch2 = jnp.concatenate([ch, jnp.roll(ch, 1, axis=2)], axis=3)
        cp2 = jnp.concatenate([cp, jnp.roll(cp, 1, axis=2)], axis=3)
        scores = jnp.einsum('bhncd,bhnkd->bhnck', cq, ck2) * scaling
        self_m = cp[..., :, None] == cp2[..., None, :]
        diff_m = ch[..., :, None] != ch2[..., None, :]
        scores = jnp.where(self_m, -big, scores)
        scores = jnp.where(diff_m, neg_inf, scores)
        m = jnp.max(scores, axis=-1, keepdims=True)
        p = jnp.exp(scores - m)
        denom = jnp.sum(p, axis=-1, keepdims=True)
        o = jnp.einsum('bhnck,bhnkd->bhncd', p, cv2) / denom
        lse = m[..., 0] + jnp.log(denom[..., 0])
        o = o.reshape(B_, H, T_, Dh)
        lse = lse.reshape(B_, H, T_)
        o = jnp.take_along_axis(o, undo[..., None], axis=2)
        lse = jnp.take_along_axis(lse, undo, axis=-1)
        outs.append(o)
        lses.append(lse)
    lse_all = jnp.stack(lses, axis=0)  # [R,B,H,T]
    wts = jax.nn.softmax(lse_all, axis=0)
    out = sum(wts[i][..., None] * outs[i] for i in range(R))  # [B,H,T,Dh]
    out = out.transpose(2, 0, 1, 3).reshape(T_, B_, E_)
    out = out @ Wout.T + bout
    return out

if __name__ == "__main__":
    import jax
    _d = setup_inputs()
    print(jax.jit(kernel)(*tuple(_d.values())))

</pallas_src>

<mosaic_0001>
#map = affine_map<(d0, d1) -> (0, 0)>
#map1 = affine_map<(d0, d1) -> (0)>
module attributes {stable_mosaic.version = 14 : i64} {
  func.func @k(%arg0: i32, %arg1: i32, %arg2: memref<262144x128xf32, #tpu.memory_space<hbm>>, %arg3: memref<262144xi32, #tpu.memory_space<hbm>>, %arg4: memref<262144x128xf32, #tpu.memory_space<hbm>>, %arg5: memref<512xi32, #tpu.memory_space<vmem>>, %arg6: memref<512x128xf32, #tpu.memory_space<vmem>>, %arg7: memref<!tpu.dma_semaphore, #tpu.memory_space<semaphore_mem>>) attributes {dimension_semantics = [#tpu.dimension_semantics<core_parallel>, #tpu.dimension_semantics<subcore_parallel>], iteration_bounds = array<i64: 2, 16>, scalar_prefetch = 0 : i64, scratch_operands = 3 : i64, tpu.core_type = #tpu.core_type<sc_vector_subcore>, window_params = [{transform_indices = #map}, {transform_indices = #map1}, {transform_indices = #map}]} {
    %mul3A = arith.constant 2 : i32
    %mul3A_0 = arith.muli %arg1, %mul3A : i32
    %add3A = arith.addi %mul3A_0, %arg0 : i32
    %mul3A_1 = arith.constant 8192 : i32
    %mul3A_2 = arith.muli %add3A, %mul3A_1 : i32
    %add3A_3 = arith.constant 0 : i32
    %add3A_4 = arith.addi %mul3A_2, %add3A_3 : i32
    "tpu.region"() ({
      %run_scoped3A = tpu.sem_alloc : memref<!tpu.dma_semaphore, #tpu.memory_space<semaphore_mem>>
      %dma_start3A_129 = tpu.memref_slice %arg3[%add3A_4] : memref<262144xi32, #tpu.memory_space<hbm>> -> memref<512xi32, #tpu.memory_space<hbm>>
      %dma_start3A_130 = tpu.memref_slice %arg3[%add3A_4] : memref<262144xi32, #tpu.memory_space<hbm>> -> memref<512xi32, #tpu.memory_space<hbm>>
      tpu.enqueue_dma source(%dma_start3A_130 : memref<512xi32, #tpu.memory_space<hbm>>) target(%arg5 : memref<512xi32, #tpu.memory_space<vmem>>) target_semaphore(%run_scoped3A : memref<!tpu.dma_semaphore, #tpu.memory_space<semaphore_mem>>)
      %dma_wait3A_131 = tpu.memref_slice %arg3[%add3A_4] : memref<262144xi32, #tpu.memory_space<hbm>> -> memref<512xi32, #tpu.memory_space<hbm>>
      %dma_wait3A_132 = tpu.memref_slice %arg3[%add3A_4] : memref<262144xi32, #tpu.memory_space<hbm>> -> memref<512xi32, #tpu.memory_space<hbm>>
      tpu.wait_dma2 semaphore(%run_scoped3A : memref<!tpu.dma_semaphore, #tpu.memory_space<semaphore_mem>>) src(%dma_wait3A_132 : memref<512xi32, #tpu.memory_space<hbm>>) dst(%arg5 : memref<512xi32, #tpu.memory_space<vmem>>)
      tpu.yield
    }) : () -> ()
    %dma_start3A = arith.constant 0 : i32
    %dma_start3A_5 = arith.constant 0 : i32
    %dma_start3A_6 = tpu.memref_slice %arg2[%dma_start3A, %dma_start3A_5] : memref<262144x128xf32, #tpu.memory_space<hbm>> -> memref<262144x128xf32, #tpu.memory_space<hbm>>
    tpu.enqueue_indirect_dma source(%dma_start3A_6 : memref<262144x128xf32, #tpu.memory_space<hbm>>) target(%arg6 : memref<512x128xf32, #tpu.memory_space<vmem>>) offsets(%arg5 : memref<512xi32, #tpu.memory_space<vmem>>) semaphore(%arg7 : memref<!tpu.dma_semaphore, #tpu.memory_space<semaphore_mem>>)
    %dma_wait3A = arith.constant 0 : i32
    %dma_wait3A_7 = arith.constant 0 : i32
    %dma_wait3A_8 = tpu.memref_slice %arg2[%dma_wait3A, %dma_wait3A_7] : memref<262144x128xf32, #tpu.memory_space<hbm>> -> memref<262144x128xf32, #tpu.memory_space<hbm>>
    tpu.wait_indirect_dma semaphore(%arg7 : memref<!tpu.dma_semaphore, #tpu.memory_space<semaphore_mem>>) src(%dma_wait3A_8 : memref<262144x128xf32, #tpu.memory_space<hbm>>) dst(%arg6 : memref<512x128xf32, #tpu.memory_space<vmem>>)
    "tpu.region"() ({
      %run_scoped3A = tpu.sem_alloc : memref<!tpu.dma_semaphore, #tpu.memory_space<semaphore_mem>>
      %dma_start3A_129 = arith.constant 0 : i32
      %dma_start3A_130 = tpu.memref_slice %arg4[%add3A_4, %dma_start3A_129] : memref<262144x128xf32, #tpu.memory_space<hbm>> -> memref<512x128xf32, #tpu.memory_space<hbm>>
      %dma_start3A_131 = arith.constant 0 : i32
      %dma_start3A_132 = tpu.memref_slice %arg4[%add3A_4, %dma_start3A_131] : memref<262144x128xf32, #tpu.memory_space<hbm>> -> memref<512x128xf32, #tpu.memory_space<hbm>>
      tpu.enqueue_dma source(%arg6 : memref<512x128xf32, #tpu.memory_space<vmem>>) target(%dma_start3A_132 : memref<512x128xf32, #tpu.memory_space<hbm>>) target_semaphore(%run_scoped3A : memref<!tpu.dma_semaphore, #tpu.memory_space<semaphore_mem>>)
      %dma_wait3A_133 = arith.constant 0 : i32
      %dma_wait3A_134 = tpu.memref_slice %arg4[%add3A_4, %dma_wait3A_133] : memref<262144x128xf32, #tpu.memory_space<hbm>> -> memref<512x128xf32, #tpu.memory_space<hbm>>
      %dma_wait3A_135 = arith.constant 0 : i32
      %dma_wait3A_136 = tpu.memref_slice %arg4[%add3A_4, %dma_wait3A_135] : memref<262144x128xf32, #tpu.memory_space<hbm>> -> memref<512x128xf32, #tpu.memory_space<hbm>>
      tpu.wait_dma2 semaphore(%run_scoped3A : memref<!tpu.dma_semaphore, #tpu.memory_space<semaphore_mem>>) src(%arg6 : memref<512x128xf32, #tpu.memory_space<vmem>>) dst(%dma_wait3A_136 : memref<512x128xf32, #tpu.memory_space<hbm>>)
      tpu.yield
    }) : () -> ()
    %add3A_9 = arith.constant 512 : i32
    %add3A_10 = arith.addi %mul3A_2, %add3A_9 : i32
    "tpu.region"() ({
      %run_scoped3A = tpu.sem_alloc : memref<!tpu.dma_semaphore, #tpu.memory_space<semaphore_mem>>
      %dma_start3A_129 = tpu.memref_slice %arg3[%add3A_10] : memref<262144xi32, #tpu.memory_space<hbm>> -> memref<512xi32, #tpu.memory_space<hbm>>
      %dma_start3A_130 = tpu.memref_slice %arg3[%add3A_10] : memref<262144xi32, #tpu.memory_space<hbm>> -> memref<512xi32, #tpu.memory_space<hbm>>
      tpu.enqueue_dma source(%dma_start3A_130 : memref<512xi32, #tpu.memory_space<hbm>>) target(%arg5 : memref<512xi32, #tpu.memory_space<vmem>>) target_semaphore(%run_scoped3A : memref<!tpu.dma_semaphore, #tpu.memory_space<semaphore_mem>>)
      %dma_wait3A_131 = tpu.memref_slice %arg3[%add3A_10] : memref<262144xi32, #tpu.memory_space<hbm>> -> memref<512xi32, #tpu.memory_space<hbm>>
      %dma_wait3A_132 = tpu.memref_slice %arg3[%add3A_10] : memref<262144xi32, #tpu.memory_space<hbm>> -> memref<512xi32, #tpu.memory_space<hbm>>
      tpu.wait_dma2 semaphore(%run_scoped3A : memref<!tpu.dma_semaphore, #tpu.memory_space<semaphore_mem>>) src(%dma_wait3A_132 : memref<512xi32, #tpu.memory_space<hbm>>) dst(%arg5 : memref<512xi32, #tpu.memory_space<vmem>>)
      tpu.yield
    }) : () -> ()
    %dma_start3A_11 = arith.constant 0 : i32
    %dma_start3A_12 = arith.constant 0 : i32
    %dma_start3A_13 = tpu.memref_slice %arg2[%dma_start3A_11, %dma_start3A_12] : memref<262144x128xf32, #tpu.memory_space<hbm>> -> memref<262144x128xf32, #tpu.memory_space<hbm>>
    tpu.enqueue_indirect_dma source(%dma_start3A_13 : memref<262144x128xf32, #tpu.memory_space<hbm>>) target(%arg6 : memref<512x128xf32, #tpu.memory_space<vmem>>) offsets(%arg5 : memref<512xi32, #tpu.memory_space<vmem>>) semaphore(%arg7 : memref<!tpu.dma_semaphore, #tpu.memory_space<semaphore_mem>>)
    %dma_wait3A_14 = arith.constant 0 : i32
    %dma_wait3A_15 = arith.constant 0 : i32
    %dma_wait3A_16 = tpu.memref_slice %arg2[%dma_wait3A_14, %dma_wait3A_15] : memref<262144x128xf32, #tpu.memory_space<hbm>> -> memref<262144x128xf32, #tpu.memory_space<hbm>>
    tpu.wait_indirect_dma semaphore(%arg7 : memref<!tpu.dma_semaphore, #tpu.memory_space<semaphore_mem>>) src(%dma_wait3A_16 : memref<262144x128xf32, #tpu.memory_space<hbm>>) dst(%arg6 : memref<512x128xf32, #tpu.memory_space<vmem>>)
    "tpu.region"() ({
      %run_scoped3A = tpu.sem_alloc : memref<!tpu.dma_semaphore, #tpu.memory_space<semaphore_mem>>
      %dma_start3A_129 = arith.constant 0 : i32
      %dma_start3A_130 = tpu.memref_slice %arg4[%add3A_10, %dma_start3A_129] : memref<262144x128xf32, #tpu.memory_space<hbm>> -> memref<512x128xf32, #tpu.memory_space<hbm>>
      %dma_start3A_131 = arith.constant 0 : i32
      %dma_start3A_132 = tpu.memref_slice %arg4[%add3A_10, %dma_start3A_131] : memref<262144x128xf32, #tpu.memory_space<hbm>> -> memref<512x128xf32, #tpu.memory_space<hbm>>
      tpu.enqueue_dma source(%arg6 : memref<512x128xf32, #tpu.memory_space<vmem>>) target(%dma_start3A_132 : memref<512x128xf32, #tpu.memory_space<hbm>>) target_semaphore(%run_scoped3A : memref<!tpu.dma_semaphore, #tpu.memory_space<semaphore_mem>>)
      %dma_wait3A_133 = arith.constant 0 : i32
      %dma_wait3A_134 = tpu.memref_slice %arg4[%add3A_10, %dma_wait3A_133] : memref<262144x128xf32, #tpu.memory_space<hbm>> -> memref<512x128xf32, #tpu.memory_space<hbm>>
      %dma_wait3A_135 = arith.constant 0 : i32
      %dma_wait3A_136 = tpu.memref_slice %arg4[%add3A_10, %dma_wait3A_135] : memref<262144x128xf32, #tpu.memory_space<hbm>> -> memref<512x128xf32, #tpu.memory_space<hbm>>
      tpu.wait_dma2 semaphore(%run_scoped3A : memref<!tpu.dma_semaphore, #tpu.memory_space<semaphore_mem>>) src(%arg6 : memref<512x128xf32, #tpu.memory_space<vmem>>) dst(%dma_wait3A_136 : memref<512x128xf32, #tpu.memory_space<hbm>>)
      tpu.yield
    }) : () -> ()
    %add3A_17 = arith.constant 1024 : i32
    %add3A_18 = arith.addi %mul3A_2, %add3A_17 : i32
    "tpu.region"() ({
      %run_scoped3A = tpu.sem_alloc : memref<!tpu.dma_semaphore, #tpu.memory_space<semaphore_mem>>
      %dma_start3A_129 = tpu.memref_slice %arg3[%add3A_18] : memref<262144xi32, #tpu.memory_space<hbm>> -> memref<512xi32, #tpu.memory_space<hbm>>
      %dma_start3A_130 = tpu.memref_slice %arg3[%add3A_18] : memref<262144xi32, #tpu.memory_space<hbm>> -> memref<512xi32, #tpu.memory_space<hbm>>
      tpu.enqueue_dma source(%dma_start3A_130 : memref<512xi32, #tpu.memory_space<hbm>>) target(%arg5 : memref<512xi32, #tpu.memory_space<vmem>>) target_semaphore(%run_scoped3A : memref<!tpu.dma_semaphore, #tpu.memory_space<semaphore_mem>>)
      %dma_wait3A_131 = tpu.memref_slice %arg3[%add3A_18] : memref<262144xi32, #tpu.memory_space<hbm>> -> memref<512xi32, #tpu.memory_space<hbm>>
      %dma_wait3A_132 = tpu.memref_slice %arg3[%add3A_18] : memref<262144xi32, #tpu.memory_space<hbm>> -> memref<512xi32, #tpu.memory_space<hbm>>
      tpu.wait_dma2 semaphore(%run_scoped3A : memref<!tpu.dma_semaphore, #tpu.memory_space<semaphore_mem>>) src(%dma_wait3A_132 : memref<512xi32, #tpu.memory_space<hbm>>) dst(%arg5 : memref<512xi32, #tpu.memory_space<vmem>>)
      tpu.yield
    }) : () -> ()
    %dma_start3A_19 = arith.constant 0 : i32
    %dma_start3A_20 = arith.constant 0 : i32
    %dma_start3A_21 = tpu.memref_slice %arg2[%dma_start3A_19, %dma_start3A_20] : memref<262144x128xf32, #tpu.memory_space<hbm>> -> memref<262144x128xf32, #tpu.memory_space<hbm>>
    tpu.enqueue_indirect_dma source(%dma_start3A_21 : memref<262144x128xf32, #tpu.memory_space<hbm>>) target(%arg6 : memref<512x128xf32, #tpu.memory_space<vmem>>) offsets(%arg5 : memref<512xi32, #tpu.memory_space<vmem>>) semaphore(%arg7 : memref<!tpu.dma_semaphore, #tpu.memory_space<semaphore_mem>>)
    %dma_wait3A_22 = arith.constant 0 : i32
    %dma_wait3A_23 = arith.constant 0 : i32
    %dma_wait3A_24 = tpu.memref_slice %arg2[%dma_wait3A_22, %dma_wait3A_23] : memref<262144x128xf32, #tpu.memory_space<hbm>> -> memref<262144x128xf32, #tpu.memory_space<hbm>>
    tpu.wait_indirect_dma semaphore(%arg7 : memref<!tpu.dma_semaphore, #tpu.memory_space<semaphore_mem>>) src(%dma_wait3A_24 : memref<262144x128xf32, #tpu.memory_space<hbm>>) dst(%arg6 : memref<512x128xf32, #tpu.memory_space<vmem>>)
    "tpu.region"() ({
      %run_scoped3A = tpu.sem_alloc : memref<!tpu.dma_semaphore, #tpu.memory_space<semaphore_mem>>
      %dma_start3A_129 = arith.constant 0 : i32
      %dma_start3A_130 = tpu.memref_slice %arg4[%add3A_18, %dma_start3A_129] : memref<262144x128xf32, #tpu.memory_space<hbm>> -> memref<512x128xf32, #tpu.memory_space<hbm>>
      %dma_start3A_131 = arith.constant 0 : i32
      %dma_start3A_132 = tpu.memref_slice %arg4[%add3A_18, %dma_start3A_131] : memref<262144x128xf32, #tpu.memory_space<hbm>> -> memref<512x128xf32, #tpu.memory_space<hbm>>
      tpu.enqueue_dma source(%arg6 : memref<512x128xf32, #tpu.memory_space<vmem>>) target(%dma_start3A_132 : memref<512x128xf32, #tpu.memory_space<hbm>>) target_semaphore(%run_scoped3A : memref<!tpu.dma_semaphore, #tpu.memory_space<semaphore_mem>>)
      %dma_wait3A_133 = arith.constant 0 : i32
      %dma_wait3A_134 = tpu.memref_slice %arg4[%add3A_18, %dma_wait3A_133] : memref<262144x128xf32, #tpu.memory_space<hbm>> -> memref<512x128xf32, #tpu.memory_space<hbm>>
      %dma_wait3A_135 = arith.constant 0 : i32
      %dma_wait3A_136 = tpu.memref_slice %arg4[%add3A_18, %dma_wait3A_135] : memref<262144x128xf32, #tpu.memory_space<hbm>> -> memref<512x128xf32, #tpu.memory_space<hbm>>
      tpu.wait_dma2 semaphore(%run_scoped3A : memref<!tpu.dma_semaphore, #tpu.memory_space<semaphore_mem>>) src(%arg6 : memref<512x128xf32, #tpu.memory_space<vmem>>) dst(%dma_wait3A_136 : memref<512x128xf32, #tpu.memory_space<hbm>>)
      tpu.yield
    }) : () -> ()
    %add3A_25 = arith.constant 1536 : i32
    %add3A_26 = arith.addi %mul3A_2, %add3A_25 : i32
    "tpu.region"() ({
      %run_scoped3A = tpu.sem_alloc : memref<!tpu.dma_semaphore, #tpu.memory_space<semaphore_mem>>
      %dma_start3A_129 = tpu.memref_slice %arg3[%add3A_26] : memref<262144xi32, #tpu.memory_space<hbm>> -> memref<512xi32, #tpu.memory_space<hbm>>
      %dma_start3A_130 = tpu.memref_slice %arg3[%add3A_26] : memref<262144xi32, #tpu.memory_space<hbm>> -> memref<512xi32, #tpu.memory_space<hbm>>
      tpu.enqueue_dma source(%dma_start3A_130 : memref<512xi32, #tpu.memory_space<hbm>>) target(%arg5 : memref<512xi32, #tpu.memory_space<vmem>>) target_semaphore(%run_scoped3A : memref<!tpu.dma_semaphore, #tpu.memory_space<semaphore_mem>>)
      %dma_wait3A_131 = tpu.memref_slice %arg3[%add3A_26] : memref<262144xi32, #tpu.memory_space<hbm>> -> memref<512xi32, #tpu.memory_space<hbm>>
      %dma_wait3A_132 = tpu.memref_slice %arg3[%add3A_26] : memref<262144xi32, #tpu.memory_space<hbm>> -> memref<512xi32, #tpu.memory_space<hbm>>
      tpu.wait_dma2 semaphore(%run_scoped3A : memref<!tpu.dma_semaphore, #tpu.memory_space<semaphore_mem>>) src(%dma_wait3A_132 : memref<512xi32, #tpu.memory_space<hbm>>) dst(%arg5 : memref<512xi32, #tpu.memory_space<vmem>>)
      tpu.yield
    }) : () -> ()
    %dma_start3A_27 = arith.constant 0 : i32
    %dma_start3A_28 = arith.constant 0 : i32
    %dma_start3A_29 = tpu.memref_slice %arg2[%dma_start3A_27, %dma_start3A_28] : memref<262144x128xf32, #tpu.memory_space<hbm>> -> memref<262144x128xf32, #tpu.memory_space<hbm>>
    tpu.enqueue_indirect_dma source(%dma_start3A_29 : memref<262144x128xf32, #tpu.memory_space<hbm>>) target(%arg6 : memref<512x128xf32, #tpu.memory_space<vmem>>) offsets(%arg5 : memref<512xi32, #tpu.memory_space<vmem>>) semaphore(%arg7 : memref<!tpu.dma_semaphore, #tpu.memory_space<semaphore_mem>>)
    %dma_wait3A_30 = arith.constant 0 : i32
    %dma_wait3A_31 = arith.constant 0 : i32
    %dma_wait3A_32 = tpu.memref_slice %arg2[%dma_wait3A_30, %dma_wait3A_31] : memref<262144x128xf32, #tpu.memory_space<hbm>> -> memref<262144x128xf32, #tpu.memory_space<hbm>>
    tpu.wait_indirect_dma semaphore(%arg7 : memref<!tpu.dma_semaphore, #tpu.memory_space<semaphore_mem>>) src(%dma_wait3A_32 : memref<262144x128xf32, #tpu.memory_space<hbm>>) dst(%arg6 : memref<512x128xf32, #tpu.memory_space<vmem>>)
    "tpu.region"() ({
      %run_scoped3A = tpu.sem_alloc : memref<!tpu.dma_semaphore, #tpu.memory_space<semaphore_mem>>
      %dma_start3A_129 = arith.constant 0 : i32
      %dma_start3A_130 = tpu.memref_slice %arg4[%add3A_26, %dma_start3A_129] : memref<262144x128xf32, #tpu.memory_space<hbm>> -> memref<512x128xf32, #tpu.memory_space<hbm>>
      %dma_start3A_131 = arith.constant 0 : i32
      %dma_start3A_132 = tpu.memref_slice %arg4[%add3A_26, %dma_start3A_131] : memref<262144x128xf32, #tpu.memory_space<hbm>> -> memref<512x128xf32, #tpu.memory_space<hbm>>
      tpu.enqueue_dma source(%arg6 : memref<512x128xf32, #tpu.memory_space<vmem>>) target(%dma_start3A_132 : memref<512x128xf32, #tpu.memory_space<hbm>>) target_semaphore(%run_scoped3A : memref<!tpu.dma_semaphore, #tpu.memory_space<semaphore_mem>>)
      %dma_wait3A_133 = arith.constant 0 : i32
      %dma_wait3A_134 = tpu.memref_slice %arg4[%add3A_26, %dma_wait3A_133] : memref<262144x128xf32, #tpu.memory_space<hbm>> -> memref<512x128xf32, #tpu.memory_space<hbm>>
      %dma_wait3A_135 = arith.constant 0 : i32
      %dma_wait3A_136 = tpu.memref_slice %arg4[%add3A_26, %dma_wait3A_135] : memref<262144x128xf32, #tpu.memory_space<hbm>> -> memref<512x128xf32, #tpu.memory_space<hbm>>
      tpu.wait_dma2 semaphore(%run_scoped3A : memref<!tpu.dma_semaphore, #tpu.memory_space<semaphore_mem>>) src(%arg6 : memref<512x128xf32, #tpu.memory_space<vmem>>) dst(%dma_wait3A_136 : memref<512x128xf32, #tpu.memory_space<hbm>>)
      tpu.yield
    }) : () -> ()
    %add3A_33 = arith.constant 2048 : i32
    %add3A_34 = arith.addi %mul3A_2, %add3A_33 : i32
    "tpu.region"() ({
      %run_scoped3A = tpu.sem_alloc : memref<!tpu.dma_semaphore, #tpu.memory_space<semaphore_mem>>
      %dma_start3A_129 = tpu.memref_slice %arg3[%add3A_34] : memref<262144xi32, #tpu.memory_space<hbm>> -> memref<512xi32, #tpu.memory_space<hbm>>
      %dma_start3A_130 = tpu.memref_slice %arg3[%add3A_34] : memref<262144xi32, #tpu.memory_space<hbm>> -> memref<512xi32, #tpu.memory_space<hbm>>
      tpu.enqueue_dma source(%dma_start3A_130 : memref<512xi32, #tpu.memory_space<hbm>>) target(%arg5 : memref<512xi32, #tpu.memory_space<vmem>>) target_semaphore(%run_scoped3A : memref<!tpu.dma_semaphore, #tpu.memory_space<semaphore_mem>>)
      %dma_wait3A_131 = tpu.memref_slice %arg3[%add3A_34] : memref<262144xi32, #tpu.memory_space<hbm>> -> memref<512xi32, #tpu.memory_space<hbm>>
      %dma_wait3A_132 = tpu.memref_slice %arg3[%add3A_34] : memref<262144xi32, #tpu.memory_space<hbm>> -> memref<512xi32, #tpu.memory_space<hbm>>
      tpu.wait_dma2 semaphore(%run_scoped3A : memref<!tpu.dma_semaphore, #tpu.memory_space<semaphore_mem>>) src(%dma_wait3A_132 : memref<512xi32, #tpu.memory_space<hbm>>) dst(%arg5 : memref<512xi32, #tpu.memory_space<vmem>>)
      tpu.yield
    }) : () -> ()
    %dma_start3A_35 = arith.constant 0 : i32
    %dma_start3A_36 = arith.constant 0 : i32
    %dma_start3A_37 = tpu.memref_slice %arg2[%dma_start3A_35, %dma_start3A_36] : memref<262144x128xf32, #tpu.memory_space<hbm>> -> memref<262144x128xf32, #tpu.memory_space<hbm>>
    tpu.enqueue_indirect_dma source(%dma_start3A_37 : memref<262144x128xf32, #tpu.memory_space<hbm>>) target(%arg6 : memref<512x128xf32, #tpu.memory_space<vmem>>) offsets(%arg5 : memref<512xi32, #tpu.memory_space<vmem>>) semaphore(%arg7 : memref<!tpu.dma_semaphore, #tpu.memory_space<semaphore_mem>>)
    %dma_wait3A_38 = arith.constant 0 : i32
    %dma_wait3A_39 = arith.constant 0 : i32
    %dma_wait3A_40 = tpu.memref_slice %arg2[%dma_wait3A_38, %dma_wait3A_39] : memref<262144x128xf32, #tpu.memory_space<hbm>> -> memref<262144x128xf32, #tpu.memory_space<hbm>>
    tpu.wait_indirect_dma semaphore(%arg7 : memref<!tpu.dma_semaphore, #tpu.memory_space<semaphore_mem>>) src(%dma_wait3A_40 : memref<262144x128xf32, #tpu.memory_space<hbm>>) dst(%arg6 : memref<512x128xf32, #tpu.memory_space<vmem>>)
    "tpu.region"() ({
      %run_scoped3A = tpu.sem_alloc : memref<!tpu.dma_semaphore, #tpu.memory_space<semaphore_mem>>
      %dma_start3A_129 = arith.constant 0 : i32
      %dma_start3A_130 = tpu.memref_slice %arg4[%add3A_34, %dma_start3A_129] : memref<262144x128xf32, #tpu.memory_space<hbm>> -> memref<512x128xf32, #tpu.memory_space<hbm>>
      %dma_start3A_131 = arith.constant 0 : i32
      %dma_start3A_132 = tpu.memref_slice %arg4[%add3A_34, %dma_start3A_131] : memref<262144x128xf32, #tpu.memory_space<hbm>> -> memref<512x128xf32, #tpu.memory_space<hbm>>
      tpu.enqueue_dma source(%arg6 : memref<512x128xf32, #tpu.memory_space<vmem>>) target(%dma_start3A_132 : memref<512x128xf32, #tpu.memory_space<hbm>>) target_semaphore(%run_scoped3A : memref<!tpu.dma_semaphore, #tpu.memory_space<semaphore_mem>>)
      %dma_wait3A_133 = arith.constant 0 : i32
      %dma_wait3A_134 = tpu.memref_slice %arg4[%add3A_34, %dma_wait3A_133] : memref<262144x128xf32, #tpu.memory_space<hbm>> -> memref<512x128xf32, #tpu.memory_space<hbm>>
      %dma_wait3A_135 = arith.constant 0 : i32
      %dma_wait3A_136 = tpu.memref_slice %arg4[%add3A_34, %dma_wait3A_135] : memref<262144x128xf32, #tpu.memory_space<hbm>> -> memref<512x128xf32, #tpu.memory_space<hbm>>
      tpu.wait_dma2 semaphore(%run_scoped3A : memref<!tpu.dma_semaphore, #tpu.memory_space<semaphore_mem>>) src(%arg6 : memref<512x128xf32, #tpu.memory_space<vmem>>) dst(%dma_wait3A_136 : memref<512x128xf32, #tpu.memory_space<hbm>>)
      tpu.yield
    }) : () -> ()
    %add3A_41 = arith.constant 2560 : i32
    %add3A_42 = arith.addi %mul3A_2, %add3A_41 : i32
    "tpu.region"() ({
      %run_scoped3A = tpu.sem_alloc : memref<!tpu.dma_semaphore, #tpu.memory_space<semaphore_mem>>
      %dma_start3A_129 = tpu.memref_slice %arg3[%add3A_42] : memref<262144xi32, #tpu.memory_space<hbm>> -> memref<512xi32, #tpu.memory_space<hbm>>
      %dma_start3A_130 = tpu.memref_slice %arg3[%add3A_42] : memref<262144xi32, #tpu.memory_space<hbm>> -> memref<512xi32, #tpu.memory_space<hbm>>
      tpu.enqueue_dma source(%dma_start3A_130 : memref<512xi32, #tpu.memory_space<hbm>>) target(%arg5 : memref<512xi32, #tpu.memory_space<vmem>>) target_semaphore(%run_scoped3A : memref<!tpu.dma_semaphore, #tpu.memory_space<semaphore_mem>>)
      %dma_wait3A_131 = tpu.memref_slice %arg3[%add3A_42] : memref<262144xi32, #tpu.memory_space<hbm>> -> memref<512xi32, #tpu.memory_space<hbm>>
      %dma_wait3A_132 = tpu.memref_slice %arg3[%add3A_42] : memref<262144xi32, #tpu.memory_space<hbm>> -> memref<512xi32, #tpu.memory_space<hbm>>
      tpu.wait_dma2 semaphore(%run_scoped3A : memref<!tpu.dma_semaphore, #tpu.memory_space<semaphore_mem>>) src(%dma_wait3A_132 : memref<512xi32, #tpu.memory_space<hbm>>) dst(%arg5 : memref<512xi32, #tpu.memory_space<vmem>>)
      tpu.yield
    }) : () -> ()
    %dma_start3A_43 = arith.constant 0 : i32
    %dma_start3A_44 = arith.constant 0 : i32
    %dma_start3A_45 = tpu.memref_slice %arg2[%dma_start3A_43, %dma_start3A_44] : memref<262144x128xf32, #tpu.memory_space<hbm>> -> memref<262144x128xf32, #tpu.memory_space<hbm>>
    tpu.enqueue_indirect_dma source(%dma_start3A_45 : memref<262144x128xf32, #tpu.memory_space<hbm>>) target(%arg6 : memref<512x128xf32, #tpu.memory_space<vmem>>) offsets(%arg5 : memref<512xi32, #tpu.memory_space<vmem>>) semaphore(%arg7 : memref<!tpu.dma_semaphore, #tpu.memory_space<semaphore_mem>>)
    %dma_wait3A_46 = arith.constant 0 : i32
    %dma_wait3A_47 = arith.constant 0 : i32
    %dma_wait3A_48 = tpu.memref_slice %arg2[%dma_wait3A_46, %dma_wait3A_47] : memref<262144x128xf32, #tpu.memory_space<hbm>> -> memref<262144x128xf32, #tpu.memory_space<hbm>>
    tpu.wait_indirect_dma semaphore(%arg7 : memref<!tpu.dma_semaphore, #tpu.memory_space<semaphore_mem>>) src(%dma_wait3A_48 : memref<262144x128xf32, #tpu.memory_space<hbm>>) dst(%arg6 : memref<512x128xf32, #tpu.memory_space<vmem>>)
    "tpu.region"() ({
      %run_scoped3A = tpu.sem_alloc : memref<!tpu.dma_semaphore, #tpu.memory_space<semaphore_mem>>
      %dma_start3A_129 = arith.constant 0 : i32
      %dma_start3A_130 = tpu.memref_slice %arg4[%add3A_42, %dma_start3A_129] : memref<262144x128xf32, #tpu.memory_space<hbm>> -> memref<512x128xf32, #tpu.memory_space<hbm>>
      %dma_start3A_131 = arith.constant 0 : i32
      %dma_start3A_132 = tpu.memref_slice %arg4[%add3A_42, %dma_start3A_131] : memref<262144x128xf32, #tpu.memory_space<hbm>> -> memref<512x128xf32, #tpu.memory_space<hbm>>
      tpu.enqueue_dma source(%arg6 : memref<512x128xf32, #tpu.memory_space<vmem>>) target(%dma_start3A_132 : memref<512x128xf32, #tpu.memory_space<hbm>>) target_semaphore(%run_scoped3A : memref<!tpu.dma_semaphore, #tpu.memory_space<semaphore_mem>>)
      %dma_wait3A_133 = arith.constant 0 : i32
      %dma_wait3A_134 = tpu.memref_slice %arg4[%add3A_42, %dma_wait3A_133] : memref<262144x128xf32, #tpu.memory_space<hbm>> -> memref<512x128xf32, #tpu.memory_space<hbm>>
      %dma_wait3A_135 = arith.constant 0 : i32
      %dma_wait3A_136 = tpu.memref_slice %arg4[%add3A_42, %dma_wait3A_135] : memref<262144x128xf32, #tpu.memory_space<hbm>> -> memref<512x128xf32, #tpu.memory_space<hbm>>
      tpu.wait_dma2 semaphore(%run_scoped3A : memref<!tpu.dma_semaphore, #tpu.memory_space<semaphore_mem>>) src(%arg6 : memref<512x128xf32, #tpu.memory_space<vmem>>) dst(%dma_wait3A_136 : memref<512x128xf32, #tpu.memory_space<hbm>>)
      tpu.yield
    }) : () -> ()
    %add3A_49 = arith.constant 3072 : i32
    %add3A_50 = arith.addi %mul3A_2, %add3A_49 : i32
    "tpu.region"() ({
      %run_scoped3A = tpu.sem_alloc : memref<!tpu.dma_semaphore, #tpu.memory_space<semaphore_mem>>
      %dma_start3A_129 = tpu.memref_slice %arg3[%add3A_50] : memref<262144xi32, #tpu.memory_space<hbm>> -> memref<512xi32, #tpu.memory_space<hbm>>
      %dma_start3A_130 = tpu.memref_slice %arg3[%add3A_50] : memref<262144xi32, #tpu.memory_space<hbm>> -> memref<512xi32, #tpu.memory_space<hbm>>
      tpu.enqueue_dma source(%dma_start3A_130 : memref<512xi32, #tpu.memory_space<hbm>>) target(%arg5 : memref<512xi32, #tpu.memory_space<vmem>>) target_semaphore(%run_scoped3A : memref<!tpu.dma_semaphore, #tpu.memory_space<semaphore_mem>>)
      %dma_wait3A_131 = tpu.memref_slice %arg3[%add3A_50] : memref<262144xi32, #tpu.memory_space<hbm>> -> memref<512xi32, #tpu.memory_space<hbm>>
      %dma_wait3A_132 = tpu.memref_slice %arg3[%add3A_50] : memref<262144xi32, #tpu.memory_space<hbm>> -> memref<512xi32, #tpu.memory_space<hbm>>
      tpu.wait_dma2 semaphore(%run_scoped3A : memref<!tpu.dma_semaphore, #tpu.memory_space<semaphore_mem>>) src(%dma_wait3A_132 : memref<512xi32, #tpu.memory_space<hbm>>) dst(%arg5 : memref<512xi32, #tpu.memory_space<vmem>>)
      tpu.yield
    }) : () -> ()
    %dma_start3A_51 = arith.constant 0 : i32
    %dma_start3A_52 = arith.constant 0 : i32
    %dma_start3A_53 = tpu.memref_slice %arg2[%dma_start3A_51, %dma_start3A_52] : memref<262144x128xf32, #tpu.memory_space<hbm>> -> memref<262144x128xf32, #tpu.memory_space<hbm>>
    tpu.enqueue_indirect_dma source(%dma_start3A_53 : memref<262144x128xf32, #tpu.memory_space<hbm>>) target(%arg6 : memref<512x128xf32, #tpu.memory_space<vmem>>) offsets(%arg5 : memref<512xi32, #tpu.memory_space<vmem>>) semaphore(%arg7 : memref<!tpu.dma_semaphore, #tpu.memory_space<semaphore_mem>>)
    %dma_wait3A_54 = arith.constant 0 : i32
    %dma_wait3A_55 = arith.constant 0 : i32
    %dma_wait3A_56 = tpu.memref_slice %arg2[%dma_wait3A_54, %dma_wait3A_55] : memref<262144x128xf32, #tpu.memory_space<hbm>> -> memref<262144x128xf32, #tpu.memory_space<hbm>>
    tpu.wait_indirect_dma semaphore(%arg7 : memref<!tpu.dma_semaphore, #tpu.memory_space<semaphore_mem>>) src(%dma_wait3A_56 : memref<262144x128xf32, #tpu.memory_space<hbm>>) dst(%arg6 : memref<512x128xf32, #tpu.memory_space<vmem>>)
    "tpu.region"() ({
      %run_scoped3A = tpu.sem_alloc : memref<!tpu.dma_semaphore, #tpu.memory_space<semaphore_mem>>
      %dma_start3A_129 = arith.constant 0 : i32
      %dma_start3A_130 = tpu.memref_slice %arg4[%add3A_50, %dma_start3A_129] : memref<262144x128xf32, #tpu.memory_space<hbm>> -> memref<512x128xf32, #tpu.memory_space<hbm>>
      %dma_start3A_131 = arith.constant 0 : i32
      %dma_start3A_132 = tpu.memref_slice %arg4[%add3A_50, %dma_start3A_131] : memref<262144x128xf32, #tpu.memory_space<hbm>> -> memref<512x128xf32, #tpu.memory_space<hbm>>
      tpu.enqueue_dma source(%arg6 : memref<512x128xf32, #tpu.memory_space<vmem>>) target(%dma_start3A_132 : memref<512x128xf32, #tpu.memory_space<hbm>>) target_semaphore(%run_scoped3A : memref<!tpu.dma_semaphore, #tpu.memory_space<semaphore_mem>>)
      %dma_wait3A_133 = arith.constant 0 : i32
      %dma_wait3A_134 = tpu.memref_slice %arg4[%add3A_50, %dma_wait3A_133] : memref<262144x128xf32, #tpu.memory_space<hbm>> -> memref<512x128xf32, #tpu.memory_space<hbm>>
      %dma_wait3A_135 = arith.constant 0 : i32
      %dma_wait3A_136 = tpu.memref_slice %arg4[%add3A_50, %dma_wait3A_135] : memref<262144x128xf32, #tpu.memory_space<hbm>> -> memref<512x128xf32, #tpu.memory_space<hbm>>
      tpu.wait_dma2 semaphore(%run_scoped3A : memref<!tpu.dma_semaphore, #tpu.memory_space<semaphore_mem>>) src(%arg6 : memref<512x128xf32, #tpu.memory_space<vmem>>) dst(%dma_wait3A_136 : memref<512x128xf32, #tpu.memory_space<hbm>>)
      tpu.yield
    }) : () -> ()
    %add3A_57 = arith.constant 3584 : i32
    %add3A_58 = arith.addi %mul3A_2, %add3A_57 : i32
    "tpu.region"() ({
      %run_scoped3A = tpu.sem_alloc : memref<!tpu.dma_semaphore, #tpu.memory_space<semaphore_mem>>
      %dma_start3A_129 = tpu.memref_slice %arg3[%add3A_58] : memref<262144xi32, #tpu.memory_space<hbm>> -> memref<512xi32, #tpu.memory_space<hbm>>
      %dma_start3A_130 = tpu.memref_slice %arg3[%add3A_58] : memref<262144xi32, #tpu.memory_space<hbm>> -> memref<512xi32, #tpu.memory_space<hbm>>
      tpu.enqueue_dma source(%dma_start3A_130 : memref<512xi32, #tpu.memory_space<hbm>>) target(%arg5 : memref<512xi32, #tpu.memory_space<vmem>>) target_semaphore(%run_scoped3A : memref<!tpu.dma_semaphore, #tpu.memory_space<semaphore_mem>>)
      %dma_wait3A_131 = tpu.memref_slice %arg3[%add3A_58] : memref<262144xi32, #tpu.memory_space<hbm>> -> memref<512xi32, #tpu.memory_space<hbm>>
      %dma_wait3A_132 = tpu.memref_slice %arg3[%add3A_58] : memref<262144xi32, #tpu.memory_space<hbm>> -> memref<512xi32, #tpu.memory_space<hbm>>
      tpu.wait_dma2 semaphore(%run_scoped3A : memref<!tpu.dma_semaphore, #tpu.memory_space<semaphore_mem>>) src(%dma_wait3A_132 : memref<512xi32, #tpu.memory_space<hbm>>) dst(%arg5 : memref<512xi32, #tpu.memory_space<vmem>>)
      tpu.yield
    }) : () -> ()
    %dma_start3A_59 = arith.constant 0 : i32
    %dma_start3A_60 = arith.constant 0 : i32
    %dma_start3A_61 = tpu.memref_slice %arg2[%dma_start3A_59, %dma_start3A_60] : memref<262144x128xf32, #tpu.memory_space<hbm>> -> memref<262144x128xf32, #tpu.memory_space<hbm>>
    tpu.enqueue_indirect_dma source(%dma_start3A_61 : memref<262144x128xf32, #tpu.memory_space<hbm>>) target(%arg6 : memref<512x128xf32, #tpu.memory_space<vmem>>) offsets(%arg5 : memref<512xi32, #tpu.memory_space<vmem>>) semaphore(%arg7 : memref<!tpu.dma_semaphore, #tpu.memory_space<semaphore_mem>>)
    %dma_wait3A_62 = arith.constant 0 : i32
    %dma_wait3A_63 = arith.constant 0 : i32
    %dma_wait3A_64 = tpu.memref_slice %arg2[%dma_wait3A_62, %dma_wait3A_63] : memref<262144x128xf32, #tpu.memory_space<hbm>> -> memref<262144x128xf32, #tpu.memory_space<hbm>>
    tpu.wait_indirect_dma semaphore(%arg7 : memref<!tpu.dma_semaphore, #tpu.memory_space<semaphore_mem>>) src(%dma_wait3A_64 : memref<262144x128xf32, #tpu.memory_space<hbm>>) dst(%arg6 : memref<512x128xf32, #tpu.memory_space<vmem>>)
    "tpu.region"() ({
      %run_scoped3A = tpu.sem_alloc : memref<!tpu.dma_semaphore, #tpu.memory_space<semaphore_mem>>
      %dma_start3A_129 = arith.constant 0 : i32
      %dma_start3A_130 = tpu.memref_slice %arg4[%add3A_58, %dma_start3A_129] : memref<262144x128xf32, #tpu.memory_space<hbm>> -> memref<512x128xf32, #tpu.memory_space<hbm>>
      %dma_start3A_131 = arith.constant 0 : i32
      %dma_start3A_132 = tpu.memref_slice %arg4[%add3A_58, %dma_start3A_131] : memref<262144x128xf32, #tpu.memory_space<hbm>> -> memref<512x128xf32, #tpu.memory_space<hbm>>
      tpu.enqueue_dma source(%arg6 : memref<512x128xf32, #tpu.memory_space<vmem>>) target(%dma_start3A_132 : memref<512x128xf32, #tpu.memory_space<hbm>>) target_semaphore(%run_scoped3A : memref<!tpu.dma_semaphore, #tpu.memory_space<semaphore_mem>>)
      %dma_wait3A_133 = arith.constant 0 : i32
      %dma_wait3A_134 = tpu.memref_slice %arg4[%add3A_58, %dma_wait3A_133] : memref<262144x128xf32, #tpu.memory_space<hbm>> -> memref<512x128xf32, #tpu.memory_space<hbm>>
      %dma_wait3A_135 = arith.constant 0 : i32
      %dma_wait3A_136 = tpu.memref_slice %arg4[%add3A_58, %dma_wait3A_135] : memref<262144x128xf32, #tpu.memory_space<hbm>> -> memref<512x128xf32, #tpu.memory_space<hbm>>
      tpu.wait_dma2 semaphore(%run_scoped3A : memref<!tpu.dma_semaphore, #tpu.memory_space<semaphore_mem>>) src(%arg6 : memref<512x128xf32, #tpu.memory_space<vmem>>) dst(%dma_wait3A_136 : memref<512x128xf32, #tpu.memory_space<hbm>>)
      tpu.yield
    }) : () -> ()
    %add3A_65 = arith.constant 4096 : i32
    %add3A_66 = arith.addi %mul3A_2, %add3A_65 : i32
    "tpu.region"() ({
      %run_scoped3A = tpu.sem_alloc : memref<!tpu.dma_semaphore, #tpu.memory_space<semaphore_mem>>
      %dma_start3A_129 = tpu.memref_slice %arg3[%add3A_66] : memref<262144xi32, #tpu.memory_space<hbm>> -> memref<512xi32, #tpu.memory_space<hbm>>
      %dma_start3A_130 = tpu.memref_slice %arg3[%add3A_66] : memref<262144xi32, #tpu.memory_space<hbm>> -> memref<512xi32, #tpu.memory_space<hbm>>
      tpu.enqueue_dma source(%dma_start3A_130 : memref<512xi32, #tpu.memory_space<hbm>>) target(%arg5 : memref<512xi32, #tpu.memory_space<vmem>>) target_semaphore(%run_scoped3A : memref<!tpu.dma_semaphore, #tpu.memory_space<semaphore_mem>>)
      %dma_wait3A_131 = tpu.memref_slice %arg3[%add3A_66] : memref<262144xi32, #tpu.memory_space<hbm>> -> memref<512xi32, #tpu.memory_space<hbm>>
      %dma_wait3A_132 = tpu.memref_slice %arg3[%add3A_66] : memref<262144xi32, #tpu.memory_space<hbm>> -> memref<512xi32, #tpu.memory_space<hbm>>
      tpu.wait_dma2 semaphore(%run_scoped3A : memref<!tpu.dma_semaphore, #tpu.memory_space<semaphore_mem>>) src(%dma_wait3A_132 : memref<512xi32, #tpu.memory_space<hbm>>) dst(%arg5 : memref<512xi32, #tpu.memory_space<vmem>>)
      tpu.yield
    }) : () -> ()
    %dma_start3A_67 = arith.constant 0 : i32
    %dma_start3A_68 = arith.constant 0 : i32
    %dma_start3A_69 = tpu.memref_slice %arg2[%dma_start3A_67, %dma_start3A_68] : memref<262144x128xf32, #tpu.memory_space<hbm>> -> memref<262144x128xf32, #tpu.memory_space<hbm>>
    tpu.enqueue_indirect_dma source(%dma_start3A_69 : memref<262144x128xf32, #tpu.memory_space<hbm>>) target(%arg6 : memref<512x128xf32, #tpu.memory_space<vmem>>) offsets(%arg5 : memref<512xi32, #tpu.memory_space<vmem>>) semaphore(%arg7 : memref<!tpu.dma_semaphore, #tpu.memory_space<semaphore_mem>>)
    %dma_wait3A_70 = arith.constant 0 : i32
    %dma_wait3A_71 = arith.constant 0 : i32
    %dma_wait3A_72 = tpu.memref_slice %arg2[%dma_wait3A_70, %dma_wait3A_71] : memref<262144x128xf32, #tpu.memory_space<hbm>> -> memref<262144x128xf32, #tpu.memory_space<hbm>>
    tpu.wait_indirect_dma semaphore(%arg7 : memref<!tpu.dma_semaphore, #tpu.memory_space<semaphore_mem>>) src(%dma_wait3A_72 : memref<262144x128xf32, #tpu.memory_space<hbm>>) dst(%arg6 : memref<512x128xf32, #tpu.memory_space<vmem>>)
    "tpu.region"() ({
      %run_scoped3A = tpu.sem_alloc : memref<!tpu.dma_semaphore, #tpu.memory_space<semaphore_mem>>
      %dma_start3A_129 = arith.constant 0 : i32
      %dma_start3A_130 = tpu.memref_slice %arg4[%add3A_66, %dma_start3A_129] : memref<262144x128xf32, #tpu.memory_space<hbm>> -> memref<512x128xf32, #tpu.memory_space<hbm>>
      %dma_start3A_131 = arith.constant 0 : i32
      %dma_start3A_132 = tpu.memref_slice %arg4[%add3A_66, %dma_start3A_131] : memref<262144x128xf32, #tpu.memory_space<hbm>> -> memref<512x128xf32, #tpu.memory_space<hbm>>
      tpu.enqueue_dma source(%arg6 : memref<512x128xf32, #tpu.memory_space<vmem>>) target(%dma_start3A_132 : memref<512x128xf32, #tpu.memory_space<hbm>>) target_semaphore(%run_scoped3A : memref<!tpu.dma_semaphore, #tpu.memory_space<semaphore_mem>>)
      %dma_wait3A_133 = arith.constant 0 : i32
      %dma_wait3A_134 = tpu.memref_slice %arg4[%add3A_66, %dma_wait3A_133] : memref<262144x128xf32, #tpu.memory_space<hbm>> -> memref<512x128xf32, #tpu.memory_space<hbm>>
      %dma_wait3A_135 = arith.constant 0 : i32
      %dma_wait3A_136 = tpu.memref_slice %arg4[%add3A_66, %dma_wait3A_135] : memref<262144x128xf32, #tpu.memory_space<hbm>> -> memref<512x128xf32, #tpu.memory_space<hbm>>
      tpu.wait_dma2 semaphore(%run_scoped3A : memref<!tpu.dma_semaphore, #tpu.memory_space<semaphore_mem>>) src(%arg6 : memref<512x128xf32, #tpu.memory_space<vmem>>) dst(%dma_wait3A_136 : memref<512x128xf32, #tpu.memory_space<hbm>>)
      tpu.yield
    }) : () -> ()
    %add3A_73 = arith.constant 4608 : i32
    %add3A_74 = arith.addi %mul3A_2, %add3A_73 : i32
    "tpu.region"() ({
      %run_scoped3A = tpu.sem_alloc : memref<!tpu.dma_semaphore, #tpu.memory_space<semaphore_mem>>
      %dma_start3A_129 = tpu.memref_slice %arg3[%add3A_74] : memref<262144xi32, #tpu.memory_space<hbm>> -> memref<512xi32, #tpu.memory_space<hbm>>
      %dma_start3A_130 = tpu.memref_slice %arg3[%add3A_74] : memref<262144xi32, #tpu.memory_space<hbm>> -> memref<512xi32, #tpu.memory_space<hbm>>
      tpu.enqueue_dma source(%dma_start3A_130 : memref<512xi32, #tpu.memory_space<hbm>>) target(%arg5 : memref<512xi32, #tpu.memory_space<vmem>>) target_semaphore(%run_scoped3A : memref<!tpu.dma_semaphore, #tpu.memory_space<semaphore_mem>>)
      %dma_wait3A_131 = tpu.memref_slice %arg3[%add3A_74] : memref<262144xi32, #tpu.memory_space<hbm>> -> memref<512xi32, #tpu.memory_space<hbm>>
      %dma_wait3A_132 = tpu.memref_slice %arg3[%add3A_74] : memref<262144xi32, #tpu.memory_space<hbm>> -> memref<512xi32, #tpu.memory_space<hbm>>
      tpu.wait_dma2 semaphore(%run_scoped3A : memref<!tpu.dma_semaphore, #tpu.memory_space<semaphore_mem>>) src(%dma_wait3A_132 : memref<512xi32, #tpu.memory_space<hbm>>) dst(%arg5 : memref<512xi32, #tpu.memory_space<vmem>>)
      tpu.yield
    }) : () -> ()
    %dma_start3A_75 = arith.constant 0 : i32
    %dma_start3A_76 = arith.constant 0 : i32
    %dma_start3A_77 = tpu.memref_slice %arg2[%dma_start3A_75, %dma_start3A_76] : memref<262144x128xf32, #tpu.memory_space<hbm>> -> memref<262144x128xf32, #tpu.memory_space<hbm>>
    tpu.enqueue_indirect_dma source(%dma_start3A_77 : memref<262144x128xf32, #tpu.memory_space<hbm>>) target(%arg6 : memref<512x128xf32, #tpu.memory_space<vmem>>) offsets(%arg5 : memref<512xi32, #tpu.memory_space<vmem>>) semaphore(%arg7 : memref<!tpu.dma_semaphore, #tpu.memory_space<semaphore_mem>>)
    %dma_wait3A_78 = arith.constant 0 : i32
    %dma_wait3A_79 = arith.constant 0 : i32
    %dma_wait3A_80 = tpu.memref_slice %arg2[%dma_wait3A_78, %dma_wait3A_79] : memref<262144x128xf32, #tpu.memory_space<hbm>> -> memref<262144x128xf32, #tpu.memory_space<hbm>>
    tpu.wait_indirect_dma semaphore(%arg7 : memref<!tpu.dma_semaphore, #tpu.memory_space<semaphore_mem>>) src(%dma_wait3A_80 : memref<262144x128xf32, #tpu.memory_space<hbm>>) dst(%arg6 : memref<512x128xf32, #tpu.memory_space<vmem>>)
    "tpu.region"() ({
      %run_scoped3A = tpu.sem_alloc : memref<!tpu.dma_semaphore, #tpu.memory_space<semaphore_mem>>
      %dma_start3A_129 = arith.constant 0 : i32
      %dma_start3A_130 = tpu.memref_slice %arg4[%add3A_74, %dma_start3A_129] : memref<262144x128xf32, #tpu.memory_space<hbm>> -> memref<512x128xf32, #tpu.memory_space<hbm>>
      %dma_start3A_131 = arith.constant 0 : i32
      %dma_start3A_132 = tpu.memref_slice %arg4[%add3A_74, %dma_start3A_131] : memref<262144x128xf32, #tpu.memory_space<hbm>> -> memref<512x128xf32, #tpu.memory_space<hbm>>
      tpu.enqueue_dma source(%arg6 : memref<512x128xf32, #tpu.memory_space<vmem>>) target(%dma_start3A_132 : memref<512x128xf32, #tpu.memory_space<hbm>>) target_semaphore(%run_scoped3A : memref<!tpu.dma_semaphore, #tpu.memory_space<semaphore_mem>>)
      %dma_wait3A_133 = arith.constant 0 : i32
      %dma_wait3A_134 = tpu.memref_slice %arg4[%add3A_74, %dma_wait3A_133] : memref<262144x128xf32, #tpu.memory_space<hbm>> -> memref<512x128xf32, #tpu.memory_space<hbm>>
      %dma_wait3A_135 = arith.constant 0 : i32
      %dma_wait3A_136 = tpu.memref_slice %arg4[%add3A_74, %dma_wait3A_135] : memref<262144x128xf32, #tpu.memory_space<hbm>> -> memref<512x128xf32, #tpu.memory_space<hbm>>
      tpu.wait_dma2 semaphore(%run_scoped3A : memref<!tpu.dma_semaphore, #tpu.memory_space<semaphore_mem>>) src(%arg6 : memref<512x128xf32, #tpu.memory_space<vmem>>) dst(%dma_wait3A_136 : memref<512x128xf32, #tpu.memory_space<hbm>>)
      tpu.yield
    }) : () -> ()
    %add3A_81 = arith.constant 5120 : i32
    %add3A_82 = arith.addi %mul3A_2, %add3A_81 : i32
    "tpu.region"() ({
      %run_scoped3A = tpu.sem_alloc : memref<!tpu.dma_semaphore, #tpu.memory_space<semaphore_mem>>
      %dma_start3A_129 = tpu.memref_slice %arg3[%add3A_82] : memref<262144xi32, #tpu.memory_space<hbm>> -> memref<512xi32, #tpu.memory_space<hbm>>
      %dma_start3A_130 = tpu.memref_slice %arg3[%add3A_82] : memref<262144xi32, #tpu.memory_space<hbm>> -> memref<512xi32, #tpu.memory_space<hbm>>
      tpu.enqueue_dma source(%dma_start3A_130 : memref<512xi32, #tpu.memory_space<hbm>>) target(%arg5 : memref<512xi32, #tpu.memory_space<vmem>>) target_semaphore(%run_scoped3A : memref<!tpu.dma_semaphore, #tpu.memory_space<semaphore_mem>>)
      %dma_wait3A_131 = tpu.memref_slice %arg3[%add3A_82] : memref<262144xi32, #tpu.memory_space<hbm>> -> memref<512xi32, #tpu.memory_space<hbm>>
      %dma_wait3A_132 = tpu.memref_slice %arg3[%add3A_82] : memref<262144xi32, #tpu.memory_space<hbm>> -> memref<512xi32, #tpu.memory_space<hbm>>
      tpu.wait_dma2 semaphore(%run_scoped3A : memref<!tpu.dma_semaphore, #tpu.memory_space<semaphore_mem>>) src(%dma_wait3A_132 : memref<512xi32, #tpu.memory_space<hbm>>) dst(%arg5 : memref<512xi32, #tpu.memory_space<vmem>>)
      tpu.yield
    }) : () -> ()
    %dma_start3A_83 = arith.constant 0 : i32
    %dma_start3A_84 = arith.constant 0 : i32
    %dma_start3A_85 = tpu.memref_slice %arg2[%dma_start3A_83, %dma_start3A_84] : memref<262144x128xf32, #tpu.memory_space<hbm>> -> memref<262144x128xf32, #tpu.memory_space<hbm>>
    tpu.enqueue_indirect_dma source(%dma_start3A_85 : memref<262144x128xf32, #tpu.memory_space<hbm>>) target(%arg6 : memref<512x128xf32, #tpu.memory_space<vmem>>) offsets(%arg5 : memref<512xi32, #tpu.memory_space<vmem>>) semaphore(%arg7 : memref<!tpu.dma_semaphore, #tpu.memory_space<semaphore_mem>>)
    %dma_wait3A_86 = arith.constant 0 : i32
    %dma_wait3A_87 = arith.constant 0 : i32
    %dma_wait3A_88 = tpu.memref_slice %arg2[%dma_wait3A_86, %dma_wait3A_87] : memref<262144x128xf32, #tpu.memory_space<hbm>> -> memref<262144x128xf32, #tpu.memory_space<hbm>>
    tpu.wait_indirect_dma semaphore(%arg7 : memref<!tpu.dma_semaphore, #tpu.memory_space<semaphore_mem>>) src(%dma_wait3A_88 : memref<262144x128xf32, #tpu.memory_space<hbm>>) dst(%arg6 : memref<512x128xf32, #tpu.memory_space<vmem>>)
    "tpu.region"() ({
      %run_scoped3A = tpu.sem_alloc : memref<!tpu.dma_semaphore, #tpu.memory_space<semaphore_mem>>
      %dma_start3A_129 = arith.constant 0 : i32
      %dma_start3A_130 = tpu.memref_slice %arg4[%add3A_82, %dma_start3A_129] : memref<262144x128xf32, #tpu.memory_space<hbm>> -> memref<512x128xf32, #tpu.memory_space<hbm>>
      %dma_start3A_131 = arith.constant 0 : i32
      %dma_start3A_132 = tpu.memref_slice %arg4[%add3A_82, %dma_start3A_131] : memref<262144x128xf32, #tpu.memory_space<hbm>> -> memref<512x128xf32, #tpu.memory_space<hbm>>
      tpu.enqueue_dma source(%arg6 : memref<512x128xf32, #tpu.memory_space<vmem>>) target(%dma_start3A_132 : memref<512x128xf32, #tpu.memory_space<hbm>>) target_semaphore(%run_scoped3A : memref<!tpu.dma_semaphore, #tpu.memory_space<semaphore_mem>>)
      %dma_wait3A_133 = arith.constant 0 : i32
      %dma_wait3A_134 = tpu.memref_slice %arg4[%add3A_82, %dma_wait3A_133] : memref<262144x128xf32, #tpu.memory_space<hbm>> -> memref<512x128xf32, #tpu.memory_space<hbm>>
      %dma_wait3A_135 = arith.constant 0 : i32
      %dma_wait3A_136 = tpu.memref_slice %arg4[%add3A_82, %dma_wait3A_135] : memref<262144x128xf32, #tpu.memory_space<hbm>> -> memref<512x128xf32, #tpu.memory_space<hbm>>
      tpu.wait_dma2 semaphore(%run_scoped3A : memref<!tpu.dma_semaphore, #tpu.memory_space<semaphore_mem>>) src(%arg6 : memref<512x128xf32, #tpu.memory_space<vmem>>) dst(%dma_wait3A_136 : memref<512x128xf32, #tpu.memory_space<hbm>>)
      tpu.yield
    }) : () -> ()
    %add3A_89 = arith.constant 5632 : i32
    %add3A_90 = arith.addi %mul3A_2, %add3A_89 : i32
    "tpu.region"() ({
      %run_scoped3A = tpu.sem_alloc : memref<!tpu.dma_semaphore, #tpu.memory_space<semaphore_mem>>
      %dma_start3A_129 = tpu.memref_slice %arg3[%add3A_90] : memref<262144xi32, #tpu.memory_space<hbm>> -> memref<512xi32, #tpu.memory_space<hbm>>
      %dma_start3A_130 = tpu.memref_slice %arg3[%add3A_90] : memref<262144xi32, #tpu.memory_space<hbm>> -> memref<512xi32, #tpu.memory_space<hbm>>
      tpu.enqueue_dma source(%dma_start3A_130 : memref<512xi32, #tpu.memory_space<hbm>>) target(%arg5 : memref<512xi32, #tpu.memory_space<vmem>>) target_semaphore(%run_scoped3A : memref<!tpu.dma_semaphore, #tpu.memory_space<semaphore_mem>>)
      %dma_wait3A_131 = tpu.memref_slice %arg3[%add3A_90] : memref<262144xi32, #tpu.memory_space<hbm>> -> memref<512xi32, #tpu.memory_space<hbm>>
      %dma_wait3A_132 = tpu.memref_slice %arg3[%add3A_90] : memref<262144xi32, #tpu.memory_space<hbm>> -> memref<512xi32, #tpu.memory_space<hbm>>
      tpu.wait_dma2 semaphore(%run_scoped3A : memref<!tpu.dma_semaphore, #tpu.memory_space<semaphore_mem>>) src(%dma_wait3A_132 : memref<512xi32, #tpu.memory_space<hbm>>) dst(%arg5 : memref<512xi32, #tpu.memory_space<vmem>>)
      tpu.yield
    }) : () -> ()
    %dma_start3A_91 = arith.constant 0 : i32
    %dma_start3A_92 = arith.constant 0 : i32
    %dma_start3A_93 = tpu.memref_slice %arg2[%dma_start3A_91, %dma_start3A_92] : memref<262144x128xf32, #tpu.memory_space<hbm>> -> memref<262144x128xf32, #tpu.memory_space<hbm>>
    tpu.enqueue_indirect_dma source(%dma_start3A_93 : memref<262144x128xf32, #tpu.memory_space<hbm>>) target(%arg6 : memref<512x128xf32, #tpu.memory_space<vmem>>) offsets(%arg5 : memref<512xi32, #tpu.memory_space<vmem>>) semaphore(%arg7 : memref<!tpu.dma_semaphore, #tpu.memory_space<semaphore_mem>>)
    %dma_wait3A_94 = arith.constant 0 : i32
    %dma_wait3A_95 = arith.constant 0 : i32
    %dma_wait3A_96 = tpu.memref_slice %arg2[%dma_wait3A_94, %dma_wait3A_95] : memref<262144x128xf32, #tpu.memory_space<hbm>> -> memref<262144x128xf32, #tpu.memory_space<hbm>>
    tpu.wait_indirect_dma semaphore(%arg7 : memref<!tpu.dma_semaphore, #tpu.memory_space<semaphore_mem>>) src(%dma_wait3A_96 : memref<262144x128xf32, #tpu.memory_space<hbm>>) dst(%arg6 : memref<512x128xf32, #tpu.memory_space<vmem>>)
    "tpu.region"() ({
      %run_scoped3A = tpu.sem_alloc : memref<!tpu.dma_semaphore, #tpu.memory_space<semaphore_mem>>
      %dma_start3A_129 = arith.constant 0 : i32
      %dma_start3A_130 = tpu.memref_slice %arg4[%add3A_90, %dma_start3A_129] : memref<262144x128xf32, #tpu.memory_space<hbm>> -> memref<512x128xf32, #tpu.memory_space<hbm>>
      %dma_start3A_131 = arith.constant 0 : i32
      %dma_start3A_132 = tpu.memref_slice %arg4[%add3A_90, %dma_start3A_131] : memref<262144x128xf32, #tpu.memory_space<hbm>> -> memref<512x128xf32, #tpu.memory_space<hbm>>
      tpu.enqueue_dma source(%arg6 : memref<512x128xf32, #tpu.memory_space<vmem>>) target(%dma_start3A_132 : memref<512x128xf32, #tpu.memory_space<hbm>>) target_semaphore(%run_scoped3A : memref<!tpu.dma_semaphore, #tpu.memory_space<semaphore_mem>>)
      %dma_wait3A_133 = arith.constant 0 : i32
      %dma_wait3A_134 = tpu.memref_slice %arg4[%add3A_90, %dma_wait3A_133] : memref<262144x128xf32, #tpu.memory_space<hbm>> -> memref<512x128xf32, #tpu.memory_space<hbm>>
      %dma_wait3A_135 = arith.constant 0 : i32
      %dma_wait3A_136 = tpu.memref_slice %arg4[%add3A_90, %dma_wait3A_135] : memref<262144x128xf32, #tpu.memory_space<hbm>> -> memref<512x128xf32, #tpu.memory_space<hbm>>
      tpu.wait_dma2 semaphore(%run_scoped3A : memref<!tpu.dma_semaphore, #tpu.memory_space<semaphore_mem>>) src(%arg6 : memref<512x128xf32, #tpu.memory_space<vmem>>) dst(%dma_wait3A_136 : memref<512x128xf32, #tpu.memory_space<hbm>>)
      tpu.yield
    }) : () -> ()
    %add3A_97 = arith.constant 6144 : i32
    %add3A_98 = arith.addi %mul3A_2, %add3A_97 : i32
    "tpu.region"() ({
      %run_scoped3A = tpu.sem_alloc : memref<!tpu.dma_semaphore, #tpu.memory_space<semaphore_mem>>
      %dma_start3A_129 = tpu.memref_slice %arg3[%add3A_98] : memref<262144xi32, #tpu.memory_space<hbm>> -> memref<512xi32, #tpu.memory_space<hbm>>
      %dma_start3A_130 = tpu.memref_slice %arg3[%add3A_98] : memref<262144xi32, #tpu.memory_space<hbm>> -> memref<512xi32, #tpu.memory_space<hbm>>
      tpu.enqueue_dma source(%dma_start3A_130 : memref<512xi32, #tpu.memory_space<hbm>>) target(%arg5 : memref<512xi32, #tpu.memory_space<vmem>>) target_semaphore(%run_scoped3A : memref<!tpu.dma_semaphore, #tpu.memory_space<semaphore_mem>>)
      %dma_wait3A_131 = tpu.memref_slice %arg3[%add3A_98] : memref<262144xi32, #tpu.memory_space<hbm>> -> memref<512xi32, #tpu.memory_space<hbm>>
      %dma_wait3A_132 = tpu.memref_slice %arg3[%add3A_98] : memref<262144xi32, #tpu.memory_space<hbm>> -> memref<512xi32, #tpu.memory_space<hbm>>
      tpu.wait_dma2 semaphore(%run_scoped3A : memref<!tpu.dma_semaphore, #tpu.memory_space<semaphore_mem>>) src(%dma_wait3A_132 : memref<512xi32, #tpu.memory_space<hbm>>) dst(%arg5 : memref<512xi32, #tpu.memory_space<vmem>>)
      tpu.yield
    }) : () -> ()
    %dma_start3A_99 = arith.constant 0 : i32
    %dma_start3A_100 = arith.constant 0 : i32
    %dma_start3A_101 = tpu.memref_slice %arg2[%dma_start3A_99, %dma_start3A_100] : memref<262144x128xf32, #tpu.memory_space<hbm>> -> memref<262144x128xf32, #tpu.memory_space<hbm>>
    tpu.enqueue_indirect_dma source(%dma_start3A_101 : memref<262144x128xf32, #tpu.memory_space<hbm>>) target(%arg6 : memref<512x128xf32, #tpu.memory_space<vmem>>) offsets(%arg5 : memref<512xi32, #tpu.memory_space<vmem>>) semaphore(%arg7 : memref<!tpu.dma_semaphore, #tpu.memory_space<semaphore_mem>>)
    %dma_wait3A_102 = arith.constant 0 : i32
    %dma_wait3A_103 = arith.constant 0 : i32
    %dma_wait3A_104 = tpu.memref_slice %arg2[%dma_wait3A_102, %dma_wait3A_103] : memref<262144x128xf32, #tpu.memory_space<hbm>> -> memref<262144x128xf32, #tpu.memory_space<hbm>>
    tpu.wait_indirect_dma semaphore(%arg7 : memref<!tpu.dma_semaphore, #tpu.memory_space<semaphore_mem>>) src(%dma_wait3A_104 : memref<262144x128xf32, #tpu.memory_space<hbm>>) dst(%arg6 : memref<512x128xf32, #tpu.memory_space<vmem>>)
    "tpu.region"() ({
      %run_scoped3A = tpu.sem_alloc : memref<!tpu.dma_semaphore, #tpu.memory_space<semaphore_mem>>
      %dma_start3A_129 = arith.constant 0 : i32
      %dma_start3A_130 = tpu.memref_slice %arg4[%add3A_98, %dma_start3A_129] : memref<262144x128xf32, #tpu.memory_space<hbm>> -> memref<512x128xf32, #tpu.memory_space<hbm>>
      %dma_start3A_131 = arith.constant 0 : i32
      %dma_start3A_132 = tpu.memref_slice %arg4[%add3A_98, %dma_start3A_131] : memref<262144x128xf32, #tpu.memory_space<hbm>> -> memref<512x128xf32, #tpu.memory_space<hbm>>
      tpu.enqueue_dma source(%arg6 : memref<512x128xf32, #tpu.memory_space<vmem>>) target(%dma_start3A_132 : memref<512x128xf32, #tpu.memory_space<hbm>>) target_semaphore(%run_scoped3A : memref<!tpu.dma_semaphore, #tpu.memory_space<semaphore_mem>>)
      %dma_wait3A_133 = arith.constant 0 : i32
      %dma_wait3A_134 = tpu.memref_slice %arg4[%add3A_98, %dma_wait3A_133] : memref<262144x128xf32, #tpu.memory_space<hbm>> -> memref<512x128xf32, #tpu.memory_space<hbm>>
      %dma_wait3A_135 = arith.constant 0 : i32
      %dma_wait3A_136 = tpu.memref_slice %arg4[%add3A_98, %dma_wait3A_135] : memref<262144x128xf32, #tpu.memory_space<hbm>> -> memref<512x128xf32, #tpu.memory_space<hbm>>
      tpu.wait_dma2 semaphore(%run_scoped3A : memref<!tpu.dma_semaphore, #tpu.memory_space<semaphore_mem>>) src(%arg6 : memref<512x128xf32, #tpu.memory_space<vmem>>) dst(%dma_wait3A_136 : memref<512x128xf32, #tpu.memory_space<hbm>>)
      tpu.yield
    }) : () -> ()
    %add3A_105 = arith.constant 6656 : i32
    %add3A_106 = arith.addi %mul3A_2, %add3A_105 : i32
    "tpu.region"() ({
      %run_scoped3A = tpu.sem_alloc : memref<!tpu.dma_semaphore, #tpu.memory_space<semaphore_mem>>
      %dma_start3A_129 = tpu.memref_slice %arg3[%add3A_106] : memref<262144xi32, #tpu.memory_space<hbm>> -> memref<512xi32, #tpu.memory_space<hbm>>
      %dma_start3A_130 = tpu.memref_slice %arg3[%add3A_106] : memref<262144xi32, #tpu.memory_space<hbm>> -> memref<512xi32, #tpu.memory_space<hbm>>
      tpu.enqueue_dma source(%dma_start3A_130 : memref<512xi32, #tpu.memory_space<hbm>>) target(%arg5 : memref<512xi32, #tpu.memory_space<vmem>>) target_semaphore(%run_scoped3A : memref<!tpu.dma_semaphore, #tpu.memory_space<semaphore_mem>>)
      %dma_wait3A_131 = tpu.memref_slice %arg3[%add3A_106] : memref<262144xi32, #tpu.memory_space<hbm>> -> memref<512xi32, #tpu.memory_space<hbm>>
      %dma_wait3A_132 = tpu.memref_slice %arg3[%add3A_106] : memref<262144xi32, #tpu.memory_space<hbm>> -> memref<512xi32, #tpu.memory_space<hbm>>
      tpu.wait_dma2 semaphore(%run_scoped3A : memref<!tpu.dma_semaphore, #tpu.memory_space<semaphore_mem>>) src(%dma_wait3A_132 : memref<512xi32, #tpu.memory_space<hbm>>) dst(%arg5 : memref<512xi32, #tpu.memory_space<vmem>>)
      tpu.yield
    }) : () -> ()
    %dma_start3A_107 = arith.constant 0 : i32
    %dma_start3A_108 = arith.constant 0 : i32
    %dma_start3A_109 = tpu.memref_slice %arg2[%dma_start3A_107, %dma_start3A_108] : memref<262144x128xf32, #tpu.memory_space<hbm>> -> memref<262144x128xf32, #tpu.memory_space<hbm>>
    tpu.enqueue_indirect_dma source(%dma_start3A_109 : memref<262144x128xf32, #tpu.memory_space<hbm>>) target(%arg6 : memref<512x128xf32, #tpu.memory_space<vmem>>) offsets(%arg5 : memref<512xi32, #tpu.memory_space<vmem>>) semaphore(%arg7 : memref<!tpu.dma_semaphore, #tpu.memory_space<semaphore_mem>>)
    %dma_wait3A_110 = arith.constant 0 : i32
    %dma_wait3A_111 = arith.constant 0 : i32
    %dma_wait3A_112 = tpu.memref_slice %arg2[%dma_wait3A_110, %dma_wait3A_111] : memref<262144x128xf32, #tpu.memory_space<hbm>> -> memref<262144x128xf32, #tpu.memory_space<hbm>>
    tpu.wait_indirect_dma semaphore(%arg7 : memref<!tpu.dma_semaphore, #tpu.memory_space<semaphore_mem>>) src(%dma_wait3A_112 : memref<262144x128xf32, #tpu.memory_space<hbm>>) dst(%arg6 : memref<512x128xf32, #tpu.memory_space<vmem>>)
    "tpu.region"() ({
      %run_scoped3A = tpu.sem_alloc : memref<!tpu.dma_semaphore, #tpu.memory_space<semaphore_mem>>
      %dma_start3A_129 = arith.constant 0 : i32
      %dma_start3A_130 = tpu.memref_slice %arg4[%add3A_106, %dma_start3A_129] : memref<262144x128xf32, #tpu.memory_space<hbm>> -> memref<512x128xf32, #tpu.memory_space<hbm>>
      %dma_start3A_131 = arith.constant 0 : i32
      %dma_start3A_132 = tpu.memref_slice %arg4[%add3A_106, %dma_start3A_131] : memref<262144x128xf32, #tpu.memory_space<hbm>> -> memref<512x128xf32, #tpu.memory_space<hbm>>
      tpu.enqueue_dma source(%arg6 : memref<512x128xf32, #tpu.memory_space<vmem>>) target(%dma_start3A_132 : memref<512x128xf32, #tpu.memory_space<hbm>>) target_semaphore(%run_scoped3A : memref<!tpu.dma_semaphore, #tpu.memory_space<semaphore_mem>>)
      %dma_wait3A_133 = arith.constant 0 : i32
      %dma_wait3A_134 = tpu.memref_slice %arg4[%add3A_106, %dma_wait3A_133] : memref<262144x128xf32, #tpu.memory_space<hbm>> -> memref<512x128xf32, #tpu.memory_space<hbm>>
      %dma_wait3A_135 = arith.constant 0 : i32
      %dma_wait3A_136 = tpu.memref_slice %arg4[%add3A_106, %dma_wait3A_135] : memref<262144x128xf32, #tpu.memory_space<hbm>> -> memref<512x128xf32, #tpu.memory_space<hbm>>
      tpu.wait_dma2 semaphore(%run_scoped3A : memref<!tpu.dma_semaphore, #tpu.memory_space<semaphore_mem>>) src(%arg6 : memref<512x128xf32, #tpu.memory_space<vmem>>) dst(%dma_wait3A_136 : memref<512x128xf32, #tpu.memory_space<hbm>>)
      tpu.yield
    }) : () -> ()
    %add3A_113 = arith.constant 7168 : i32
    %add3A_114 = arith.addi %mul3A_2, %add3A_113 : i32
    "tpu.region"() ({
      %run_scoped3A = tpu.sem_alloc : memref<!tpu.dma_semaphore, #tpu.memory_space<semaphore_mem>>
      %dma_start3A_129 = tpu.memref_slice %arg3[%add3A_114] : memref<262144xi32, #tpu.memory_space<hbm>> -> memref<512xi32, #tpu.memory_space<hbm>>
      %dma_start3A_130 = tpu.memref_slice %arg3[%add3A_114] : memref<262144xi32, #tpu.memory_space<hbm>> -> memref<512xi32, #tpu.memory_space<hbm>>
      tpu.enqueue_dma source(%dma_start3A_130 : memref<512xi32, #tpu.memory_space<hbm>>) target(%arg5 : memref<512xi32, #tpu.memory_space<vmem>>) target_semaphore(%run_scoped3A : memref<!tpu.dma_semaphore, #tpu.memory_space<semaphore_mem>>)
      %dma_wait3A_131 = tpu.memref_slice %arg3[%add3A_114] : memref<262144xi32, #tpu.memory_space<hbm>> -> memref<512xi32, #tpu.memory_space<hbm>>
      %dma_wait3A_132 = tpu.memref_slice %arg3[%add3A_114] : memref<262144xi32, #tpu.memory_space<hbm>> -> memref<512xi32, #tpu.memory_space<hbm>>
      tpu.wait_dma2 semaphore(%run_scoped3A : memref<!tpu.dma_semaphore, #tpu.memory_space<semaphore_mem>>) src(%dma_wait3A_132 : memref<512xi32, #tpu.memory_space<hbm>>) dst(%arg5 : memref<512xi32, #tpu.memory_space<vmem>>)
      tpu.yield
    }) : () -> ()
    %dma_start3A_115 = arith.constant 0 : i32
    %dma_start3A_116 = arith.constant 0 : i32
    %dma_start3A_117 = tpu.memref_slice %arg2[%dma_start3A_115, %dma_start3A_116] : memref<262144x128xf32, #tpu.memory_space<hbm>> -> memref<262144x128xf32, #tpu.memory_space<hbm>>
    tpu.enqueue_indirect_dma source(%dma_start3A_117 : memref<262144x128xf32, #tpu.memory_space<hbm>>) target(%arg6 : memref<512x128xf32, #tpu.memory_space<vmem>>) offsets(%arg5 : memref<512xi32, #tpu.memory_space<vmem>>) semaphore(%arg7 : memref<!tpu.dma_semaphore, #tpu.memory_space<semaphore_mem>>)
    %dma_wait3A_118 = arith.constant 0 : i32
    %dma_wait3A_119 = arith.constant 0 : i32
    %dma_wait3A_120 = tpu.memref_slice %arg2[%dma_wait3A_118, %dma_wait3A_119] : memref<262144x128xf32, #tpu.memory_space<hbm>> -> memref<262144x128xf32, #tpu.memory_space<hbm>>
    tpu.wait_indirect_dma semaphore(%arg7 : memref<!tpu.dma_semaphore, #tpu.memory_space<semaphore_mem>>) src(%dma_wait3A_120 : memref<262144x128xf32, #tpu.memory_space<hbm>>) dst(%arg6 : memref<512x128xf32, #tpu.memory_space<vmem>>)
    "tpu.region"() ({
      %run_scoped3A = tpu.sem_alloc : memref<!tpu.dma_semaphore, #tpu.memory_space<semaphore_mem>>
      %dma_start3A_129 = arith.constant 0 : i32
      %dma_start3A_130 = tpu.memref_slice %arg4[%add3A_114, %dma_start3A_129] : memref<262144x128xf32, #tpu.memory_space<hbm>> -> memref<512x128xf32, #tpu.memory_space<hbm>>
      %dma_start3A_131 = arith.constant 0 : i32
      %dma_start3A_132 = tpu.memref_slice %arg4[%add3A_114, %dma_start3A_131] : memref<262144x128xf32, #tpu.memory_space<hbm>> -> memref<512x128xf32, #tpu.memory_space<hbm>>
      tpu.enqueue_dma source(%arg6 : memref<512x128xf32, #tpu.memory_space<vmem>>) target(%dma_start3A_132 : memref<512x128xf32, #tpu.memory_space<hbm>>) target_semaphore(%run_scoped3A : memref<!tpu.dma_semaphore, #tpu.memory_space<semaphore_mem>>)
      %dma_wait3A_133 = arith.constant 0 : i32
      %dma_wait3A_134 = tpu.memref_slice %arg4[%add3A_114, %dma_wait3A_133] : memref<262144x128xf32, #tpu.memory_space<hbm>> -> memref<512x128xf32, #tpu.memory_space<hbm>>
      %dma_wait3A_135 = arith.constant 0 : i32
      %dma_wait3A_136 = tpu.memref_slice %arg4[%add3A_114, %dma_wait3A_135] : memref<262144x128xf32, #tpu.memory_space<hbm>> -> memref<512x128xf32, #tpu.memory_space<hbm>>
      tpu.wait_dma2 semaphore(%run_scoped3A : memref<!tpu.dma_semaphore, #tpu.memory_space<semaphore_mem>>) src(%arg6 : memref<512x128xf32, #tpu.memory_space<vmem>>) dst(%dma_wait3A_136 : memref<512x128xf32, #tpu.memory_space<hbm>>)
      tpu.yield
    }) : () -> ()
    %add3A_121 = arith.constant 7680 : i32
    %add3A_122 = arith.addi %mul3A_2, %add3A_121 : i32
    "tpu.region"() ({
      %run_scoped3A = tpu.sem_alloc : memref<!tpu.dma_semaphore, #tpu.memory_space<semaphore_mem>>
      %dma_start3A_129 = tpu.memref_slice %arg3[%add3A_122] : memref<262144xi32, #tpu.memory_space<hbm>> -> memref<512xi32, #tpu.memory_space<hbm>>
      %dma_start3A_130 = tpu.memref_slice %arg3[%add3A_122] : memref<262144xi32, #tpu.memory_space<hbm>> -> memref<512xi32, #tpu.memory_space<hbm>>
      tpu.enqueue_dma source(%dma_start3A_130 : memref<512xi32, #tpu.memory_space<hbm>>) target(%arg5 : memref<512xi32, #tpu.memory_space<vmem>>) target_semaphore(%run_scoped3A : memref<!tpu.dma_semaphore, #tpu.memory_space<semaphore_mem>>)
      %dma_wait3A_131 = tpu.memref_slice %arg3[%add3A_122] : memref<262144xi32, #tpu.memory_space<hbm>> -> memref<512xi32, #tpu.memory_space<hbm>>
      %dma_wait3A_132 = tpu.memref_slice %arg3[%add3A_122] : memref<262144xi32, #tpu.memory_space<hbm>> -> memref<512xi32, #tpu.memory_space<hbm>>
      tpu.wait_dma2 semaphore(%run_scoped3A : memref<!tpu.dma_semaphore, #tpu.memory_space<semaphore_mem>>) src(%dma_wait3A_132 : memref<512xi32, #tpu.memory_space<hbm>>) dst(%arg5 : memref<512xi32, #tpu.memory_space<vmem>>)
      tpu.yield
    }) : () -> ()
    %dma_start3A_123 = arith.constant 0 : i32
    %dma_start3A_124 = arith.constant 0 : i32
    %dma_start3A_125 = tpu.memref_slice %arg2[%dma_start3A_123, %dma_start3A_124] : memref<262144x128xf32, #tpu.memory_space<hbm>> -> memref<262144x128xf32, #tpu.memory_space<hbm>>
    tpu.enqueue_indirect_dma source(%dma_start3A_125 : memref<262144x128xf32, #tpu.memory_space<hbm>>) target(%arg6 : memref<512x128xf32, #tpu.memory_space<vmem>>) offsets(%arg5 : memref<512xi32, #tpu.memory_space<vmem>>) semaphore(%arg7 : memref<!tpu.dma_semaphore, #tpu.memory_space<semaphore_mem>>)
    %dma_wait3A_126 = arith.constant 0 : i32
    %dma_wait3A_127 = arith.constant 0 : i32
    %dma_wait3A_128 = tpu.memref_slice %arg2[%dma_wait3A_126, %dma_wait3A_127] : memref<262144x128xf32, #tpu.memory_space<hbm>> -> memref<262144x128xf32, #tpu.memory_space<hbm>>
    tpu.wait_indirect_dma semaphore(%arg7 : memref<!tpu.dma_semaphore, #tpu.memory_space<semaphore_mem>>) src(%dma_wait3A_128 : memref<262144x128xf32, #tpu.memory_space<hbm>>) dst(%arg6 : memref<512x128xf32, #tpu.memory_space<vmem>>)
    "tpu.region"() ({
      %run_scoped3A = tpu.sem_alloc : memref<!tpu.dma_semaphore, #tpu.memory_space<semaphore_mem>>
      %dma_start3A_129 = arith.constant 0 : i32
      %dma_start3A_130 = tpu.memref_slice %arg4[%add3A_122, %dma_start3A_129] : memref<262144x128xf32, #tpu.memory_space<hbm>> -> memref<512x128xf32, #tpu.memory_space<hbm>>
      %dma_start3A_131 = arith.constant 0 : i32
      %dma_start3A_132 = tpu.memref_slice %arg4[%add3A_122, %dma_start3A_131] : memref<262144x128xf32, #tpu.memory_space<hbm>> -> memref<512x128xf32, #tpu.memory_space<hbm>>
      tpu.enqueue_dma source(%arg6 : memref<512x128xf32, #tpu.memory_space<vmem>>) target(%dma_start3A_132 : memref<512x128xf32, #tpu.memory_space<hbm>>) target_semaphore(%run_scoped3A : memref<!tpu.dma_semaphore, #tpu.memory_space<semaphore_mem>>)
      %dma_wait3A_133 = arith.constant 0 : i32
      %dma_wait3A_134 = tpu.memref_slice %arg4[%add3A_122, %dma_wait3A_133] : memref<262144x128xf32, #tpu.memory_space<hbm>> -> memref<512x128xf32, #tpu.memory_space<hbm>>
      %dma_wait3A_135 = arith.constant 0 : i32
      %dma_wait3A_136 = tpu.memref_slice %arg4[%add3A_122, %dma_wait3A_135] : memref<262144x128xf32, #tpu.memory_space<hbm>> -> memref<512x128xf32, #tpu.memory_space<hbm>>
      tpu.wait_dma2 semaphore(%run_scoped3A : memref<!tpu.dma_semaphore, #tpu.memory_space<semaphore_mem>>) src(%arg6 : memref<512x128xf32, #tpu.memory_space<vmem>>) dst(%dma_wait3A_136 : memref<512x128xf32, #tpu.memory_space<hbm>>)
      tpu.yield
    }) : () -> ()
    return
  }
}

#map = affine_map<(d0, d1) -> (0, 0)>
#map1 = affine_map<(d0, d1) -> (0)>
module attributes {stable_mosaic.version = 14 : i64} {
  func.func @k(%arg0: i32, %arg1: i32, %arg2: memref<131072x128xf32, #tpu.memory_space<hbm>>, %arg3: memref<262144xi32, #tpu.memory_space<hbm>>, %arg4: memref<262144x128xf32, #tpu.memory_space<hbm>>, %arg5: memref<512xi32, #tpu.memory_space<vmem>>, %arg6: memref<512x128xf32, #tpu.memory_space<vmem>>, %arg7: memref<!tpu.dma_semaphore, #tpu.memory_space<semaphore_mem>>) attributes {dimension_semantics = [#tpu.dimension_semantics<core_parallel>, #tpu.dimension_semantics<subcore_parallel>], iteration_bounds = array<i64: 2, 16>, scalar_prefetch = 0 : i64, scratch_operands = 3 : i64, tpu.core_type = #tpu.core_type<sc_vector_subcore>, window_params = [{transform_indices = #map}, {transform_indices = #map1}, {transform_indices = #map}]} {
    %mul3A = arith.constant 2 : i32
    %mul3A_0 = arith.muli %arg1, %mul3A : i32
    %add3A = arith.addi %mul3A_0, %arg0 : i32
    %mul3A_1 = arith.constant 8192 : i32
    %mul3A_2 = arith.muli %add3A, %mul3A_1 : i32
    %add3A_3 = arith.constant 0 : i32
    %add3A_4 = arith.addi %mul3A_2, %add3A_3 : i32
    "tpu.region"() ({
      %run_scoped3A = tpu.sem_alloc : memref<!tpu.dma_semaphore, #tpu.memory_space<semaphore_mem>>
      %dma_start3A_129 = tpu.memref_slice %arg3[%add3A_4] : memref<262144xi32, #tpu.memory_space<hbm>> -> memref<512xi32, #tpu.memory_space<hbm>>
      %dma_start3A_130 = tpu.memref_slice %arg3[%add3A_4] : memref<262144xi32, #tpu.memory_space<hbm>> -> memref<512xi32, #tpu.memory_space<hbm>>
      tpu.enqueue_dma source(%dma_start3A_130 : memref<512xi32, #tpu.memory_space<hbm>>) target(%arg5 : memref<512xi32, #tpu.memory_space<vmem>>) target_semaphore(%run_scoped3A : memref<!tpu.dma_semaphore, #tpu.memory_space<semaphore_mem>>)
      %dma_wait3A_131 = tpu.memref_slice %arg3[%add3A_4] : memref<262144xi32, #tpu.memory_space<hbm>> -> memref<512xi32, #tpu.memory_space<hbm>>
      %dma_wait3A_132 = tpu.memref_slice %arg3[%add3A_4] : memref<262144xi32, #tpu.memory_space<hbm>> -> memref<512xi32, #tpu.memory_space<hbm>>
      tpu.wait_dma2 semaphore(%run_scoped3A : memref<!tpu.dma_semaphore, #tpu.memory_space<semaphore_mem>>) src(%dma_wait3A_132 : memref<512xi32, #tpu.memory_space<hbm>>) dst(%arg5 : memref<512xi32, #tpu.memory_space<vmem>>)
      tpu.yield
    }) : () -> ()
    %dma_start3A = arith.constant 0 : i32
    %dma_start3A_5 = arith.constant 0 : i32
    %dma_start3A_6 = tpu.memref_slice %arg2[%dma_start3A, %dma_start3A_5] : memref<131072x128xf32, #tpu.memory_space<hbm>> -> memref<131072x128xf32, #tpu.memory_space<hbm>>
    tpu.enqueue_indirect_dma source(%dma_start3A_6 : memref<131072x128xf32, #tpu.memory_space<hbm>>) target(%arg6 : memref<512x128xf32, #tpu.memory_space<vmem>>) offsets(%arg5 : memref<512xi32, #tpu.memory_space<vmem>>) semaphore(%arg7 : memref<!tpu.dma_semaphore, #tpu.memory_space<semaphore_mem>>)
    %dma_wait3A = arith.constant 0 : i32
    %dma_wait3A_7 = arith.constant 0 : i32
    %dma_wait3A_8 = tpu.memref_slice %arg2[%dma_wait3A, %dma_wait3A_7] : memref<131072x128xf32, #tpu.memory_space<hbm>> -> memref<131072x128xf32, #tpu.memory_space<hbm>>
    tpu.wait_indirect_dma semaphore(%arg7 : memref<!tpu.dma_semaphore, #tpu.memory_space<semaphore_mem>>) src(%dma_wait3A_8 : memref<131072x128xf32, #tpu.memory_space<hbm>>) dst(%arg6 : memref<512x128xf32, #tpu.memory_space<vmem>>)
    "tpu.region"() ({
      %run_scoped3A = tpu.sem_alloc : memref<!tpu.dma_semaphore, #tpu.memory_space<semaphore_mem>>
      %dma_start3A_129 = arith.constant 0 : i32
      %dma_start3A_130 = tpu.memref_slice %arg4[%add3A_4, %dma_start3A_129] : memref<262144x128xf32, #tpu.memory_space<hbm>> -> memref<512x128xf32, #tpu.memory_space<hbm>>
      %dma_start3A_131 = arith.constant 0 : i32
      %dma_start3A_132 = tpu.memref_slice %arg4[%add3A_4, %dma_start3A_131] : memref<262144x128xf32, #tpu.memory_space<hbm>> -> memref<512x128xf32, #tpu.memory_space<hbm>>
      tpu.enqueue_dma source(%arg6 : memref<512x128xf32, #tpu.memory_space<vmem>>) target(%dma_start3A_132 : memref<512x128xf32, #tpu.memory_space<hbm>>) target_semaphore(%run_scoped3A : memref<!tpu.dma_semaphore, #tpu.memory_space<semaphore_mem>>)
      %dma_wait3A_133 = arith.constant 0 : i32
      %dma_wait3A_134 = tpu.memref_slice %arg4[%add3A_4, %dma_wait3A_133] : memref<262144x128xf32, #tpu.memory_space<hbm>> -> memref<512x128xf32, #tpu.memory_space<hbm>>
      %dma_wait3A_135 = arith.constant 0 : i32
      %dma_wait3A_136 = tpu.memref_slice %arg4[%add3A_4, %dma_wait3A_135] : memref<262144x128xf32, #tpu.memory_space<hbm>> -> memref<512x128xf32, #tpu.memory_space<hbm>>
      tpu.wait_dma2 semaphore(%run_scoped3A : memref<!tpu.dma_semaphore, #tpu.memory_space<semaphore_mem>>) src(%arg6 : memref<512x128xf32, #tpu.memory_space<vmem>>) dst(%dma_wait3A_136 : memref<512x128xf32, #tpu.memory_space<hbm>>)
      tpu.yield
    }) : () -> ()
    %add3A_9 = arith.constant 512 : i32
    %add3A_10 = arith.addi %mul3A_2, %add3A_9 : i32
    "tpu.region"() ({
      %run_scoped3A = tpu.sem_alloc : memref<!tpu.dma_semaphore, #tpu.memory_space<semaphore_mem>>
      %dma_start3A_129 = tpu.memref_slice %arg3[%add3A_10] : memref<262144xi32, #tpu.memory_space<hbm>> -> memref<512xi32, #tpu.memory_space<hbm>>
      %dma_start3A_130 = tpu.memref_slice %arg3[%add3A_10] : memref<262144xi32, #tpu.memory_space<hbm>> -> memref<512xi32, #tpu.memory_space<hbm>>
      tpu.enqueue_dma source(%dma_start3A_130 : memref<512xi32, #tpu.memory_space<hbm>>) target(%arg5 : memref<512xi32, #tpu.memory_space<vmem>>) target_semaphore(%run_scoped3A : memref<!tpu.dma_semaphore, #tpu.memory_space<semaphore_mem>>)
      %dma_wait3A_131 = tpu.memref_slice %arg3[%add3A_10] : memref<262144xi32, #tpu.memory_space<hbm>> -> memref<512xi32, #tpu.memory_space<hbm>>
      %dma_wait3A_132 = tpu.memref_slice %arg3[%add3A_10] : memref<262144xi32, #tpu.memory_space<hbm>> -> memref<512xi32, #tpu.memory_space<hbm>>
      tpu.wait_dma2 semaphore(%run_scoped3A : memref<!tpu.dma_semaphore, #tpu.memory_space<semaphore_mem>>) src(%dma_wait3A_132 : memref<512xi32, #tpu.memory_space<hbm>>) dst(%arg5 : memref<512xi32, #tpu.memory_space<vmem>>)
      tpu.yield
    }) : () -> ()
    %dma_start3A_11 = arith.constant 0 : i32
    %dma_start3A_12 = arith.constant 0 : i32
    %dma_start3A_13 = tpu.memref_slice %arg2[%dma_start3A_11, %dma_start3A_12] : memref<131072x128xf32, #tpu.memory_space<hbm>> -> memref<131072x128xf32, #tpu.memory_space<hbm>>
    tpu.enqueue_indirect_dma source(%dma_start3A_13 : memref<131072x128xf32, #tpu.memory_space<hbm>>) target(%arg6 : memref<512x128xf32, #tpu.memory_space<vmem>>) offsets(%arg5 : memref<512xi32, #tpu.memory_space<vmem>>) semaphore(%arg7 : memref<!tpu.dma_semaphore, #tpu.memory_space<semaphore_mem>>)
    %dma_wait3A_14 = arith.constant 0 : i32
    %dma_wait3A_15 = arith.constant 0 : i32
    %dma_wait3A_16 = tpu.memref_slice %arg2[%dma_wait3A_14, %dma_wait3A_15] : memref<131072x128xf32, #tpu.memory_space<hbm>> -> memref<131072x128xf32, #tpu.memory_space<hbm>>
    tpu.wait_indirect_dma semaphore(%arg7 : memref<!tpu.dma_semaphore, #tpu.memory_space<semaphore_mem>>) src(%dma_wait3A_16 : memref<131072x128xf32, #tpu.memory_space<hbm>>) dst(%arg6 : memref<512x128xf32, #tpu.memory_space<vmem>>)
    "tpu.region"() ({
      %run_scoped3A = tpu.sem_alloc : memref<!tpu.dma_semaphore, #tpu.memory_space<semaphore_mem>>
      %dma_start3A_129 = arith.constant 0 : i32
      %dma_start3A_130 = tpu.memref_slice %arg4[%add3A_10, %dma_start3A_129] : memref<262144x128xf32, #tpu.memory_space<hbm>> -> memref<512x128xf32, #tpu.memory_space<hbm>>
      %dma_start3A_131 = arith.constant 0 : i32
      %dma_start3A_132 = tpu.memref_slice %arg4[%add3A_10, %dma_start3A_131] : memref<262144x128xf32, #tpu.memory_space<hbm>> -> memref<512x128xf32, #tpu.memory_space<hbm>>
      tpu.enqueue_dma source(%arg6 : memref<512x128xf32, #tpu.memory_space<vmem>>) target(%dma_start3A_132 : memref<512x128xf32, #tpu.memory_space<hbm>>) target_semaphore(%run_scoped3A : memref<!tpu.dma_semaphore, #tpu.memory_space<semaphore_mem>>)
      %dma_wait3A_133 = arith.constant 0 : i32
      %dma_wait3A_134 = tpu.memref_slice %arg4[%add3A_10, %dma_wait3A_133] : memref<262144x128xf32, #tpu.memory_space<hbm>> -> memref<512x128xf32, #tpu.memory_space<hbm>>
      %dma_wait3A_135 = arith.constant 0 : i32
      %dma_wait3A_136 = tpu.memref_slice %arg4[%add3A_10, %dma_wait3A_135] : memref<262144x128xf32, #tpu.memory_space<hbm>> -> memref<512x128xf32, #tpu.memory_space<hbm>>
      tpu.wait_dma2 semaphore(%run_scoped3A : memref<!tpu.dma_semaphore, #tpu.memory_space<semaphore_mem>>) src(%arg6 : memref<512x128xf32, #tpu.memory_space<vmem>>) dst(%dma_wait3A_136 : memref<512x128xf32, #tpu.memory_space<hbm>>)
      tpu.yield
    }) : () -> ()
    %add3A_17 = arith.constant 1024 : i32
    %add3A_18 = arith.addi %mul3A_2, %add3A_17 : i32
    "tpu.region"() ({
      %run_scoped3A = tpu.sem_alloc : memref<!tpu.dma_semaphore, #tpu.memory_space<semaphore_mem>>
      %dma_start3A_129 = tpu.memref_slice %arg3[%add3A_18] : memref<262144xi32, #tpu.memory_space<hbm>> -> memref<512xi32, #tpu.memory_space<hbm>>
      %dma_start3A_130 = tpu.memref_slice %arg3[%add3A_18] : memref<262144xi32, #tpu.memory_space<hbm>> -> memref<512xi32, #tpu.memory_space<hbm>>
      tpu.enqueue_dma source(%dma_start3A_130 : memref<512xi32, #tpu.memory_space<hbm>>) target(%arg5 : memref<512xi32, #tpu.memory_space<vmem>>) target_semaphore(%run_scoped3A : memref<!tpu.dma_semaphore, #tpu.memory_space<semaphore_mem>>)
      %dma_wait3A_131 = tpu.memref_slice %arg3[%add3A_18] : memref<262144xi32, #tpu.memory_space<hbm>> -> memref<512xi32, #tpu.memory_space<hbm>>
      %dma_wait3A_132 = tpu.memref_slice %arg3[%add3A_18] : memref<262144xi32, #tpu.memory_space<hbm>> -> memref<512xi32, #tpu.memory_space<hbm>>
      tpu.wait_dma2 semaphore(%run_scoped3A : memref<!tpu.dma_semaphore, #tpu.memory_space<semaphore_mem>>) src(%dma_wait3A_132 : memref<512xi32, #tpu.memory_space<hbm>>) dst(%arg5 : memref<512xi32, #tpu.memory_space<vmem>>)
      tpu.yield
    }) : () -> ()
    %dma_start3A_19 = arith.constant 0 : i32
    %dma_start3A_20 = arith.constant 0 : i32
    %dma_start3A_21 = tpu.memref_slice %arg2[%dma_start3A_19, %dma_start3A_20] : memref<131072x128xf32, #tpu.memory_space<hbm>> -> memref<131072x128xf32, #tpu.memory_space<hbm>>
    tpu.enqueue_indirect_dma source(%dma_start3A_21 : memref<131072x128xf32, #tpu.memory_space<hbm>>) target(%arg6 : memref<512x128xf32, #tpu.memory_space<vmem>>) offsets(%arg5 : memref<512xi32, #tpu.memory_space<vmem>>) semaphore(%arg7 : memref<!tpu.dma_semaphore, #tpu.memory_space<semaphore_mem>>)
    %dma_wait3A_22 = arith.constant 0 : i32
    %dma_wait3A_23 = arith.constant 0 : i32
    %dma_wait3A_24 = tpu.memref_slice %arg2[%dma_wait3A_22, %dma_wait3A_23] : memref<131072x128xf32, #tpu.memory_space<hbm>> -> memref<131072x128xf32, #tpu.memory_space<hbm>>
    tpu.wait_indirect_dma semaphore(%arg7 : memref<!tpu.dma_semaphore, #tpu.memory_space<semaphore_mem>>) src(%dma_wait3A_24 : memref<131072x128xf32, #tpu.memory_space<hbm>>) dst(%arg6 : memref<512x128xf32, #tpu.memory_space<vmem>>)
    "tpu.region"() ({
      %run_scoped3A = tpu.sem_alloc : memref<!tpu.dma_semaphore, #tpu.memory_space<semaphore_mem>>
      %dma_start3A_129 = arith.constant 0 : i32
      %dma_start3A_130 = tpu.memref_slice %arg4[%add3A_18, %dma_start3A_129] : memref<262144x128xf32, #tpu.memory_space<hbm>> -> memref<512x128xf32, #tpu.memory_space<hbm>>
      %dma_start3A_131 = arith.constant 0 : i32
      %dma_start3A_132 = tpu.memref_slice %arg4[%add3A_18, %dma_start3A_131] : memref<262144x128xf32, #tpu.memory_space<hbm>> -> memref<512x128xf32, #tpu.memory_space<hbm>>
      tpu.enqueue_dma source(%arg6 : memref<512x128xf32, #tpu.memory_space<vmem>>) target(%dma_start3A_132 : memref<512x128xf32, #tpu.memory_space<hbm>>) target_semaphore(%run_scoped3A : memref<!tpu.dma_semaphore, #tpu.memory_space<semaphore_mem>>)
      %dma_wait3A_133 = arith.constant 0 : i32
      %dma_wait3A_134 = tpu.memref_slice %arg4[%add3A_18, %dma_wait3A_133] : memref<262144x128xf32, #tpu.memory_space<hbm>> -> memref<512x128xf32, #tpu.memory_space<hbm>>
      %dma_wait3A_135 = arith.constant 0 : i32
      %dma_wait3A_136 = tpu.memref_slice %arg4[%add3A_18, %dma_wait3A_135] : memref<262144x128xf32, #tpu.memory_space<hbm>> -> memref<512x128xf32, #tpu.memory_space<hbm>>
      tpu.wait_dma2 semaphore(%run_scoped3A : memref<!tpu.dma_semaphore, #tpu.memory_space<semaphore_mem>>) src(%arg6 : memref<512x128xf32, #tpu.memory_space<vmem>>) dst(%dma_wait3A_136 : memref<512x128xf32, #tpu.memory_space<hbm>>)
      tpu.yield
    }) : () -> ()
    %add3A_25 = arith.constant 1536 : i32
    %add3A_26 = arith.addi %mul3A_2, %add3A_25 : i32
    "tpu.region"() ({
      %run_scoped3A = tpu.sem_alloc : memref<!tpu.dma_semaphore, #tpu.memory_space<semaphore_mem>>
      %dma_start3A_129 = tpu.memref_slice %arg3[%add3A_26] : memref<262144xi32, #tpu.memory_space<hbm>> -> memref<512xi32, #tpu.memory_space<hbm>>
      %dma_start3A_130 = tpu.memref_slice %arg3[%add3A_26] : memref<262144xi32, #tpu.memory_space<hbm>> -> memref<512xi32, #tpu.memory_space<hbm>>
      tpu.enqueue_dma source(%dma_start3A_130 : memref<512xi32, #tpu.memory_space<hbm>>) target(%arg5 : memref<512xi32, #tpu.memory_space<vmem>>) target_semaphore(%run_scoped3A : memref<!tpu.dma_semaphore, #tpu.memory_space<semaphore_mem>>)
      %dma_wait3A_131 = tpu.memref_slice %arg3[%add3A_26] : memref<262144xi32, #tpu.memory_space<hbm>> -> memref<512xi32, #tpu.memory_space<hbm>>
      %dma_wait3A_132 = tpu.memref_slice %arg3[%add3A_26] : memref<262144xi32, #tpu.memory_space<hbm>> -> memref<512xi32, #tpu.memory_space<hbm>>
      tpu.wait_dma2 semaphore(%run_scoped3A : memref<!tpu.dma_semaphore, #tpu.memory_space<semaphore_mem>>) src(%dma_wait3A_132 : memref<512xi32, #tpu.memory_space<hbm>>) dst(%arg5 : memref<512xi32, #tpu.memory_space<vmem>>)
      tpu.yield
    }) : () -> ()
    %dma_start3A_27 = arith.constant 0 : i32
    %dma_start3A_28 = arith.constant 0 : i32
    %dma_start3A_29 = tpu.memref_slice %arg2[%dma_start3A_27, %dma_start3A_28] : memref<131072x128xf32, #tpu.memory_space<hbm>> -> memref<131072x128xf32, #tpu.memory_space<hbm>>
    tpu.enqueue_indirect_dma source(%dma_start3A_29 : memref<131072x128xf32, #tpu.memory_space<hbm>>) target(%arg6 : memref<512x128xf32, #tpu.memory_space<vmem>>) offsets(%arg5 : memref<512xi32, #tpu.memory_space<vmem>>) semaphore(%arg7 : memref<!tpu.dma_semaphore, #tpu.memory_space<semaphore_mem>>)
    %dma_wait3A_30 = arith.constant 0 : i32
    %dma_wait3A_31 = arith.constant 0 : i32
    %dma_wait3A_32 = tpu.memref_slice %arg2[%dma_wait3A_30, %dma_wait3A_31] : memref<131072x128xf32, #tpu.memory_space<hbm>> -> memref<131072x128xf32, #tpu.memory_space<hbm>>
    tpu.wait_indirect_dma semaphore(%arg7 : memref<!tpu.dma_semaphore, #tpu.memory_space<semaphore_mem>>) src(%dma_wait3A_32 : memref<131072x128xf32, #tpu.memory_space<hbm>>) dst(%arg6 : memref<512x128xf32, #tpu.memory_space<vmem>>)
    "tpu.region"() ({
      %run_scoped3A = tpu.sem_alloc : memref<!tpu.dma_semaphore, #tpu.memory_space<semaphore_mem>>
      %dma_start3A_129 = arith.constant 0 : i32
      %dma_start3A_130 = tpu.memref_slice %arg4[%add3A_26, %dma_start3A_129] : memref<262144x128xf32, #tpu.memory_space<hbm>> -> memref<512x128xf32, #tpu.memory_space<hbm>>
      %dma_start3A_131 = arith.constant 0 : i32
      %dma_start3A_132 = tpu.memref_slice %arg4[%add3A_26, %dma_start3A_131] : memref<262144x128xf32, #tpu.memory_space<hbm>> -> memref<512x128xf32, #tpu.memory_space<hbm>>
      tpu.enqueue_dma source(%arg6 : memref<512x128xf32, #tpu.memory_space<vmem>>) target(%dma_start3A_132 : memref<512x128xf32, #tpu.memory_space<hbm>>) target_semaphore(%run_scoped3A : memref<!tpu.dma_semaphore, #tpu.memory_space<semaphore_mem>>)
      %dma_wait3A_133 = arith.constant 0 : i32
      %dma_wait3A_134 = tpu.memref_slice %arg4[%add3A_26, %dma_wait3A_133] : memref<262144x128xf32, #tpu.memory_space<hbm>> -> memref<512x128xf32, #tpu.memory_space<hbm>>
      %dma_wait3A_135 = arith.constant 0 : i32
      %dma_wait3A_136 = tpu.memref_slice %arg4[%add3A_26, %dma_wait3A_135] : memref<262144x128xf32, #tpu.memory_space<hbm>> -> memref<512x128xf32, #tpu.memory_space<hbm>>
      tpu.wait_dma2 semaphore(%run_scoped3A : memref<!tpu.dma_semaphore, #tpu.memory_space<semaphore_mem>>) src(%arg6 : memref<512x128xf32, #tpu.memory_space<vmem>>) dst(%dma_wait3A_136 : memref<512x128xf32, #tpu.memory_space<hbm>>)
      tpu.yield
    }) : () -> ()
    %add3A_33 = arith.constant 2048 : i32
    %add3A_34 = arith.addi %mul3A_2, %add3A_33 : i32
    "tpu.region"() ({
      %run_scoped3A = tpu.sem_alloc : memref<!tpu.dma_semaphore, #tpu.memory_space<semaphore_mem>>
      %dma_start3A_129 = tpu.memref_slice %arg3[%add3A_34] : memref<262144xi32, #tpu.memory_space<hbm>> -> memref<512xi32, #tpu.memory_space<hbm>>
      %dma_start3A_130 = tpu.memref_slice %arg3[%add3A_34] : memref<262144xi32, #tpu.memory_space<hbm>> -> memref<512xi32, #tpu.memory_space<hbm>>
      tpu.enqueue_dma source(%dma_start3A_130 : memref<512xi32, #tpu.memory_space<hbm>>) target(%arg5 : memref<512xi32, #tpu.memory_space<vmem>>) target_semaphore(%run_scoped3A : memref<!tpu.dma_semaphore, #tpu.memory_space<semaphore_mem>>)
      %dma_wait3A_131 = tpu.memref_slice %arg3[%add3A_34] : memref<262144xi32, #tpu.memory_space<hbm>> -> memref<512xi32, #tpu.memory_space<hbm>>
      %dma_wait3A_132 = tpu.memref_slice %arg3[%add3A_34] : memref<262144xi32, #tpu.memory_space<hbm>> -> memref<512xi32, #tpu.memory_space<hbm>>
      tpu.wait_dma2 semaphore(%run_scoped3A : memref<!tpu.dma_semaphore, #tpu.memory_space<semaphore_mem>>) src(%dma_wait3A_132 : memref<512xi32, #tpu.memory_space<hbm>>) dst(%arg5 : memref<512xi32, #tpu.memory_space<vmem>>)
      tpu.yield
    }) : () -> ()
    %dma_start3A_35 = arith.constant 0 : i32
    %dma_start3A_36 = arith.constant 0 : i32
    %dma_start3A_37 = tpu.memref_slice %arg2[%dma_start3A_35, %dma_start3A_36] : memref<131072x128xf32, #tpu.memory_space<hbm>> -> memref<131072x128xf32, #tpu.memory_space<hbm>>
    tpu.enqueue_indirect_dma source(%dma_start3A_37 : memref<131072x128xf32, #tpu.memory_space<hbm>>) target(%arg6 : memref<512x128xf32, #tpu.memory_space<vmem>>) offsets(%arg5 : memref<512xi32, #tpu.memory_space<vmem>>) semaphore(%arg7 : memref<!tpu.dma_semaphore, #tpu.memory_space<semaphore_mem>>)
    %dma_wait3A_38 = arith.constant 0 : i32
    %dma_wait3A_39 = arith.constant 0 : i32
    %dma_wait3A_40 = tpu.memref_slice %arg2[%dma_wait3A_38, %dma_wait3A_39] : memref<131072x128xf32, #tpu.memory_space<hbm>> -> memref<131072x128xf32, #tpu.memory_space<hbm>>
    tpu.wait_indirect_dma semaphore(%arg7 : memref<!tpu.dma_semaphore, #tpu.memory_space<semaphore_mem>>) src(%dma_wait3A_40 : memref<131072x128xf32, #tpu.memory_space<hbm>>) dst(%arg6 : memref<512x128xf32, #tpu.memory_space<vmem>>)
    "tpu.region"() ({
      %run_scoped3A = tpu.sem_alloc : memref<!tpu.dma_semaphore, #tpu.memory_space<semaphore_mem>>
      %dma_start3A_129 = arith.constant 0 : i32
      %dma_start3A_130 = tpu.memref_slice %arg4[%add3A_34, %dma_start3A_129] : memref<262144x128xf32, #tpu.memory_space<hbm>> -> memref<512x128xf32, #tpu.memory_space<hbm>>
      %dma_start3A_131 = arith.constant 0 : i32
      %dma_start3A_132 = tpu.memref_slice %arg4[%add3A_34, %dma_start3A_131] : memref<262144x128xf32, #tpu.memory_space<hbm>> -> memref<512x128xf32, #tpu.memory_space<hbm>>
      tpu.enqueue_dma source(%arg6 : memref<512x128xf32, #tpu.memory_space<vmem>>) target(%dma_start3A_132 : memref<512x128xf32, #tpu.memory_space<hbm>>) target_semaphore(%run_scoped3A : memref<!tpu.dma_semaphore, #tpu.memory_space<semaphore_mem>>)
      %dma_wait3A_133 = arith.constant 0 : i32
      %dma_wait3A_134 = tpu.memref_slice %arg4[%add3A_34, %dma_wait3A_133] : memref<262144x128xf32, #tpu.memory_space<hbm>> -> memref<512x128xf32, #tpu.memory_space<hbm>>
      %dma_wait3A_135 = arith.constant 0 : i32
      %dma_wait3A_136 = tpu.memref_slice %arg4[%add3A_34, %dma_wait3A_135] : memref<262144x128xf32, #tpu.memory_space<hbm>> -> memref<512x128xf32, #tpu.memory_space<hbm>>
      tpu.wait_dma2 semaphore(%run_scoped3A : memref<!tpu.dma_semaphore, #tpu.memory_space<semaphore_mem>>) src(%arg6 : memref<512x128xf32, #tpu.memory_space<vmem>>) dst(%dma_wait3A_136 : memref<512x128xf32, #tpu.memory_space<hbm>>)
      tpu.yield
    }) : () -> ()
    %add3A_41 = arith.constant 2560 : i32
    %add3A_42 = arith.addi %mul3A_2, %add3A_41 : i32
    "tpu.region"() ({
      %run_scoped3A = tpu.sem_alloc : memref<!tpu.dma_semaphore, #tpu.memory_space<semaphore_mem>>
      %dma_start3A_129 = tpu.memref_slice %arg3[%add3A_42] : memref<262144xi32, #tpu.memory_space<hbm>> -> memref<512xi32, #tpu.memory_space<hbm>>
      %dma_start3A_130 = tpu.memref_slice %arg3[%add3A_42] : memref<262144xi32, #tpu.memory_space<hbm>> -> memref<512xi32, #tpu.memory_space<hbm>>
      tpu.enqueue_dma source(%dma_start3A_130 : memref<512xi32, #tpu.memory_space<hbm>>) target(%arg5 : memref<512xi32, #tpu.memory_space<vmem>>) target_semaphore(%run_scoped3A : memref<!tpu.dma_semaphore, #tpu.memory_space<semaphore_mem>>)
      %dma_wait3A_131 = tpu.memref_slice %arg3[%add3A_42] : memref<262144xi32, #tpu.memory_space<hbm>> -> memref<512xi32, #tpu.memory_space<hbm>>
      %dma_wait3A_132 = tpu.memref_slice %arg3[%add3A_42] : memref<262144xi32, #tpu.memory_space<hbm>> -> memref<512xi32, #tpu.memory_space<hbm>>
      tpu.wait_dma2 semaphore(%run_scoped3A : memref<!tpu.dma_semaphore, #tpu.memory_space<semaphore_mem>>) src(%dma_wait3A_132 : memref<512xi32, #tpu.memory_space<hbm>>) dst(%arg5 : memref<512xi32, #tpu.memory_space<vmem>>)
      tpu.yield
    }) : () -> ()
    %dma_start3A_43 = arith.constant 0 : i32
    %dma_start3A_44 = arith.constant 0 : i32
    %dma_start3A_45 = tpu.memref_slice %arg2[%dma_start3A_43, %dma_start3A_44] : memref<131072x128xf32, #tpu.memory_space<hbm>> -> memref<131072x128xf32, #tpu.memory_space<hbm>>
    tpu.enqueue_indirect_dma source(%dma_start3A_45 : memref<131072x128xf32, #tpu.memory_space<hbm>>) target(%arg6 : memref<512x128xf32, #tpu.memory_space<vmem>>) offsets(%arg5 : memref<512xi32, #tpu.memory_space<vmem>>) semaphore(%arg7 : memref<!tpu.dma_semaphore, #tpu.memory_space<semaphore_mem>>)
    %dma_wait3A_46 = arith.constant 0 : i32
    %dma_wait3A_47 = arith.constant 0 : i32
    %dma_wait3A_48 = tpu.memref_slice %arg2[%dma_wait3A_46, %dma_wait3A_47] : memref<131072x128xf32, #tpu.memory_space<hbm>> -> memref<131072x128xf32, #tpu.memory_space<hbm>>
    tpu.wait_indirect_dma semaphore(%arg7 : memref<!tpu.dma_semaphore, #tpu.memory_space<semaphore_mem>>) src(%dma_wait3A_48 : memref<131072x128xf32, #tpu.memory_space<hbm>>) dst(%arg6 : memref<512x128xf32, #tpu.memory_space<vmem>>)
    "tpu.region"() ({
      %run_scoped3A = tpu.sem_alloc : memref<!tpu.dma_semaphore, #tpu.memory_space<semaphore_mem>>
      %dma_start3A_129 = arith.constant 0 : i32
      %dma_start3A_130 = tpu.memref_slice %arg4[%add3A_42, %dma_start3A_129] : memref<262144x128xf32, #tpu.memory_space<hbm>> -> memref<512x128xf32, #tpu.memory_space<hbm>>
      %dma_start3A_131 = arith.constant 0 : i32
      %dma_start3A_132 = tpu.memref_slice %arg4[%add3A_42, %dma_start3A_131] : memref<262144x128xf32, #tpu.memory_space<hbm>> -> memref<512x128xf32, #tpu.memory_space<hbm>>
      tpu.enqueue_dma source(%arg6 : memref<512x128xf32, #tpu.memory_space<vmem>>) target(%dma_start3A_132 : memref<512x128xf32, #tpu.memory_space<hbm>>) target_semaphore(%run_scoped3A : memref<!tpu.dma_semaphore, #tpu.memory_space<semaphore_mem>>)
      %dma_wait3A_133 = arith.constant 0 : i32
      %dma_wait3A_134 = tpu.memref_slice %arg4[%add3A_42, %dma_wait3A_133] : memref<262144x128xf32, #tpu.memory_space<hbm>> -> memref<512x128xf32, #tpu.memory_space<hbm>>
      %dma_wait3A_135 = arith.constant 0 : i32
      %dma_wait3A_136 = tpu.memref_slice %arg4[%add3A_42, %dma_wait3A_135] : memref<262144x128xf32, #tpu.memory_space<hbm>> -> memref<512x128xf32, #tpu.memory_space<hbm>>
      tpu.wait_dma2 semaphore(%run_scoped3A : memref<!tpu.dma_semaphore, #tpu.memory_space<semaphore_mem>>) src(%arg6 : memref<512x128xf32, #tpu.memory_space<vmem>>) dst(%dma_wait3A_136 : memref<512x128xf32, #tpu.memory_space<hbm>>)
      tpu.yield
    }) : () -> ()
    %add3A_49 = arith.constant 3072 : i32
    %add3A_50 = arith.addi %mul3A_2, %add3A_49 : i32
    "tpu.region"() ({
      %run_scoped3A = tpu.sem_alloc : memref<!tpu.dma_semaphore, #tpu.memory_space<semaphore_mem>>
      %dma_start3A_129 = tpu.memref_slice %arg3[%add3A_50] : memref<262144xi32, #tpu.memory_space<hbm>> -> memref<512xi32, #tpu.memory_space<hbm>>
      %dma_start3A_130 = tpu.memref_slice %arg3[%add3A_50] : memref<262144xi32, #tpu.memory_space<hbm>> -> memref<512xi32, #tpu.memory_space<hbm>>
      tpu.enqueue_dma source(%dma_start3A_130 : memref<512xi32, #tpu.memory_space<hbm>>) target(%arg5 : memref<512xi32, #tpu.memory_space<vmem>>) target_semaphore(%run_scoped3A : memref<!tpu.dma_semaphore, #tpu.memory_space<semaphore_mem>>)
      %dma_wait3A_131 = tpu.memref_slice %arg3[%add3A_50] : memref<262144xi32, #tpu.memory_space<hbm>> -> memref<512xi32, #tpu.memory_space<hbm>>
      %dma_wait3A_132 = tpu.memref_slice %arg3[%add3A_50] : memref<262144xi32, #tpu.memory_space<hbm>> -> memref<512xi32, #tpu.memory_space<hbm>>
      tpu.wait_dma2 semaphore(%run_scoped3A : memref<!tpu.dma_semaphore, #tpu.memory_space<semaphore_mem>>) src(%dma_wait3A_132 : memref<512xi32, #tpu.memory_space<hbm>>) dst(%arg5 : memref<512xi32, #tpu.memory_space<vmem>>)
      tpu.yield
    }) : () -> ()
    %dma_start3A_51 = arith.constant 0 : i32
    %dma_start3A_52 = arith.constant 0 : i32
    %dma_start3A_53 = tpu.memref_slice %arg2[%dma_start3A_51, %dma_start3A_52] : memref<131072x128xf32, #tpu.memory_space<hbm>> -> memref<131072x128xf32, #tpu.memory_space<hbm>>
    tpu.enqueue_indirect_dma source(%dma_start3A_53 : memref<131072x128xf32, #tpu.memory_space<hbm>>) target(%arg6 : memref<512x128xf32, #tpu.memory_space<vmem>>) offsets(%arg5 : memref<512xi32, #tpu.memory_space<vmem>>) semaphore(%arg7 : memref<!tpu.dma_semaphore, #tpu.memory_space<semaphore_mem>>)
    %dma_wait3A_54 = arith.constant 0 : i32
    %dma_wait3A_55 = arith.constant 0 : i32
    %dma_wait3A_56 = tpu.memref_slice %arg2[%dma_wait3A_54, %dma_wait3A_55] : memref<131072x128xf32, #tpu.memory_space<hbm>> -> memref<131072x128xf32, #tpu.memory_space<hbm>>
    tpu.wait_indirect_dma semaphore(%arg7 : memref<!tpu.dma_semaphore, #tpu.memory_space<semaphore_mem>>) src(%dma_wait3A_56 : memref<131072x128xf32, #tpu.memory_space<hbm>>) dst(%arg6 : memref<512x128xf32, #tpu.memory_space<vmem>>)
    "tpu.region"() ({
      %run_scoped3A = tpu.sem_alloc : memref<!tpu.dma_semaphore, #tpu.memory_space<semaphore_mem>>
      %dma_start3A_129 = arith.constant 0 : i32
      %dma_start3A_130 = tpu.memref_slice %arg4[%add3A_50, %dma_start3A_129] : memref<262144x128xf32, #tpu.memory_space<hbm>> -> memref<512x128xf32, #tpu.memory_space<hbm>>
      %dma_start3A_131 = arith.constant 0 : i32
      %dma_start3A_132 = tpu.memref_slice %arg4[%add3A_50, %dma_start3A_131] : memref<262144x128xf32, #tpu.memory_space<hbm>> -> memref<512x128xf32, #tpu.memory_space<hbm>>
      tpu.enqueue_dma source(%arg6 : memref<512x128xf32, #tpu.memory_space<vmem>>) target(%dma_start3A_132 : memref<512x128xf32, #tpu.memory_space<hbm>>) target_semaphore(%run_scoped3A : memref<!tpu.dma_semaphore, #tpu.memory_space<semaphore_mem>>)
      %dma_wait3A_133 = arith.constant 0 : i32
      %dma_wait3A_134 = tpu.memref_slice %arg4[%add3A_50, %dma_wait3A_133] : memref<262144x128xf32, #tpu.memory_space<hbm>> -> memref<512x128xf32, #tpu.memory_space<hbm>>
      %dma_wait3A_135 = arith.constant 0 : i32
      %dma_wait3A_136 = tpu.memref_slice %arg4[%add3A_50, %dma_wait3A_135] : memref<262144x128xf32, #tpu.memory_space<hbm>> -> memref<512x128xf32, #tpu.memory_space<hbm>>
      tpu.wait_dma2 semaphore(%run_scoped3A : memref<!tpu.dma_semaphore, #tpu.memory_space<semaphore_mem>>) src(%arg6 : memref<512x128xf32, #tpu.memory_space<vmem>>) dst(%dma_wait3A_136 : memref<512x128xf32, #tpu.memory_space<hbm>>)
      tpu.yield
    }) : () -> ()
    %add3A_57 = arith.constant 3584 : i32
    %add3A_58 = arith.addi %mul3A_2, %add3A_57 : i32
    "tpu.region"() ({
      %run_scoped3A = tpu.sem_alloc : memref<!tpu.dma_semaphore, #tpu.memory_space<semaphore_mem>>
      %dma_start3A_129 = tpu.memref_slice %arg3[%add3A_58] : memref<262144xi32, #tpu.memory_space<hbm>> -> memref<512xi32, #tpu.memory_space<hbm>>
      %dma_start3A_130 = tpu.memref_slice %arg3[%add3A_58] : memref<262144xi32, #tpu.memory_space<hbm>> -> memref<512xi32, #tpu.memory_space<hbm>>
      tpu.enqueue_dma source(%dma_start3A_130 : memref<512xi32, #tpu.memory_space<hbm>>) target(%arg5 : memref<512xi32, #tpu.memory_space<vmem>>) target_semaphore(%run_scoped3A : memref<!tpu.dma_semaphore, #tpu.memory_space<semaphore_mem>>)
      %dma_wait3A_131 = tpu.memref_slice %arg3[%add3A_58] : memref<262144xi32, #tpu.memory_space<hbm>> -> memref<512xi32, #tpu.memory_space<hbm>>
      %dma_wait3A_132 = tpu.memref_slice %arg3[%add3A_58] : memref<262144xi32, #tpu.memory_space<hbm>> -> memref<512xi32, #tpu.memory_space<hbm>>
      tpu.wait_dma2 semaphore(%run_scoped3A : memref<!tpu.dma_semaphore, #tpu.memory_space<semaphore_mem>>) src(%dma_wait3A_132 : memref<512xi32, #tpu.memory_space<hbm>>) dst(%arg5 : memref<512xi32, #tpu.memory_space<vmem>>)
      tpu.yield
    }) : () -> ()
    %dma_start3A_59 = arith.constant 0 : i32
    %dma_start3A_60 = arith.constant 0 : i32
    %dma_start3A_61 = tpu.memref_slice %arg2[%dma_start3A_59, %dma_start3A_60] : memref<131072x128xf32, #tpu.memory_space<hbm>> -> memref<131072x128xf32, #tpu.memory_space<hbm>>
    tpu.enqueue_indirect_dma source(%dma_start3A_61 : memref<131072x128xf32, #tpu.memory_space<hbm>>) target(%arg6 : memref<512x128xf32, #tpu.memory_space<vmem>>) offsets(%arg5 : memref<512xi32, #tpu.memory_space<vmem>>) semaphore(%arg7 : memref<!tpu.dma_semaphore, #tpu.memory_space<semaphore_mem>>)
    %dma_wait3A_62 = arith.constant 0 : i32
    %dma_wait3A_63 = arith.constant 0 : i32
    %dma_wait3A_64 = tpu.memref_slice %arg2[%dma_wait3A_62, %dma_wait3A_63] : memref<131072x128xf32, #tpu.memory_space<hbm>> -> memref<131072x128xf32, #tpu.memory_space<hbm>>
    tpu.wait_indirect_dma semaphore(%arg7 : memref<!tpu.dma_semaphore, #tpu.memory_space<semaphore_mem>>) src(%dma_wait3A_64 : memref<131072x128xf32, #tpu.memory_space<hbm>>) dst(%arg6 : memref<512x128xf32, #tpu.memory_space<vmem>>)
    "tpu.region"() ({
      %run_scoped3A = tpu.sem_alloc : memref<!tpu.dma_semaphore, #tpu.memory_space<semaphore_mem>>
      %dma_start3A_129 = arith.constant 0 : i32
      %dma_start3A_130 = tpu.memref_slice %arg4[%add3A_58, %dma_start3A_129] : memref<262144x128xf32, #tpu.memory_space<hbm>> -> memref<512x128xf32, #tpu.memory_space<hbm>>
      %dma_start3A_131 = arith.constant 0 : i32
      %dma_start3A_132 = tpu.memref_slice %arg4[%add3A_58, %dma_start3A_131] : memref<262144x128xf32, #tpu.memory_space<hbm>> -> memref<512x128xf32, #tpu.memory_space<hbm>>
      tpu.enqueue_dma source(%arg6 : memref<512x128xf32, #tpu.memory_space<vmem>>) target(%dma_start3A_132 : memref<512x128xf32, #tpu.memory_space<hbm>>) target_semaphore(%run_scoped3A : memref<!tpu.dma_semaphore, #tpu.memory_space<semaphore_mem>>)
      %dma_wait3A_133 = arith.constant 0 : i32
      %dma_wait3A_134 = tpu.memref_slice %arg4[%add3A_58, %dma_wait3A_133] : memref<262144x128xf32, #tpu.memory_space<hbm>> -> memref<512x128xf32, #tpu.memory_space<hbm>>
      %dma_wait3A_135 = arith.constant 0 : i32
      %dma_wait3A_136 = tpu.memref_slice %arg4[%add3A_58, %dma_wait3A_135] : memref<262144x128xf32, #tpu.memory_space<hbm>> -> memref<512x128xf32, #tpu.memory_space<hbm>>
      tpu.wait_dma2 semaphore(%run_scoped3A : memref<!tpu.dma_semaphore, #tpu.memory_space<semaphore_mem>>) src(%arg6 : memref<512x128xf32, #tpu.memory_space<vmem>>) dst(%dma_wait3A_136 : memref<512x128xf32, #tpu.memory_space<hbm>>)
      tpu.yield
    }) : () -> ()
    %add3A_65 = arith.constant 4096 : i32
    %add3A_66 = arith.addi %mul3A_2, %add3A_65 : i32
    "tpu.region"() ({
      %run_scoped3A = tpu.sem_alloc : memref<!tpu.dma_semaphore, #tpu.memory_space<semaphore_mem>>
      %dma_start3A_129 = tpu.memref_slice %arg3[%add3A_66] : memref<262144xi32, #tpu.memory_space<hbm>> -> memref<512xi32, #tpu.memory_space<hbm>>
      %dma_start3A_130 = tpu.memref_slice %arg3[%add3A_66] : memref<262144xi32, #tpu.memory_space<hbm>> -> memref<512xi32, #tpu.memory_space<hbm>>
      tpu.enqueue_dma source(%dma_start3A_130 : memref<512xi32, #tpu.memory_space<hbm>>) target(%arg5 : memref<512xi32, #tpu.memory_space<vmem>>) target_semaphore(%run_scoped3A : memref<!tpu.dma_semaphore, #tpu.memory_space<semaphore_mem>>)
      %dma_wait3A_131 = tpu.memref_slice %arg3[%add3A_66] : memref<262144xi32, #tpu.memory_space<hbm>> -> memref<512xi32, #tpu.memory_space<hbm>>
      %dma_wait3A_132 = tpu.memref_slice %arg3[%add3A_66] : memref<262144xi32, #tpu.memory_space<hbm>> -> memref<512xi32, #tpu.memory_space<hbm>>
      tpu.wait_dma2 semaphore(%run_scoped3A : memref<!tpu.dma_semaphore, #tpu.memory_space<semaphore_mem>>) src(%dma_wait3A_132 : memref<512xi32, #tpu.memory_space<hbm>>) dst(%arg5 : memref<512xi32, #tpu.memory_space<vmem>>)
      tpu.yield
    }) : () -> ()
    %dma_start3A_67 = arith.constant 0 : i32
    %dma_start3A_68 = arith.constant 0 : i32
    %dma_start3A_69 = tpu.memref_slice %arg2[%dma_start3A_67, %dma_start3A_68] : memref<131072x128xf32, #tpu.memory_space<hbm>> -> memref<131072x128xf32, #tpu.memory_space<hbm>>
    tpu.enqueue_indirect_dma source(%dma_start3A_69 : memref<131072x128xf32, #tpu.memory_space<hbm>>) target(%arg6 : memref<512x128xf32, #tpu.memory_space<vmem>>) offsets(%arg5 : memref<512xi32, #tpu.memory_space<vmem>>) semaphore(%arg7 : memref<!tpu.dma_semaphore, #tpu.memory_space<semaphore_mem>>)
    %dma_wait3A_70 = arith.constant 0 : i32
    %dma_wait3A_71 = arith.constant 0 : i32
    %dma_wait3A_72 = tpu.memref_slice %arg2[%dma_wait3A_70, %dma_wait3A_71] : memref<131072x128xf32, #tpu.memory_space<hbm>> -> memref<131072x128xf32, #tpu.memory_space<hbm>>
    tpu.wait_indirect_dma semaphore(%arg7 : memref<!tpu.dma_semaphore, #tpu.memory_space<semaphore_mem>>) src(%dma_wait3A_72 : memref<131072x128xf32, #tpu.memory_space<hbm>>) dst(%arg6 : memref<512x128xf32, #tpu.memory_space<vmem>>)
    "tpu.region"() ({
      %run_scoped3A = tpu.sem_alloc : memref<!tpu.dma_semaphore, #tpu.memory_space<semaphore_mem>>
      %dma_start3A_129 = arith.constant 0 : i32
      %dma_start3A_130 = tpu.memref_slice %arg4[%add3A_66, %dma_start3A_129] : memref<262144x128xf32, #tpu.memory_space<hbm>> -> memref<512x128xf32, #tpu.memory_space<hbm>>
      %dma_start3A_131 = arith.constant 0 : i32
      %dma_start3A_132 = tpu.memref_slice %arg4[%add3A_66, %dma_start3A_131] : memref<262144x128xf32, #tpu.memory_space<hbm>> -> memref<512x128xf32, #tpu.memory_space<hbm>>
      tpu.enqueue_dma source(%arg6 : memref<512x128xf32, #tpu.memory_space<vmem>>) target(%dma_start3A_132 : memref<512x128xf32, #tpu.memory_space<hbm>>) target_semaphore(%run_scoped3A : memref<!tpu.dma_semaphore, #tpu.memory_space<semaphore_mem>>)
      %dma_wait3A_133 = arith.constant 0 : i32
      %dma_wait3A_134 = tpu.memref_slice %arg4[%add3A_66, %dma_wait3A_133] : memref<262144x128xf32, #tpu.memory_space<hbm>> -> memref<512x128xf32, #tpu.memory_space<hbm>>
      %dma_wait3A_135 = arith.constant 0 : i32
      %dma_wait3A_136 = tpu.memref_slice %arg4[%add3A_66, %dma_wait3A_135] : memref<262144x128xf32, #tpu.memory_space<hbm>> -> memref<512x128xf32, #tpu.memory_space<hbm>>
      tpu.wait_dma2 semaphore(%run_scoped3A : memref<!tpu.dma_semaphore, #tpu.memory_space<semaphore_mem>>) src(%arg6 : memref<512x128xf32, #tpu.memory_space<vmem>>) dst(%dma_wait3A_136 : memref<512x128xf32, #tpu.memory_space<hbm>>)
      tpu.yield
    }) : () -> ()
    %add3A_73 = arith.constant 4608 : i32
    %add3A_74 = arith.addi %mul3A_2, %add3A_73 : i32
    "tpu.region"() ({
      %run_scoped3A = tpu.sem_alloc : memref<!tpu.dma_semaphore, #tpu.memory_space<semaphore_mem>>
      %dma_start3A_129 = tpu.memref_slice %arg3[%add3A_74] : memref<262144xi32, #tpu.memory_space<hbm>> -> memref<512xi32, #tpu.memory_space<hbm>>
      %dma_start3A_130 = tpu.memref_slice %arg3[%add3A_74] : memref<262144xi32, #tpu.memory_space<hbm>> -> memref<512xi32, #tpu.memory_space<hbm>>
      tpu.enqueue_dma source(%dma_start3A_130 : memref<512xi32, #tpu.memory_space<hbm>>) target(%arg5 : memref<512xi32, #tpu.memory_space<vmem>>) target_semaphore(%run_scoped3A : memref<!tpu.dma_semaphore, #tpu.memory_space<semaphore_mem>>)
      %dma_wait3A_131 = tpu.memref_slice %arg3[%add3A_74] : memref<262144xi32, #tpu.memory_space<hbm>> -> memref<512xi32, #tpu.memory_space<hbm>>
      %dma_wait3A_132 = tpu.memref_slice %arg3[%add3A_74] : memref<262144xi32, #tpu.memory_space<hbm>> -> memref<512xi32, #tpu.memory_space<hbm>>
      tpu.wait_dma2 semaphore(%run_scoped3A : memref<!tpu.dma_semaphore, #tpu.memory_space<semaphore_mem>>) src(%dma_wait3A_132 : memref<512xi32, #tpu.memory_space<hbm>>) dst(%arg5 : memref<512xi32, #tpu.memory_space<vmem>>)
      tpu.yield
    }) : () -> ()
    %dma_start3A_75 = arith.constant 0 : i32
    %dma_start3A_76 = arith.constant 0 : i32
    %dma_start3A_77 = tpu.memref_slice %arg2[%dma_start3A_75, %dma_start3A_76] : memref<131072x128xf32, #tpu.memory_space<hbm>> -> memref<131072x128xf32, #tpu.memory_space<hbm>>
    tpu.enqueue_indirect_dma source(%dma_start3A_77 : memref<131072x128xf32, #tpu.memory_space<hbm>>) target(%arg6 : memref<512x128xf32, #tpu.memory_space<vmem>>) offsets(%arg5 : memref<512xi32, #tpu.memory_space<vmem>>) semaphore(%arg7 : memref<!tpu.dma_semaphore, #tpu.memory_space<semaphore_mem>>)
    %dma_wait3A_78 = arith.constant 0 : i32
    %dma_wait3A_79 = arith.constant 0 : i32
    %dma_wait3A_80 = tpu.memref_slice %arg2[%dma_wait3A_78, %dma_wait3A_79] : memref<131072x128xf32, #tpu.memory_space<hbm>> -> memref<131072x128xf32, #tpu.memory_space<hbm>>
    tpu.wait_indirect_dma semaphore(%arg7 : memref<!tpu.dma_semaphore, #tpu.memory_space<semaphore_mem>>) src(%dma_wait3A_80 : memref<131072x128xf32, #tpu.memory_space<hbm>>) dst(%arg6 : memref<512x128xf32, #tpu.memory_space<vmem>>)
    "tpu.region"() ({
      %run_scoped3A = tpu.sem_alloc : memref<!tpu.dma_semaphore, #tpu.memory_space<semaphore_mem>>
      %dma_start3A_129 = arith.constant 0 : i32
      %dma_start3A_130 = tpu.memref_slice %arg4[%add3A_74, %dma_start3A_129] : memref<262144x128xf32, #tpu.memory_space<hbm>> -> memref<512x128xf32, #tpu.memory_space<hbm>>
      %dma_start3A_131 = arith.constant 0 : i32
      %dma_start3A_132 = tpu.memref_slice %arg4[%add3A_74, %dma_start3A_131] : memref<262144x128xf32, #tpu.memory_space<hbm>> -> memref<512x128xf32, #tpu.memory_space<hbm>>
      tpu.enqueue_dma source(%arg6 : memref<512x128xf32, #tpu.memory_space<vmem>>) target(%dma_start3A_132 : memref<512x128xf32, #tpu.memory_space<hbm>>) target_semaphore(%run_scoped3A : memref<!tpu.dma_semaphore, #tpu.memory_space<semaphore_mem>>)
      %dma_wait3A_133 = arith.constant 0 : i32
      %dma_wait3A_134 = tpu.memref_slice %arg4[%add3A_74, %dma_wait3A_133] : memref<262144x128xf32, #tpu.memory_space<hbm>> -> memref<512x128xf32, #tpu.memory_space<hbm>>
      %dma_wait3A_135 = arith.constant 0 : i32
      %dma_wait3A_136 = tpu.memref_slice %arg4[%add3A_74, %dma_wait3A_135] : memref<262144x128xf32, #tpu.memory_space<hbm>> -> memref<512x128xf32, #tpu.memory_space<hbm>>
      tpu.wait_dma2 semaphore(%run_scoped3A : memref<!tpu.dma_semaphore, #tpu.memory_space<semaphore_mem>>) src(%arg6 : memref<512x128xf32, #tpu.memory_space<vmem>>) dst(%dma_wait3A_136 : memref<512x128xf32, #tpu.memory_space<hbm>>)
      tpu.yield
    }) : () -> ()
    %add3A_81 = arith.constant 5120 : i32
    %add3A_82 = arith.addi %mul3A_2, %add3A_81 : i32
    "tpu.region"() ({
      %run_scoped3A = tpu.sem_alloc : memref<!tpu.dma_semaphore, #tpu.memory_space<semaphore_mem>>
      %dma_start3A_129 = tpu.memref_slice %arg3[%add3A_82] : memref<262144xi32, #tpu.memory_space<hbm>> -> memref<512xi32, #tpu.memory_space<hbm>>
      %dma_start3A_130 = tpu.memref_slice %arg3[%add3A_82] : memref<262144xi32, #tpu.memory_space<hbm>> -> memref<512xi32, #tpu.memory_space<hbm>>
      tpu.enqueue_dma source(%dma_start3A_130 : memref<512xi32, #tpu.memory_space<hbm>>) target(%arg5 : memref<512xi32, #tpu.memory_space<vmem>>) target_semaphore(%run_scoped3A : memref<!tpu.dma_semaphore, #tpu.memory_space<semaphore_mem>>)
      %dma_wait3A_131 = tpu.memref_slice %arg3[%add3A_82] : memref<262144xi32, #tpu.memory_space<hbm>> -> memref<512xi32, #tpu.memory_space<hbm>>
      %dma_wait3A_132 = tpu.memref_slice %arg3[%add3A_82] : memref<262144xi32, #tpu.memory_space<hbm>> -> memref<512xi32, #tpu.memory_space<hbm>>
      tpu.wait_dma2 semaphore(%run_scoped3A : memref<!tpu.dma_semaphore, #tpu.memory_space<semaphore_mem>>) src(%dma_wait3A_132 : memref<512xi32, #tpu.memory_space<hbm>>) dst(%arg5 : memref<512xi32, #tpu.memory_space<vmem>>)
      tpu.yield
    }) : () -> ()
    %dma_start3A_83 = arith.constant 0 : i32
    %dma_start3A_84 = arith.constant 0 : i32
    %dma_start3A_85 = tpu.memref_slice %arg2[%dma_start3A_83, %dma_start3A_84] : memref<131072x128xf32, #tpu.memory_space<hbm>> -> memref<131072x128xf32, #tpu.memory_space<hbm>>
    tpu.enqueue_indirect_dma source(%dma_start3A_85 : memref<131072x128xf32, #tpu.memory_space<hbm>>) target(%arg6 : memref<512x128xf32, #tpu.memory_space<vmem>>) offsets(%arg5 : memref<512xi32, #tpu.memory_space<vmem>>) semaphore(%arg7 : memref<!tpu.dma_semaphore, #tpu.memory_space<semaphore_mem>>)
    %dma_wait3A_86 = arith.constant 0 : i32
    %dma_wait3A_87 = arith.constant 0 : i32
    %dma_wait3A_88 = tpu.memref_slice %arg2[%dma_wait3A_86, %dma_wait3A_87] : memref<131072x128xf32, #tpu.memory_space<hbm>> -> memref<131072x128xf32, #tpu.memory_space<hbm>>
    tpu.wait_indirect_dma semaphore(%arg7 : memref<!tpu.dma_semaphore, #tpu.memory_space<semaphore_mem>>) src(%dma_wait3A_88 : memref<131072x128xf32, #tpu.memory_space<hbm>>) dst(%arg6 : memref<512x128xf32, #tpu.memory_space<vmem>>)
    "tpu.region"() ({
      %run_scoped3A = tpu.sem_alloc : memref<!tpu.dma_semaphore, #tpu.memory_space<semaphore_mem>>
      %dma_start3A_129 = arith.constant 0 : i32
      %dma_start3A_130 = tpu.memref_slice %arg4[%add3A_82, %dma_start3A_129] : memref<262144x128xf32, #tpu.memory_space<hbm>> -> memref<512x128xf32, #tpu.memory_space<hbm>>
      %dma_start3A_131 = arith.constant 0 : i32
      %dma_start3A_132 = tpu.memref_slice %arg4[%add3A_82, %dma_start3A_131] : memref<262144x128xf32, #tpu.memory_space<hbm>> -> memref<512x128xf32, #tpu.memory_space<hbm>>
      tpu.enqueue_dma source(%arg6 : memref<512x128xf32, #tpu.memory_space<vmem>>) target(%dma_start3A_132 : memref<512x128xf32, #tpu.memory_space<hbm>>) target_semaphore(%run_scoped3A : memref<!tpu.dma_semaphore, #tpu.memory_space<semaphore_mem>>)
      %dma_wait3A_133 = arith.constant 0 : i32
      %dma_wait3A_134 = tpu.memref_slice %arg4[%add3A_82, %dma_wait3A_133] : memref<262144x128xf32, #tpu.memory_space<hbm>> -> memref<512x128xf32, #tpu.memory_space<hbm>>
      %dma_wait3A_135 = arith.constant 0 : i32
      %dma_wait3A_136 = tpu.memref_slice %arg4[%add3A_82, %dma_wait3A_135] : memref<262144x128xf32, #tpu.memory_space<hbm>> -> memref<512x128xf32, #tpu.memory_space<hbm>>
      tpu.wait_dma2 semaphore(%run_scoped3A : memref<!tpu.dma_semaphore, #tpu.memory_space<semaphore_mem>>) src(%arg6 : memref<512x128xf32, #tpu.memory_space<vmem>>) dst(%dma_wait3A_136 : memref<512x128xf32, #tpu.memory_space<hbm>>)
      tpu.yield
    }) : () -> ()
    %add3A_89 = arith.constant 5632 : i32
    %add3A_90 = arith.addi %mul3A_2, %add3A_89 : i32
    "tpu.region"() ({
      %run_scoped3A = tpu.sem_alloc : memref<!tpu.dma_semaphore, #tpu.memory_space<semaphore_mem>>
      %dma_start3A_129 = tpu.memref_slice %arg3[%add3A_90] : memref<262144xi32, #tpu.memory_space<hbm>> -> memref<512xi32, #tpu.memory_space<hbm>>
      %dma_start3A_130 = tpu.memref_slice %arg3[%add3A_90] : memref<262144xi32, #tpu.memory_space<hbm>> -> memref<512xi32, #tpu.memory_space<hbm>>
      tpu.enqueue_dma source(%dma_start3A_130 : memref<512xi32, #tpu.memory_space<hbm>>) target(%arg5 : memref<512xi32, #tpu.memory_space<vmem>>) target_semaphore(%run_scoped3A : memref<!tpu.dma_semaphore, #tpu.memory_space<semaphore_mem>>)
      %dma_wait3A_131 = tpu.memref_slice %arg3[%add3A_90] : memref<262144xi32, #tpu.memory_space<hbm>> -> memref<512xi32, #tpu.memory_space<hbm>>
      %dma_wait3A_132 = tpu.memref_slice %arg3[%add3A_90] : memref<262144xi32, #tpu.memory_space<hbm>> -> memref<512xi32, #tpu.memory_space<hbm>>
      tpu.wait_dma2 semaphore(%run_scoped3A : memref<!tpu.dma_semaphore, #tpu.memory_space<semaphore_mem>>) src(%dma_wait3A_132 : memref<512xi32, #tpu.memory_space<hbm>>) dst(%arg5 : memref<512xi32, #tpu.memory_space<vmem>>)
      tpu.yield
    }) : () -> ()
    %dma_start3A_91 = arith.constant 0 : i32
    %dma_start3A_92 = arith.constant 0 : i32
    %dma_start3A_93 = tpu.memref_slice %arg2[%dma_start3A_91, %dma_start3A_92] : memref<131072x128xf32, #tpu.memory_space<hbm>> -> memref<131072x128xf32, #tpu.memory_space<hbm>>
    tpu.enqueue_indirect_dma source(%dma_start3A_93 : memref<131072x128xf32, #tpu.memory_space<hbm>>) target(%arg6 : memref<512x128xf32, #tpu.memory_space<vmem>>) offsets(%arg5 : memref<512xi32, #tpu.memory_space<vmem>>) semaphore(%arg7 : memref<!tpu.dma_semaphore, #tpu.memory_space<semaphore_mem>>)
    %dma_wait3A_94 = arith.constant 0 : i32
    %dma_wait3A_95 = arith.constant 0 : i32
    %dma_wait3A_96 = tpu.memref_slice %arg2[%dma_wait3A_94, %dma_wait3A_95] : memref<131072x128xf32, #tpu.memory_space<hbm>> -> memref<131072x128xf32, #tpu.memory_space<hbm>>
    tpu.wait_indirect_dma semaphore(%arg7 : memref<!tpu.dma_semaphore, #tpu.memory_space<semaphore_mem>>) src(%dma_wait3A_96 : memref<131072x128xf32, #tpu.memory_space<hbm>>) dst(%arg6 : memref<512x128xf32, #tpu.memory_space<vmem>>)
    "tpu.region"() ({
      %run_scoped3A = tpu.sem_alloc : memref<!tpu.dma_semaphore, #tpu.memory_space<semaphore_mem>>
      %dma_start3A_129 = arith.constant 0 : i32
      %dma_start3A_130 = tpu.memref_slice %arg4[%add3A_90, %dma_start3A_129] : memref<262144x128xf32, #tpu.memory_space<hbm>> -> memref<512x128xf32, #tpu.memory_space<hbm>>
      %dma_start3A_131 = arith.constant 0 : i32
      %dma_start3A_132 = tpu.memref_slice %arg4[%add3A_90, %dma_start3A_131] : memref<262144x128xf32, #tpu.memory_space<hbm>> -> memref<512x128xf32, #tpu.memory_space<hbm>>
      tpu.enqueue_dma source(%arg6 : memref<512x128xf32, #tpu.memory_space<vmem>>) target(%dma_start3A_132 : memref<512x128xf32, #tpu.memory_space<hbm>>) target_semaphore(%run_scoped3A : memref<!tpu.dma_semaphore, #tpu.memory_space<semaphore_mem>>)
      %dma_wait3A_133 = arith.constant 0 : i32
      %dma_wait3A_134 = tpu.memref_slice %arg4[%add3A_90, %dma_wait3A_133] : memref<262144x128xf32, #tpu.memory_space<hbm>> -> memref<512x128xf32, #tpu.memory_space<hbm>>
      %dma_wait3A_135 = arith.constant 0 : i32
      %dma_wait3A_136 = tpu.memref_slice %arg4[%add3A_90, %dma_wait3A_135] : memref<262144x128xf32, #tpu.memory_space<hbm>> -> memref<512x128xf32, #tpu.memory_space<hbm>>
      tpu.wait_dma2 semaphore(%run_scoped3A : memref<!tpu.dma_semaphore, #tpu.memory_space<semaphore_mem>>) src(%arg6 : memref<512x128xf32, #tpu.memory_space<vmem>>) dst(%dma_wait3A_136 : memref<512x128xf32, #tpu.memory_space<hbm>>)
      tpu.yield
    }) : () -> ()
    %add3A_97 = arith.constant 6144 : i32
    %add3A_98 = arith.addi %mul3A_2, %add3A_97 : i32
    "tpu.region"() ({
      %run_scoped3A = tpu.sem_alloc : memref<!tpu.dma_semaphore, #tpu.memory_space<semaphore_mem>>
      %dma_start3A_129 = tpu.memref_slice %arg3[%add3A_98] : memref<262144xi32, #tpu.memory_space<hbm>> -> memref<512xi32, #tpu.memory_space<hbm>>
      %dma_start3A_130 = tpu.memref_slice %arg3[%add3A_98] : memref<262144xi32, #tpu.memory_space<hbm>> -> memref<512xi32, #tpu.memory_space<hbm>>
      tpu.enqueue_dma source(%dma_start3A_130 : memref<512xi32, #tpu.memory_space<hbm>>) target(%arg5 : memref<512xi32, #tpu.memory_space<vmem>>) target_semaphore(%run_scoped3A : memref<!tpu.dma_semaphore, #tpu.memory_space<semaphore_mem>>)
      %dma_wait3A_131 = tpu.memref_slice %arg3[%add3A_98] : memref<262144xi32, #tpu.memory_space<hbm>> -> memref<512xi32, #tpu.memory_space<hbm>>
      %dma_wait3A_132 = tpu.memref_slice %arg3[%add3A_98] : memref<262144xi32, #tpu.memory_space<hbm>> -> memref<512xi32, #tpu.memory_space<hbm>>
      tpu.wait_dma2 semaphore(%run_scoped3A : memref<!tpu.dma_semaphore, #tpu.memory_space<semaphore_mem>>) src(%dma_wait3A_132 : memref<512xi32, #tpu.memory_space<hbm>>) dst(%arg5 : memref<512xi32, #tpu.memory_space<vmem>>)
      tpu.yield
    }) : () -> ()
    %dma_start3A_99 = arith.constant 0 : i32
    %dma_start3A_100 = arith.constant 0 : i32
    %dma_start3A_101 = tpu.memref_slice %arg2[%dma_start3A_99, %dma_start3A_100] : memref<131072x128xf32, #tpu.memory_space<hbm>> -> memref<131072x128xf32, #tpu.memory_space<hbm>>
    tpu.enqueue_indirect_dma source(%dma_start3A_101 : memref<131072x128xf32, #tpu.memory_space<hbm>>) target(%arg6 : memref<512x128xf32, #tpu.memory_space<vmem>>) offsets(%arg5 : memref<512xi32, #tpu.memory_space<vmem>>) semaphore(%arg7 : memref<!tpu.dma_semaphore, #tpu.memory_space<semaphore_mem>>)
    %dma_wait3A_102 = arith.constant 0 : i32
    %dma_wait3A_103 = arith.constant 0 : i32
    %dma_wait3A_104 = tpu.memref_slice %arg2[%dma_wait3A_102, %dma_wait3A_103] : memref<131072x128xf32, #tpu.memory_space<hbm>> -> memref<131072x128xf32, #tpu.memory_space<hbm>>
    tpu.wait_indirect_dma semaphore(%arg7 : memref<!tpu.dma_semaphore, #tpu.memory_space<semaphore_mem>>) src(%dma_wait3A_104 : memref<131072x128xf32, #tpu.memory_space<hbm>>) dst(%arg6 : memref<512x128xf32, #tpu.memory_space<vmem>>)
    "tpu.region"() ({
      %run_scoped3A = tpu.sem_alloc : memref<!tpu.dma_semaphore, #tpu.memory_space<semaphore_mem>>
      %dma_start3A_129 = arith.constant 0 : i32
      %dma_start3A_130 = tpu.memref_slice %arg4[%add3A_98, %dma_start3A_129] : memref<262144x128xf32, #tpu.memory_space<hbm>> -> memref<512x128xf32, #tpu.memory_space<hbm>>
      %dma_start3A_131 = arith.constant 0 : i32
      %dma_start3A_132 = tpu.memref_slice %arg4[%add3A_98, %dma_start3A_131] : memref<262144x128xf32, #tpu.memory_space<hbm>> -> memref<512x128xf32, #tpu.memory_space<hbm>>
      tpu.enqueue_dma source(%arg6 : memref<512x128xf32, #tpu.memory_space<vmem>>) target(%dma_start3A_132 : memref<512x128xf32, #tpu.memory_space<hbm>>) target_semaphore(%run_scoped3A : memref<!tpu.dma_semaphore, #tpu.memory_space<semaphore_mem>>)
      %dma_wait3A_133 = arith.constant 0 : i32
      %dma_wait3A_134 = tpu.memref_slice %arg4[%add3A_98, %dma_wait3A_133] : memref<262144x128xf32, #tpu.memory_space<hbm>> -> memref<512x128xf32, #tpu.memory_space<hbm>>
      %dma_wait3A_135 = arith.constant 0 : i32
      %dma_wait3A_136 = tpu.memref_slice %arg4[%add3A_98, %dma_wait3A_135] : memref<262144x128xf32, #tpu.memory_space<hbm>> -> memref<512x128xf32, #tpu.memory_space<hbm>>
      tpu.wait_dma2 semaphore(%run_scoped3A : memref<!tpu.dma_semaphore, #tpu.memory_space<semaphore_mem>>) src(%arg6 : memref<512x128xf32, #tpu.memory_space<vmem>>) dst(%dma_wait3A_136 : memref<512x128xf32, #tpu.memory_space<hbm>>)
      tpu.yield
    }) : () -> ()
    %add3A_105 = arith.constant 6656 : i32
    %add3A_106 = arith.addi %mul3A_2, %add3A_105 : i32
    "tpu.region"() ({
      %run_scoped3A = tpu.sem_alloc : memref<!tpu.dma_semaphore, #tpu.memory_space<semaphore_mem>>
      %dma_start3A_129 = tpu.memref_slice %arg3[%add3A_106] : memref<262144xi32, #tpu.memory_space<hbm>> -> memref<512xi32, #tpu.memory_space<hbm>>
      %dma_start3A_130 = tpu.memref_slice %arg3[%add3A_106] : memref<262144xi32, #tpu.memory_space<hbm>> -> memref<512xi32, #tpu.memory_space<hbm>>
      tpu.enqueue_dma source(%dma_start3A_130 : memref<512xi32, #tpu.memory_space<hbm>>) target(%arg5 : memref<512xi32, #tpu.memory_space<vmem>>) target_semaphore(%run_scoped3A : memref<!tpu.dma_semaphore, #tpu.memory_space<semaphore_mem>>)
      %dma_wait3A_131 = tpu.memref_slice %arg3[%add3A_106] : memref<262144xi32, #tpu.memory_space<hbm>> -> memref<512xi32, #tpu.memory_space<hbm>>
      %dma_wait3A_132 = tpu.memref_slice %arg3[%add3A_106] : memref<262144xi32, #tpu.memory_space<hbm>> -> memref<512xi32, #tpu.memory_space<hbm>>
      tpu.wait_dma2 semaphore(%run_scoped3A : memref<!tpu.dma_semaphore, #tpu.memory_space<semaphore_mem>>) src(%dma_wait3A_132 : memref<512xi32, #tpu.memory_space<hbm>>) dst(%arg5 : memref<512xi32, #tpu.memory_space<vmem>>)
      tpu.yield
    }) : () -> ()
    %dma_start3A_107 = arith.constant 0 : i32
    %dma_start3A_108 = arith.constant 0 : i32
    %dma_start3A_109 = tpu.memref_slice %arg2[%dma_start3A_107, %dma_start3A_108] : memref<131072x128xf32, #tpu.memory_space<hbm>> -> memref<131072x128xf32, #tpu.memory_space<hbm>>
    tpu.enqueue_indirect_dma source(%dma_start3A_109 : memref<131072x128xf32, #tpu.memory_space<hbm>>) target(%arg6 : memref<512x128xf32, #tpu.memory_space<vmem>>) offsets(%arg5 : memref<512xi32, #tpu.memory_space<vmem>>) semaphore(%arg7 : memref<!tpu.dma_semaphore, #tpu.memory_space<semaphore_mem>>)
    %dma_wait3A_110 = arith.constant 0 : i32
    %dma_wait3A_111 = arith.constant 0 : i32
    %dma_wait3A_112 = tpu.memref_slice %arg2[%dma_wait3A_110, %dma_wait3A_111] : memref<131072x128xf32, #tpu.memory_space<hbm>> -> memref<131072x128xf32, #tpu.memory_space<hbm>>
    tpu.wait_indirect_dma semaphore(%arg7 : memref<!tpu.dma_semaphore, #tpu.memory_space<semaphore_mem>>) src(%dma_wait3A_112 : memref<131072x128xf32, #tpu.memory_space<hbm>>) dst(%arg6 : memref<512x128xf32, #tpu.memory_space<vmem>>)
    "tpu.region"() ({
      %run_scoped3A = tpu.sem_alloc : memref<!tpu.dma_semaphore, #tpu.memory_space<semaphore_mem>>
      %dma_start3A_129 = arith.constant 0 : i32
      %dma_start3A_130 = tpu.memref_slice %arg4[%add3A_106, %dma_start3A_129] : memref<262144x128xf32, #tpu.memory_space<hbm>> -> memref<512x128xf32, #tpu.memory_space<hbm>>
      %dma_start3A_131 = arith.constant 0 : i32
      %dma_start3A_132 = tpu.memref_slice %arg4[%add3A_106, %dma_start3A_131] : memref<262144x128xf32, #tpu.memory_space<hbm>> -> memref<512x128xf32, #tpu.memory_space<hbm>>
      tpu.enqueue_dma source(%arg6 : memref<512x128xf32, #tpu.memory_space<vmem>>) target(%dma_start3A_132 : memref<512x128xf32, #tpu.memory_space<hbm>>) target_semaphore(%run_scoped3A : memref<!tpu.dma_semaphore, #tpu.memory_space<semaphore_mem>>)
      %dma_wait3A_133 = arith.constant 0 : i32
      %dma_wait3A_134 = tpu.memref_slice %arg4[%add3A_106, %dma_wait3A_133] : memref<262144x128xf32, #tpu.memory_space<hbm>> -> memref<512x128xf32, #tpu.memory_space<hbm>>
      %dma_wait3A_135 = arith.constant 0 : i32
      %dma_wait3A_136 = tpu.memref_slice %arg4[%add3A_106, %dma_wait3A_135] : memref<262144x128xf32, #tpu.memory_space<hbm>> -> memref<512x128xf32, #tpu.memory_space<hbm>>
      tpu.wait_dma2 semaphore(%run_scoped3A : memref<!tpu.dma_semaphore, #tpu.memory_space<semaphore_mem>>) src(%arg6 : memref<512x128xf32, #tpu.memory_space<vmem>>) dst(%dma_wait3A_136 : memref<512x128xf32, #tpu.memory_space<hbm>>)
      tpu.yield
    }) : () -> ()
    %add3A_113 = arith.constant 7168 : i32
    %add3A_114 = arith.addi %mul3A_2, %add3A_113 : i32
    "tpu.region"() ({
      %run_scoped3A = tpu.sem_alloc : memref<!tpu.dma_semaphore, #tpu.memory_space<semaphore_mem>>
      %dma_start3A_129 = tpu.memref_slice %arg3[%add3A_114] : memref<262144xi32, #tpu.memory_space<hbm>> -> memref<512xi32, #tpu.memory_space<hbm>>
      %dma_start3A_130 = tpu.memref_slice %arg3[%add3A_114] : memref<262144xi32, #tpu.memory_space<hbm>> -> memref<512xi32, #tpu.memory_space<hbm>>
      tpu.enqueue_dma source(%dma_start3A_130 : memref<512xi32, #tpu.memory_space<hbm>>) target(%arg5 : memref<512xi32, #tpu.memory_space<vmem>>) target_semaphore(%run_scoped3A : memref<!tpu.dma_semaphore, #tpu.memory_space<semaphore_mem>>)
      %dma_wait3A_131 = tpu.memref_slice %arg3[%add3A_114] : memref<262144xi32, #tpu.memory_space<hbm>> -> memref<512xi32, #tpu.memory_space<hbm>>
      %dma_wait3A_132 = tpu.memref_slice %arg3[%add3A_114] : memref<262144xi32, #tpu.memory_space<hbm>> -> memref<512xi32, #tpu.memory_space<hbm>>
      tpu.wait_dma2 semaphore(%run_scoped3A : memref<!tpu.dma_semaphore, #tpu.memory_space<semaphore_mem>>) src(%dma_wait3A_132 : memref<512xi32, #tpu.memory_space<hbm>>) dst(%arg5 : memref<512xi32, #tpu.memory_space<vmem>>)
      tpu.yield
    }) : () -> ()
    %dma_start3A_115 = arith.constant 0 : i32
    %dma_start3A_116 = arith.constant 0 : i32
    %dma_start3A_117 = tpu.memref_slice %arg2[%dma_start3A_115, %dma_start3A_116] : memref<131072x128xf32, #tpu.memory_space<hbm>> -> memref<131072x128xf32, #tpu.memory_space<hbm>>
    tpu.enqueue_indirect_dma source(%dma_start3A_117 : memref<131072x128xf32, #tpu.memory_space<hbm>>) target(%arg6 : memref<512x128xf32, #tpu.memory_space<vmem>>) offsets(%arg5 : memref<512xi32, #tpu.memory_space<vmem>>) semaphore(%arg7 : memref<!tpu.dma_semaphore, #tpu.memory_space<semaphore_mem>>)
    %dma_wait3A_118 = arith.constant 0 : i32
    %dma_wait3A_119 = arith.constant 0 : i32
    %dma_wait3A_120 = tpu.memref_slice %arg2[%dma_wait3A_118, %dma_wait3A_119] : memref<131072x128xf32, #tpu.memory_space<hbm>> -> memref<131072x128xf32, #tpu.memory_space<hbm>>
    tpu.wait_indirect_dma semaphore(%arg7 : memref<!tpu.dma_semaphore, #tpu.memory_space<semaphore_mem>>) src(%dma_wait3A_120 : memref<131072x128xf32, #tpu.memory_space<hbm>>) dst(%arg6 : memref<512x128xf32, #tpu.memory_space<vmem>>)
    "tpu.region"() ({
      %run_scoped3A = tpu.sem_alloc : memref<!tpu.dma_semaphore, #tpu.memory_space<semaphore_mem>>
      %dma_start3A_129 = arith.constant 0 : i32
      %dma_start3A_130 = tpu.memref_slice %arg4[%add3A_114, %dma_start3A_129] : memref<262144x128xf32, #tpu.memory_space<hbm>> -> memref<512x128xf32, #tpu.memory_space<hbm>>
      %dma_start3A_131 = arith.constant 0 : i32
      %dma_start3A_132 = tpu.memref_slice %arg4[%add3A_114, %dma_start3A_131] : memref<262144x128xf32, #tpu.memory_space<hbm>> -> memref<512x128xf32, #tpu.memory_space<hbm>>
      tpu.enqueue_dma source(%arg6 : memref<512x128xf32, #tpu.memory_space<vmem>>) target(%dma_start3A_132 : memref<512x128xf32, #tpu.memory_space<hbm>>) target_semaphore(%run_scoped3A : memref<!tpu.dma_semaphore, #tpu.memory_space<semaphore_mem>>)
      %dma_wait3A_133 = arith.constant 0 : i32
      %dma_wait3A_134 = tpu.memref_slice %arg4[%add3A_114, %dma_wait3A_133] : memref<262144x128xf32, #tpu.memory_space<hbm>> -> memref<512x128xf32, #tpu.memory_space<hbm>>
      %dma_wait3A_135 = arith.constant 0 : i32
      %dma_wait3A_136 = tpu.memref_slice %arg4[%add3A_114, %dma_wait3A_135] : memref<262144x128xf32, #tpu.memory_space<hbm>> -> memref<512x128xf32, #tpu.memory_space<hbm>>
      tpu.wait_dma2 semaphore(%run_scoped3A : memref<!tpu.dma_semaphore, #tpu.memory_space<semaphore_mem>>) src(%arg6 : memref<512x128xf32, #tpu.memory_space<vmem>>) dst(%dma_wait3A_136 : memref<512x128xf32, #tpu.memory_space<hbm>>)
      tpu.yield
    }) : () -> ()
    %add3A_121 = arith.constant 7680 : i32
    %add3A_122 = arith.addi %mul3A_2, %add3A_121 : i32
    "tpu.region"() ({
      %run_scoped3A = tpu.sem_alloc : memref<!tpu.dma_semaphore, #tpu.memory_space<semaphore_mem>>
      %dma_start3A_129 = tpu.memref_slice %arg3[%add3A_122] : memref<262144xi32, #tpu.memory_space<hbm>> -> memref<512xi32, #tpu.memory_space<hbm>>
      %dma_start3A_130 = tpu.memref_slice %arg3[%add3A_122] : memref<262144xi32, #tpu.memory_space<hbm>> -> memref<512xi32, #tpu.memory_space<hbm>>
      tpu.enqueue_dma source(%dma_start3A_130 : memref<512xi32, #tpu.memory_space<hbm>>) target(%arg5 : memref<512xi32, #tpu.memory_space<vmem>>) target_semaphore(%run_scoped3A : memref<!tpu.dma_semaphore, #tpu.memory_space<semaphore_mem>>)
      %dma_wait3A_131 = tpu.memref_slice %arg3[%add3A_122] : memref<262144xi32, #tpu.memory_space<hbm>> -> memref<512xi32, #tpu.memory_space<hbm>>
      %dma_wait3A_132 = tpu.memref_slice %arg3[%add3A_122] : memref<262144xi32, #tpu.memory_space<hbm>> -> memref<512xi32, #tpu.memory_space<hbm>>
      tpu.wait_dma2 semaphore(%run_scoped3A : memref<!tpu.dma_semaphore, #tpu.memory_space<semaphore_mem>>) src(%dma_wait3A_132 : memref<512xi32, #tpu.memory_space<hbm>>) dst(%arg5 : memref<512xi32, #tpu.memory_space<vmem>>)
      tpu.yield
    }) : () -> ()
    %dma_start3A_123 = arith.constant 0 : i32
    %dma_start3A_124 = arith.constant 0 : i32
    %dma_start3A_125 = tpu.memref_slice %arg2[%dma_start3A_123, %dma_start3A_124] : memref<131072x128xf32, #tpu.memory_space<hbm>> -> memref<131072x128xf32, #tpu.memory_space<hbm>>
    tpu.enqueue_indirect_dma source(%dma_start3A_125 : memref<131072x128xf32, #tpu.memory_space<hbm>>) target(%arg6 : memref<512x128xf32, #tpu.memory_space<vmem>>) offsets(%arg5 : memref<512xi32, #tpu.memory_space<vmem>>) semaphore(%arg7 : memref<!tpu.dma_semaphore, #tpu.memory_space<semaphore_mem>>)
    %dma_wait3A_126 = arith.constant 0 : i32
    %dma_wait3A_127 = arith.constant 0 : i32
    %dma_wait3A_128 = tpu.memref_slice %arg2[%dma_wait3A_126, %dma_wait3A_127] : memref<131072x128xf32, #tpu.memory_space<hbm>> -> memref<131072x128xf32, #tpu.memory_space<hbm>>
    tpu.wait_indirect_dma semaphore(%arg7 : memref<!tpu.dma_semaphore, #tpu.memory_space<semaphore_mem>>) src(%dma_wait3A_128 : memref<131072x128xf32, #tpu.memory_space<hbm>>) dst(%arg6 : memref<512x128xf32, #tpu.memory_space<vmem>>)
    "tpu.region"() ({
      %run_scoped3A = tpu.sem_alloc : memref<!tpu.dma_semaphore, #tpu.memory_space<semaphore_mem>>
      %dma_start3A_129 = arith.constant 0 : i32
      %dma_start3A_130 = tpu.memref_slice %arg4[%add3A_122, %dma_start3A_129] : memref<262144x128xf32, #tpu.memory_space<hbm>> -> memref<512x128xf32, #tpu.memory_space<hbm>>
      %dma_start3A_131 = arith.constant 0 : i32
      %dma_start3A_132 = tpu.memref_slice %arg4[%add3A_122, %dma_start3A_131] : memref<262144x128xf32, #tpu.memory_space<hbm>> -> memref<512x128xf32, #tpu.memory_space<hbm>>
      tpu.enqueue_dma source(%arg6 : memref<512x128xf32, #tpu.memory_space<vmem>>) target(%dma_start3A_132 : memref<512x128xf32, #tpu.memory_space<hbm>>) target_semaphore(%run_scoped3A : memref<!tpu.dma_semaphore, #tpu.memory_space<semaphore_mem>>)
      %dma_wait3A_133 = arith.constant 0 : i32
      %dma_wait3A_134 = tpu.memref_slice %arg4[%add3A_122, %dma_wait3A_133] : memref<262144x128xf32, #tpu.memory_space<hbm>> -> memref<512x128xf32, #tpu.memory_space<hbm>>
      %dma_wait3A_135 = arith.constant 0 : i32
      %dma_wait3A_136 = tpu.memref_slice %arg4[%add3A_122, %dma_wait3A_135] : memref<262144x128xf32, #tpu.memory_space<hbm>> -> memref<512x128xf32, #tpu.memory_space<hbm>>
      tpu.wait_dma2 semaphore(%run_scoped3A : memref<!tpu.dma_semaphore, #tpu.memory_space<semaphore_mem>>) src(%arg6 : memref<512x128xf32, #tpu.memory_space<vmem>>) dst(%dma_wait3A_136 : memref<512x128xf32, #tpu.memory_space<hbm>>)
      tpu.yield
    }) : () -> ()
    return
  }
}

module attributes {stable_mosaic.version = 14 : i64} {
  func.func @_proj_hash_kernel(%arg0: i32, %arg1: memref<256x1024xf32, #tpu.memory_space<vmem>>, %arg2: memref<256x1024xf32, #tpu.memory_space<vmem>>, %arg3: memref<1024x1024xf32, #tpu.memory_space<vmem>>, %arg4: memref<1x1024xf32, #tpu.memory_space<vmem>>, %arg5: memref<1024x1024xf32, #tpu.memory_space<vmem>>, %arg6: memref<1x1024xf32, #tpu.memory_space<vmem>>, %arg7: memref<1024x256xf32, #tpu.memory_space<vmem>>, %arg8: memref<256x2048xf32, #tpu.memory_space<vmem>>, %arg9: memref<256x32xi32, #tpu.memory_space<vmem>>) attributes {dimension_semantics = [#tpu.dimension_semantics<arbitrary>], iteration_bounds = array<i64: 32>, scalar_prefetch = 0 : i64, scratch_operands = 0 : i64, tpu.core_type = #tpu.core_type<tc>, window_params = [{transform_indices = @transform_0, window_bounds = array<i64: 256, 1024>}, {transform_indices = @transform_1, window_bounds = array<i64: 256, 1024>}, {pipeline_mode = #tpu.pipeline_mode<synchronous>, transform_indices = @transform_2, window_bounds = array<i64: 1024, 1024>}, {pipeline_mode = #tpu.pipeline_mode<synchronous>, transform_indices = @transform_3, window_bounds = array<i64: 1, 1024>}, {pipeline_mode = #tpu.pipeline_mode<synchronous>, transform_indices = @transform_4, window_bounds = array<i64: 1024, 1024>}, {pipeline_mode = #tpu.pipeline_mode<synchronous>, transform_indices = @transform_5, window_bounds = array<i64: 1, 1024>}, {pipeline_mode = #tpu.pipeline_mode<synchronous>, transform_indices = @transform_6, window_bounds = array<i64: 1024, 256>}, {transform_indices = @transform_7, window_bounds = array<i64: 256, 2048>}, {transform_indices = @transform_8, window_bounds = array<i64: 256, 32>}]} {
    %get3A = arith.constant 0 : index
    %get3A_0 = arith.constant 0 : index
    %get3A_1 = vector.load %arg1[%get3A, %get3A_0] : memref<256x1024xf32, #tpu.memory_space<vmem>>, vector<256x1024xf32>
    %get3A_2 = arith.constant 0 : index
    %get3A_3 = arith.constant 0 : index
    %get3A_4 = vector.load %arg3[%get3A_2, %get3A_3] : memref<1024x1024xf32, #tpu.memory_space<vmem>>, vector<1024x1024xf32>
    %dot_general3A = arith.constant dense<0.000000e+00> : vector<256x1024xf32>
    %dot_general3A_5 = tpu.matmul %get3A_1, %get3A_4, %dot_general3A {dimension_numbers = #tpu.dot_dimension_numbers<[1], [0], [0], [1], [0, 0, 1, 1], [], []>, transpose_lhs_hint = false} : vector<256x1024xf32>, vector<1024x1024xf32>, vector<256x1024xf32> -> vector<256x1024xf32>
    %get3A_6 = arith.constant 0 : index
    %get3A_7 = arith.constant 0 : index
    %get3A_8 = vector.load %arg4[%get3A_6, %get3A_7] : memref<1x1024xf32, #tpu.memory_space<vmem>>, vector<1x1024xf32>
    %add3A = vector.broadcast %get3A_8 : vector<1x1024xf32> to vector<256x1024xf32>
    %add3A_9 = arith.addf %dot_general3A_5, %add3A : vector<256x1024xf32>
    %get3A_10 = arith.constant 0 : index
    %get3A_11 = arith.constant 0 : index
    %get3A_12 = vector.load %arg2[%get3A_10, %get3A_11] : memref<256x1024xf32, #tpu.memory_space<vmem>>, vector<256x1024xf32>
    %get3A_13 = arith.constant 0 : index
    %get3A_14 = arith.constant 0 : index
    %get3A_15 = vector.load %arg5[%get3A_13, %get3A_14] : memref<1024x1024xf32, #tpu.memory_space<vmem>>, vector<1024x1024xf32>
    %dot_general3A_16 = arith.constant dense<0.000000e+00> : vector<256x1024xf32>
    %dot_general3A_17 = tpu.matmul %get3A_12, %get3A_15, %dot_general3A_16 {dimension_numbers = #tpu.dot_dimension_numbers<[1], [0], [0], [1], [0, 0, 1, 1], [], []>, transpose_lhs_hint = false} : vector<256x1024xf32>, vector<1024x1024xf32>, vector<256x1024xf32> -> vector<256x1024xf32>
    %get3A_18 = arith.constant 0 : index
    %get3A_19 = arith.constant 0 : index
    %get3A_20 = vector.load %arg6[%get3A_18, %get3A_19] : memref<1x1024xf32, #tpu.memory_space<vmem>>, vector<1x1024xf32>
    %add3A_21 = vector.broadcast %get3A_20 : vector<1x1024xf32> to vector<256x1024xf32>
    %add3A_22 = arith.addf %dot_general3A_17, %add3A_21 : vector<256x1024xf32>
    %reshape3A = vector.shape_cast %add3A_9 : vector<256x1024xf32> to vector<256x16x64xf32>
    %reshape3A_23 = vector.shape_cast %add3A_22 : vector<256x1024xf32> to vector<256x16x64xf32>
    %concatenate3A = tpu.concatenate %reshape3A, %reshape3A_23 in 2 : vector<256x16x64xf32>, vector<256x16x64xf32> -> vector<256x16x128xf32>
    %reshape3A_24 = vector.shape_cast %concatenate3A : vector<256x16x128xf32> to vector<256x2048xf32>
    %swap3A = arith.constant 0 : index
    %swap3A_25 = arith.constant 0 : index
    %swap3A_26 = vector.load %arg8[%swap3A, %swap3A_25] : memref<256x2048xf32, #tpu.memory_space<vmem>>, vector<256x2048xf32>
    tpu.vector_store %arg8[%swap3A, %swap3A_25], %reshape3A_24 {strides = array<i32>} : memref<256x2048xf32, #tpu.memory_space<vmem>>, vector<256x2048xf32>,
    %get3A_27 = arith.constant 0 : index
    %get3A_28 = arith.constant 0 : index
    %get3A_29 = vector.load %arg7[%get3A_27, %get3A_28] : memref<1024x256xf32, #tpu.memory_space<vmem>>, vector<1024x256xf32>
    %dot_general3A_30 = arith.constant dense<0.000000e+00> : vector<256x256xf32>
    %dot_general3A_31 = tpu.matmul %add3A_9, %get3A_29, %dot_general3A_30 {dimension_numbers = #tpu.dot_dimension_numbers<[1], [0], [0], [1], [0, 0, 1, 1], [], []>, transpose_lhs_hint = false} : vector<256x1024xf32>, vector<1024x256xf32>, vector<256x256xf32> -> vector<256x256xf32>
    %reshape3A_32 = vector.shape_cast %dot_general3A_31 : vector<256x256xf32> to vector<256x2x16x8xf32>
    %iota3A = tpu.iota {dimensions = array<i32: 3>} : vector<256x2x16x8xi32>
    %reduce_max3A = arith.constant dense<0xFF800000> : vector<256x2x16xf32>
    %reduce_max3A_33 = vector.multi_reduction <maximumf>, %reshape3A_32, %reduce_max3A [3] : vector<256x2x16x8xf32> to vector<256x2x16xf32>
    %broadcast_in_dim3A = vector.shape_cast %reduce_max3A_33 : vector<256x2x16xf32> to vector<256x2x16x1xf32>
    %ge3A = vector.broadcast %broadcast_in_dim3A : vector<256x2x16x1xf32> to vector<256x2x16x8xf32>
    %ge3A_34 = arith.cmpf oge, %reshape3A_32, %ge3A : vector<256x2x16x8xf32>
    %jit3A = arith.constant 8 : i32
    %broadcast_in_dim3A_35 = vector.broadcast %jit3A : i32 to vector<256x2x16x8xi32>
    %select_n3A = arith.select %ge3A_34, %iota3A, %broadcast_in_dim3A_35 : vector<256x2x16x8xi1>, vector<256x2x16x8xi32>
    %reduce_min3A = arith.constant dense<2147483647> : vector<256x2x16xi32>
    %reduce_min3A_36 = vector.multi_reduction <minsi>, %select_n3A, %reduce_min3A [3] : vector<256x2x16x8xi32> to vector<256x2x16xi32>
    %reduce_min3A_37 = arith.constant dense<0x7F800000> : vector<256x2x16xf32>
    %reduce_min3A_38 = vector.multi_reduction <minimumf>, %reshape3A_32, %reduce_min3A_37 [3] : vector<256x2x16x8xf32> to vector<256x2x16xf32>
    %broadcast_in_dim3A_39 = vector.shape_cast %reduce_min3A_38 : vector<256x2x16xf32> to vector<256x2x16x1xf32>
    %le3A = vector.broadcast %broadcast_in_dim3A_39 : vector<256x2x16x1xf32> to vector<256x2x16x8xf32>
    %le3A_40 = arith.cmpf ole, %reshape3A_32, %le3A : vector<256x2x16x8xf32>
    %jit3A_41 = arith.constant 8 : i32
    %broadcast_in_dim3A_42 = vector.broadcast %jit3A_41 : i32 to vector<256x2x16x8xi32>
    %select_n3A_43 = arith.select %le3A_40, %iota3A, %broadcast_in_dim3A_42 : vector<256x2x16x8xi1>, vector<256x2x16x8xi32>
    %reduce_min3A_44 = arith.constant dense<2147483647> : vector<256x2x16xi32>
    %reduce_min3A_45 = vector.multi_reduction <minsi>, %select_n3A_43, %reduce_min3A_44 [3] : vector<256x2x16x8xi32> to vector<256x2x16xi32>
    %squeeze3A = vector.shape_cast %broadcast_in_dim3A : vector<256x2x16x1xf32> to vector<256x2x16xf32>
    %squeeze3A_46 = vector.shape_cast %broadcast_in_dim3A_39 : vector<256x2x16x1xf32> to vector<256x2x16xf32>
    %neg3A = arith.constant 0.000000e+00 : f32
    %neg3A_47 = vector.broadcast %neg3A : f32 to vector<256x2x16xf32>
    %neg3A_48 = arith.subf %neg3A_47, %squeeze3A_46 : vector<256x2x16xf32>
    %ge3A_49 = arith.cmpf oge, %squeeze3A, %neg3A_48 : vector<256x2x16xf32>
    %add3A_50 = arith.constant 8 : i32
    %add3A_51 = vector.broadcast %add3A_50 : i32 to vector<256x2x16xi32>
    %add3A_52 = arith.addi %add3A_51, %reduce_min3A_45 : vector<256x2x16xi32>
    %select_n3A_53 = arith.select %ge3A_49, %reduce_min3A_36, %add3A_52 : vector<256x2x16xi1>, vector<256x2x16xi32>
    %reshape3A_54 = vector.shape_cast %select_n3A_53 : vector<256x2x16xi32> to vector<256x32xi32>
    %swap3A_55 = arith.constant 0 : index
    %swap3A_56 = arith.constant 0 : index
    %swap3A_57 = vector.load %arg9[%swap3A_55, %swap3A_56] : memref<256x32xi32, #tpu.memory_space<vmem>>, vector<256x32xi32>
    tpu.vector_store %arg9[%swap3A_55, %swap3A_56], %reshape3A_54 {strides = array<i32>} : memref<256x32xi32, #tpu.memory_space<vmem>>, vector<256x32xi32>,
    return
  }
  func.func @transform_0(%arg0: i32) -> (i32, i32) {
    %c0_i32 = arith.constant 0 : i32
    %c0_i32_0 = arith.constant 0 : i32
    return %arg0, %c0_i32 : i32, i32
  }
  func.func @transform_1(%arg0: i32) -> (i32, i32) {
    %c0_i32 = arith.constant 0 : i32
    %c0_i32_0 = arith.constant 0 : i32
    return %arg0, %c0_i32 : i32, i32
  }
  func.func @transform_2(%arg0: i32) -> (i32, i32) {
    %c0_i32 = arith.constant 0 : i32
    %c0_i32_0 = arith.constant 0 : i32
    %c0_i32_1 = arith.constant 0 : i32
    return %c0_i32, %c0_i32_0 : i32, i32
  }
  func.func @transform_3(%arg0: i32) -> (i32, i32) {
    %c0_i32 = arith.constant 0 : i32
    %c0_i32_0 = arith.constant 0 : i32
    %c0_i32_1 = arith.constant 0 : i32
    return %c0_i32, %c0_i32_0 : i32, i32
  }
  func.func @transform_4(%arg0: i32) -> (i32, i32) {
    %c0_i32 = arith.constant 0 : i32
    %c0_i32_0 = arith.constant 0 : i32
    %c0_i32_1 = arith.constant 0 : i32
    return %c0_i32, %c0_i32_0 : i32, i32
  }
  func.func @transform_5(%arg0: i32) -> (i32, i32) {
    %c0_i32 = arith.constant 0 : i32
    %c0_i32_0 = arith.constant 0 : i32
    %c0_i32_1 = arith.constant 0 : i32
    return %c0_i32, %c0_i32_0 : i32, i32
  }
  func.func @transform_6(%arg0: i32) -> (i32, i32) {
    %c0_i32 = arith.constant 0 : i32
    %c0_i32_0 = arith.constant 0 : i32
    %c0_i32_1 = arith.constant 0 : i32
    return %c0_i32, %c0_i32_0 : i32, i32
  }
  func.func @transform_7(%arg0: i32) -> (i32, i32) {
    %c0_i32 = arith.constant 0 : i32
    %c0_i32_0 = arith.constant 0 : i32
    return %arg0, %c0_i32 : i32, i32
  }
  func.func @transform_8(%arg0: i32) -> (i32, i32) {
    %c0_i32 = arith.constant 0 : i32
    %c0_i32_0 = arith.constant 0 : i32
    return %arg0, %c0_i32 : i32, i32
  }
}

module attributes {stable_mosaic.version = 14 : i64} {
  func.func @_attn_kernel(%arg0: i32, %arg1: memref<1x128x128xf32, #tpu.memory_space<vmem>>, %arg2: memref<1x128x128xf32, #tpu.memory_space<vmem>>, %arg3: memref<1x1x128xi32, #tpu.memory_space<vmem>>, %arg4: memref<1x1x128xi32, #tpu.memory_space<vmem>>, %arg5: memref<1x1x128xi32, #tpu.memory_space<vmem>>, %arg6: memref<1x1x128xi32, #tpu.memory_space<vmem>>, %arg7: memref<1x128x128xf32, #tpu.memory_space<vmem>>) attributes {dimension_semantics = [#tpu.dimension_semantics<arbitrary>], iteration_bounds = array<i64: 2048>, scalar_prefetch = 0 : i64, scratch_operands = 0 : i64, tpu.core_type = #tpu.core_type<tc>, window_params = [{transform_indices = @transform_0, window_bounds = array<i64: 1, 128, 128>}, {transform_indices = @transform_1, window_bounds = array<i64: 1, 128, 128>}, {transform_indices = @transform_2, window_bounds = array<i64: 1, 1, 128>}, {transform_indices = @transform_3, window_bounds = array<i64: 1, 1, 128>}, {transform_indices = @transform_4, window_bounds = array<i64: 1, 1, 128>}, {transform_indices = @transform_5, window_bounds = array<i64: 1, 1, 128>}, {transform_indices = @transform_6, window_bounds = array<i64: 1, 128, 128>}]} {
    %get3A = arith.constant 0 : index
    %get3A_0 = arith.constant 0 : index
    %get3A_1 = arith.constant 0 : index
    %get3A_2 = vector.load %arg1[%get3A, %get3A_0, %get3A_1] : memref<1x128x128xf32, #tpu.memory_space<vmem>>, vector<1x128x128xf32>
    %get3A_3 = vector.shape_cast %get3A_2 : vector<1x128x128xf32> to vector<128x128xf32>
    %slice3A = vector.extract_strided_slice %get3A_3 {offsets = [0, 0], sizes = [128, 64], strides = [1, 1]} : vector<128x128xf32> to vector<128x64xf32>
    %get3A_4 = arith.constant 0 : index
    %get3A_5 = arith.constant 0 : index
    %get3A_6 = arith.constant 0 : index
    %get3A_7 = vector.load %arg2[%get3A_4, %get3A_5, %get3A_6] : memref<1x128x128xf32, #tpu.memory_space<vmem>>, vector<1x128x128xf32>
    %get3A_8 = vector.shape_cast %get3A_7 : vector<1x128x128xf32> to vector<128x128xf32>
    %slice3A_9 = vector.extract_strided_slice %get3A_8 {offsets = [0, 0], sizes = [128, 64], strides = [1, 1]} : vector<128x128xf32> to vector<128x64xf32>
    %mul3A = arith.mulf %slice3A, %slice3A : vector<128x64xf32>
    %reduce_sum3A = arith.constant dense<0.000000e+00> : vector<128xf32>
    %reduce_sum3A_10 = vector.multi_reduction <add>, %mul3A, %reduce_sum3A [1] : vector<128x64xf32> to vector<128xf32>
    %broadcast_in_dim3A = vector.shape_cast %reduce_sum3A_10 : vector<128xf32> to vector<128x1xf32>
    %sqrt3A = math.sqrt %broadcast_in_dim3A : vector<128x1xf32>
    %add3A = arith.constant 9.99999997E-7 : f32
    %add3A_11 = vector.broadcast %add3A : f32 to vector<128x1xf32>
    %add3A_12 = arith.addf %sqrt3A, %add3A_11 : vector<128x1xf32>
    %div3A = vector.broadcast %add3A_12 : vector<128x1xf32> to vector<128x64xf32>
    %div3A_13 = arith.divf %slice3A, %div3A : vector<128x64xf32>
    %mul3A_14 = arith.mulf %slice3A_9, %slice3A_9 : vector<128x64xf32>
    %reduce_sum3A_15 = arith.constant dense<0.000000e+00> : vector<128xf32>
    %reduce_sum3A_16 = vector.multi_reduction <add>, %mul3A_14, %reduce_sum3A_15 [1] : vector<128x64xf32> to vector<128xf32>
    %broadcast_in_dim3A_17 = vector.shape_cast %reduce_sum3A_16 : vector<128xf32> to vector<128x1xf32>
    %sqrt3A_18 = math.sqrt %broadcast_in_dim3A_17 : vector<128x1xf32>
    %add3A_19 = arith.constant 9.99999997E-7 : f32
    %add3A_20 = vector.broadcast %add3A_19 : f32 to vector<128x1xf32>
    %add3A_21 = arith.addf %sqrt3A_18, %add3A_20 : vector<128x1xf32>
    %div3A_22 = vector.broadcast %add3A_21 : vector<128x1xf32> to vector<128x64xf32>
    %div3A_23 = arith.divf %slice3A_9, %div3A_22 : vector<128x64xf32>
    %concatenate3A = tpu.concatenate %div3A_13, %div3A_23 in 0 : vector<128x64xf32>, vector<128x64xf32> -> vector<256x64xf32>
    %get3A_24 = arith.constant 0 : index
    %get3A_25 = arith.constant 0 : index
    %get3A_26 = arith.constant 0 : index
    %get3A_27 = vector.load %arg1[%get3A_24, %get3A_25, %get3A_26] : memref<1x128x128xf32, #tpu.memory_space<vmem>>, vector<1x128x128xf32>
    %get3A_28 = vector.shape_cast %get3A_27 : vector<1x128x128xf32> to vector<128x128xf32>
    %slice3A_29 = vector.extract_strided_slice %get3A_28 {offsets = [0, 64], sizes = [128, 64], strides = [1, 1]} : vector<128x128xf32> to vector<128x64xf32>
    %get3A_30 = arith.constant 0 : index
    %get3A_31 = arith.constant 0 : index
    %get3A_32 = arith.constant 0 : index
    %get3A_33 = vector.load %arg2[%get3A_30, %get3A_31, %get3A_32] : memref<1x128x128xf32, #tpu.memory_space<vmem>>, vector<1x128x128xf32>
    %get3A_34 = vector.shape_cast %get3A_33 : vector<1x128x128xf32> to vector<128x128xf32>
    %slice3A_35 = vector.extract_strided_slice %get3A_34 {offsets = [0, 64], sizes = [128, 64], strides = [1, 1]} : vector<128x128xf32> to vector<128x64xf32>
    %concatenate3A_36 = tpu.concatenate %slice3A_29, %slice3A_35 in 0 : vector<128x64xf32>, vector<128x64xf32> -> vector<256x64xf32>
    %get3A_37 = arith.constant 0 : index
    %get3A_38 = arith.constant 0 : index
    %get3A_39 = arith.constant 0 : index
    %get3A_40 = vector.load %arg3[%get3A_37, %get3A_38, %get3A_39] : memref<1x1x128xi32, #tpu.memory_space<vmem>>, vector<1x1x128xi32>
    %get3A_41 = vector.shape_cast %get3A_40 : vector<1x1x128xi32> to vector<128xi32>
    %get3A_42 = arith.constant 0 : index
    %get3A_43 = arith.constant 0 : index
    %get3A_44 = arith.constant 0 : index
    %get3A_45 = vector.load %arg4[%get3A_42, %get3A_43, %get3A_44] : memref<1x1x128xi32, #tpu.memory_space<vmem>>, vector<1x1x128xi32>
    %get3A_46 = vector.shape_cast %get3A_45 : vector<1x1x128xi32> to vector<128xi32>
    %concatenate3A_47 = tpu.concatenate %get3A_41, %get3A_46 in 0 : vector<128xi32>, vector<128xi32> -> vector<256xi32>
    %get3A_48 = arith.constant 0 : index
    %get3A_49 = arith.constant 0 : index
    %get3A_50 = arith.constant 0 : index
    %get3A_51 = vector.load %arg5[%get3A_48, %get3A_49, %get3A_50] : memref<1x1x128xi32, #tpu.memory_space<vmem>>, vector<1x1x128xi32>
    %get3A_52 = vector.shape_cast %get3A_51 : vector<1x1x128xi32> to vector<128xi32>
    %get3A_53 = arith.constant 0 : index
    %get3A_54 = arith.constant 0 : index
    %get3A_55 = arith.constant 0 : index
    %get3A_56 = vector.load %arg6[%get3A_53, %get3A_54, %get3A_55] : memref<1x1x128xi32, #tpu.memory_space<vmem>>, vector<1x1x128xi32>
    %get3A_57 = vector.shape_cast %get3A_56 : vector<1x1x128xi32> to vector<128xi32>
    %concatenate3A_58 = tpu.concatenate %get3A_52, %get3A_57 in 0 : vector<128xi32>, vector<128xi32> -> vector<256xi32>
    %transpose3A = tpu.transpose %concatenate3A, [1, 0] : vector<256x64xf32> -> vector<64x256xf32>
    %dot_general3A = arith.constant dense<0.000000e+00> : vector<128x256xf32>
    %dot_general3A_59 = tpu.matmul %slice3A, %transpose3A, %dot_general3A {dimension_numbers = #tpu.dot_dimension_numbers<[1], [0], [0], [1], [0, 0, 1, 1], [], []>, transpose_lhs_hint = false} : vector<128x64xf32>, vector<64x256xf32>, vector<128x256xf32> -> vector<128x256xf32>
    %mul3A_60 = arith.constant 1.250000e-01 : f32
    %mul3A_61 = vector.broadcast %mul3A_60 : f32 to vector<128x256xf32>
    %mul3A_62 = arith.mulf %dot_general3A_59, %mul3A_61 : vector<128x256xf32>
    %broadcast_in_dim3A_63 = vector.shape_cast %get3A_41 : vector<128xi32> to vector<128x1xi32>
    %broadcast_in_dim3A_64 = vector.shape_cast %concatenate3A_47 : vector<256xi32> to vector<1x256xi32>
    %eq3A = vector.broadcast %broadcast_in_dim3A_63 : vector<128x1xi32> to vector<128x256xi32>
    %eq3A_65 = vector.broadcast %broadcast_in_dim3A_64 : vector<1x256xi32> to vector<128x256xi32>
    %eq3A_66 = arith.cmpi eq, %eq3A, %eq3A_65 : vector<128x256xi32>
    %broadcast_in_dim3A_67 = vector.shape_cast %get3A_52 : vector<128xi32> to vector<128x1xi32>
    %broadcast_in_dim3A_68 = vector.shape_cast %concatenate3A_58 : vector<256xi32> to vector<1x256xi32>
    %ne3A = vector.broadcast %broadcast_in_dim3A_67 : vector<128x1xi32> to vector<128x256xi32>
    %ne3A_69 = vector.broadcast %broadcast_in_dim3A_68 : vector<1x256xi32> to vector<128x256xi32>
    %ne3A_70 = arith.cmpi ne, %ne3A, %ne3A_69 : vector<128x256xi32>
    %jit3A = arith.constant -1.000000e+08 : f32
    %broadcast_in_dim3A_71 = vector.broadcast %jit3A : f32 to vector<128x256xf32>
    %select_n3A = arith.select %eq3A_66, %broadcast_in_dim3A_71, %mul3A_62 : vector<128x256xi1>, vector<128x256xf32>
    %jit3A_72 = arith.constant -1.000000e+16 : f32
    %broadcast_in_dim3A_73 = vector.broadcast %jit3A_72 : f32 to vector<128x256xf32>
    %select_n3A_74 = arith.select %ne3A_70, %broadcast_in_dim3A_73, %select_n3A : vector<128x256xi1>, vector<128x256xf32>
    %reduce_max3A = arith.constant dense<0xFF800000> : vector<128xf32>
    %reduce_max3A_75 = vector.multi_reduction <maximumf>, %select_n3A_74, %reduce_max3A [1] : vector<128x256xf32> to vector<128xf32>
    %broadcast_in_dim3A_76 = vector.shape_cast %reduce_max3A_75 : vector<128xf32> to vector<128x1xf32>
    %sub3A = vector.broadcast %broadcast_in_dim3A_76 : vector<128x1xf32> to vector<128x256xf32>
    %sub3A_77 = arith.subf %select_n3A_74, %sub3A : vector<128x256xf32>
    %exp3A = math.exp %sub3A_77 : vector<128x256xf32>
    %reduce_sum3A_78 = arith.constant dense<0.000000e+00> : vector<128xf32>
    %reduce_sum3A_79 = vector.multi_reduction <add>, %exp3A, %reduce_sum3A_78 [1] : vector<128x256xf32> to vector<128xf32>
    %broadcast_in_dim3A_80 = vector.shape_cast %reduce_sum3A_79 : vector<128xf32> to vector<128x1xf32>
    %dot_general3A_81 = arith.constant dense<0.000000e+00> : vector<128x64xf32>
    %dot_general3A_82 = tpu.matmul %exp3A, %concatenate3A_36, %dot_general3A_81 {dimension_numbers = #tpu.dot_dimension_numbers<[1], [0], [0], [1], [0, 0, 1, 1], [], []>, transpose_lhs_hint = false} : vector<128x256xf32>, vector<256x64xf32>, vector<128x64xf32> -> vector<128x64xf32>
    %div3A_83 = vector.broadcast %broadcast_in_dim3A_80 : vector<128x1xf32> to vector<128x64xf32>
    %div3A_84 = arith.divf %dot_general3A_82, %div3A_83 : vector<128x64xf32>
    %log3A = math.log %broadcast_in_dim3A_80 : vector<128x1xf32>
    %add3A_85 = arith.addf %broadcast_in_dim3A_76, %log3A : vector<128x1xf32>
    %broadcast_in_dim3A_86 = arith.constant 0.000000e+00 : f32
    %broadcast_in_dim3A_87 = vector.broadcast %broadcast_in_dim3A_86 : f32 to vector<128x63xf32>
    %concatenate3A_88 = tpu.concatenate %div3A_84, %add3A_85, %broadcast_in_dim3A_87 in 1 : vector<128x64xf32>, vector<128x1xf32>, vector<128x63xf32> -> vector<128x128xf32>
    %swap3A = arith.constant 0 : index
    %swap3A_89 = arith.constant 0 : index
    %swap3A_90 = arith.constant 0 : index
    %swap3A_91 = vector.load %arg7[%swap3A, %swap3A_89, %swap3A_90] : memref<1x128x128xf32, #tpu.memory_space<vmem>>, vector<1x128x128xf32>
    %swap3A_92 = vector.shape_cast %swap3A_91 : vector<1x128x128xf32> to vector<128x128xf32>
    %swap3A_93 = vector.shape_cast %concatenate3A_88 : vector<128x128xf32> to vector<1x128x128xf32>
    tpu.vector_store %arg7[%swap3A, %swap3A_89, %swap3A_90], %swap3A_93 {strides = array<i32>} : memref<1x128x128xf32, #tpu.memory_space<vmem>>, vector<1x128x128xf32>,
    return
  }
  func.func @transform_0(%arg0: i32) -> (i32, i32, i32) {
    %c0_i32 = arith.constant 0 : i32
    %c0_i32_0 = arith.constant 0 : i32
    %c0_i32_1 = arith.constant 0 : i32
    return %arg0, %c0_i32, %c0_i32_0 : i32, i32, i32
  }
  func.func @transform_1(%arg0: i32) -> (i32, i32, i32) {
    %jit3A = arith.constant 32 : i32
    %div3A = arith.divsi %arg0, %jit3A : i32
    %sign3A = arith.constant 0 : i32
    %sign3A_0 = arith.cmpi sgt, %arg0, %sign3A : i32
    %sign3A_1 = arith.extui %sign3A_0 : i1 to i32
    %sign3A_2 = arith.constant 0 : i32
    %sign3A_3 = arith.cmpi slt, %arg0, %sign3A_2 : i32
    %sign3A_4 = arith.extui %sign3A_3 : i1 to i32
    %sign3A_5 = arith.subi %sign3A_1, %sign3A_4 : i32
    %sign3A_6 = arith.constant 0 : i32
    %sign3A_7 = arith.cmpi sgt, %jit3A, %sign3A_6 : i32
    %sign3A_8 = arith.extui %sign3A_7 : i1 to i32
    %sign3A_9 = arith.constant 0 : i32
    %sign3A_10 = arith.cmpi slt, %jit3A, %sign3A_9 : i32
    %sign3A_11 = arith.extui %sign3A_10 : i1 to i32
    %sign3A_12 = arith.subi %sign3A_8, %sign3A_11 : i32
    %ne3A = arith.cmpi ne, %sign3A_5, %sign3A_12 : i32
    %rem3A = arith.remsi %arg0, %jit3A : i32
    %ne3A_13 = arith.constant 0 : i32
    %ne3A_14 = arith.cmpi ne, %rem3A, %ne3A_13 : i32
    %and3A = arith.andi %ne3A, %ne3A_14 : i1
    %sub3A = arith.constant 1 : i32
    %sub3A_15 = arith.subi %div3A, %sub3A : i32
    %select_n3A = arith.select %and3A, %sub3A_15, %div3A : i32
    %mul3A = arith.constant 32 : i32
    %mul3A_16 = arith.muli %select_n3A, %mul3A : i32
    %jit3A_17 = arith.constant 32 : i32
    %eq3A = arith.constant 0 : i32
    %eq3A_18 = arith.cmpi eq, %jit3A_17, %eq3A : i32
    %jit3A_19 = arith.constant 1 : i32
    %select_n3A_20 = arith.select %eq3A_18, %jit3A_19, %jit3A_17 : i32
    %rem3A_21 = arith.remsi %arg0, %select_n3A_20 : i32
    %ne3A_22 = arith.constant 0 : i32
    %ne3A_23 = arith.cmpi ne, %rem3A_21, %ne3A_22 : i32
    %lt3A = arith.constant 0 : i32
    %lt3A_24 = arith.cmpi slt, %rem3A_21, %lt3A : i32
    %lt3A_25 = arith.constant 0 : i32
    %lt3A_26 = arith.cmpi slt, %select_n3A_20, %lt3A_25 : i32
    %ne3A_27 = arith.xori %lt3A_24, %lt3A_26 : i1
    %and3A_28 = arith.andi %ne3A_27, %ne3A_23 : i1
    %add3A = arith.addi %rem3A_21, %select_n3A_20 : i32
    %select_n3A_29 = arith.select %and3A_28, %add3A, %rem3A_21 : i32
    %add3A_30 = arith.constant 32 : i32
    %add3A_31 = arith.addi %select_n3A_29, %add3A_30 : i32
    %sub3A_32 = arith.constant 1 : i32
    %sub3A_33 = arith.subi %add3A_31, %sub3A_32 : i32
    %jit3A_34 = arith.constant 32 : i32
    %eq3A_35 = arith.constant 0 : i32
    %eq3A_36 = arith.cmpi eq, %jit3A_34, %eq3A_35 : i32
    %jit3A_37 = arith.constant 1 : i32
    %select_n3A_38 = arith.select %eq3A_36, %jit3A_37, %jit3A_34 : i32
    %rem3A_39 = arith.remsi %sub3A_33, %select_n3A_38 : i32
    %ne3A_40 = arith.constant 0 : i32
    %ne3A_41 = arith.cmpi ne, %rem3A_39, %ne3A_40 : i32
    %lt3A_42 = arith.constant 0 : i32
    %lt3A_43 = arith.cmpi slt, %rem3A_39, %lt3A_42 : i32
    %lt3A_44 = arith.constant 0 : i32
    %lt3A_45 = arith.cmpi slt, %select_n3A_38, %lt3A_44 : i32
    %ne3A_46 = arith.xori %lt3A_43, %lt3A_45 : i1
    %and3A_47 = arith.andi %ne3A_46, %ne3A_41 : i1
    %add3A_48 = arith.addi %rem3A_39, %select_n3A_38 : i32
    %select_n3A_49 = arith.select %and3A_47, %add3A_48, %rem3A_39 : i32
    %add3A_50 = arith.addi %mul3A_16, %select_n3A_49 : i32
    %c0_i32 = arith.constant 0 : i32
    %c0_i32_51 = arith.constant 0 : i32
    %c0_i32_52 = arith.constant 0 : i32
    return %add3A_50, %c0_i32, %c0_i32_51 : i32, i32, i32
  }
  func.func @transform_2(%arg0: i32) -> (i32, i32, i32) {
    %c0_i32 = arith.constant 0 : i32
    %c0_i32_0 = arith.constant 0 : i32
    %c0_i32_1 = arith.constant 0 : i32
    return %arg0, %c0_i32, %c0_i32_0 : i32, i32, i32
  }
  func.func @transform_3(%arg0: i32) -> (i32, i32, i32) {
    %jit3A = arith.constant 32 : i32
    %div3A = arith.divsi %arg0, %jit3A : i32
    %sign3A = arith.constant 0 : i32
    %sign3A_0 = arith.cmpi sgt, %arg0, %sign3A : i32
    %sign3A_1 = arith.extui %sign3A_0 : i1 to i32
    %sign3A_2 = arith.constant 0 : i32
    %sign3A_3 = arith.cmpi slt, %arg0, %sign3A_2 : i32
    %sign3A_4 = arith.extui %sign3A_3 : i1 to i32
    %sign3A_5 = arith.subi %sign3A_1, %sign3A_4 : i32
    %sign3A_6 = arith.constant 0 : i32
    %sign3A_7 = arith.cmpi sgt, %jit3A, %sign3A_6 : i32
    %sign3A_8 = arith.extui %sign3A_7 : i1 to i32
    %sign3A_9 = arith.constant 0 : i32
    %sign3A_10 = arith.cmpi slt, %jit3A, %sign3A_9 : i32
    %sign3A_11 = arith.extui %sign3A_10 : i1 to i32
    %sign3A_12 = arith.subi %sign3A_8, %sign3A_11 : i32
    %ne3A = arith.cmpi ne, %sign3A_5, %sign3A_12 : i32
    %rem3A = arith.remsi %arg0, %jit3A : i32
    %ne3A_13 = arith.constant 0 : i32
    %ne3A_14 = arith.cmpi ne, %rem3A, %ne3A_13 : i32
    %and3A = arith.andi %ne3A, %ne3A_14 : i1
    %sub3A = arith.constant 1 : i32
    %sub3A_15 = arith.subi %div3A, %sub3A : i32
    %select_n3A = arith.select %and3A, %sub3A_15, %div3A : i32
    %mul3A = arith.constant 32 : i32
    %mul3A_16 = arith.muli %select_n3A, %mul3A : i32
    %jit3A_17 = arith.constant 32 : i32
    %eq3A = arith.constant 0 : i32
    %eq3A_18 = arith.cmpi eq, %jit3A_17, %eq3A : i32
    %jit3A_19 = arith.constant 1 : i32
    %select_n3A_20 = arith.select %eq3A_18, %jit3A_19, %jit3A_17 : i32
    %rem3A_21 = arith.remsi %arg0, %select_n3A_20 : i32
    %ne3A_22 = arith.constant 0 : i32
    %ne3A_23 = arith.cmpi ne, %rem3A_21, %ne3A_22 : i32
    %lt3A = arith.constant 0 : i32
    %lt3A_24 = arith.cmpi slt, %rem3A_21, %lt3A : i32
    %lt3A_25 = arith.constant 0 : i32
    %lt3A_26 = arith.cmpi slt, %select_n3A_20, %lt3A_25 : i32
    %ne3A_27 = arith.xori %lt3A_24, %lt3A_26 : i1
    %and3A_28 = arith.andi %ne3A_27, %ne3A_23 : i1
    %add3A = arith.addi %rem3A_21, %select_n3A_20 : i32
    %select_n3A_29 = arith.select %and3A_28, %add3A, %rem3A_21 : i32
    %add3A_30 = arith.constant 32 : i32
    %add3A_31 = arith.addi %select_n3A_29, %add3A_30 : i32
    %sub3A_32 = arith.constant 1 : i32
    %sub3A_33 = arith.subi %add3A_31, %sub3A_32 : i32
    %jit3A_34 = arith.constant 32 : i32
    %eq3A_35 = arith.constant 0 : i32
    %eq3A_36 = arith.cmpi eq, %jit3A_34, %eq3A_35 : i32
    %jit3A_37 = arith.constant 1 : i32
    %select_n3A_38 = arith.select %eq3A_36, %jit3A_37, %jit3A_34 : i32
    %rem3A_39 = arith.remsi %sub3A_33, %select_n3A_38 : i32
    %ne3A_40 = arith.constant 0 : i32
    %ne3A_41 = arith.cmpi ne, %rem3A_39, %ne3A_40 : i32
    %lt3A_42 = arith.constant 0 : i32
    %lt3A_43 = arith.cmpi slt, %rem3A_39, %lt3A_42 : i32
    %lt3A_44 = arith.constant 0 : i32
    %lt3A_45 = arith.cmpi slt, %select_n3A_38, %lt3A_44 : i32
    %ne3A_46 = arith.xori %lt3A_43, %lt3A_45 : i1
    %and3A_47 = arith.andi %ne3A_46, %ne3A_41 : i1
    %add3A_48 = arith.addi %rem3A_39, %select_n3A_38 : i32
    %select_n3A_49 = arith.select %and3A_47, %add3A_48, %rem3A_39 : i32
    %add3A_50 = arith.addi %mul3A_16, %select_n3A_49 : i32
    %c0_i32 = arith.constant 0 : i32
    %c0_i32_51 = arith.constant 0 : i32
    %c0_i32_52 = arith.constant 0 : i32
    return %add3A_50, %c0_i32, %c0_i32_51 : i32, i32, i32
  }
  func.func @transform_4(%arg0: i32) -> (i32, i32, i32) {
    %c0_i32 = arith.constant 0 : i32
    %c0_i32_0 = arith.constant 0 : i32
    %c0_i32_1 = arith.constant 0 : i32
    return %arg0, %c0_i32, %c0_i32_0 : i32, i32, i32
  }
  func.func @transform_5(%arg0: i32) -> (i32, i32, i32) {
    %jit3A = arith.constant 32 : i32
    %div3A = arith.divsi %arg0, %jit3A : i32
    %sign3A = arith.constant 0 : i32
    %sign3A_0 = arith.cmpi sgt, %arg0, %sign3A : i32
    %sign3A_1 = arith.extui %sign3A_0 : i1 to i32
    %sign3A_2 = arith.constant 0 : i32
    %sign3A_3 = arith.cmpi slt, %arg0, %sign3A_2 : i32
    %sign3A_4 = arith.extui %sign3A_3 : i1 to i32
    %sign3A_5 = arith.subi %sign3A_1, %sign3A_4 : i32
    %sign3A_6 = arith.constant 0 : i32
    %sign3A_7 = arith.cmpi sgt, %jit3A, %sign3A_6 : i32
    %sign3A_8 = arith.extui %sign3A_7 : i1 to i32
    %sign3A_9 = arith.constant 0 : i32
    %sign3A_10 = arith.cmpi slt, %jit3A, %sign3A_9 : i32
    %sign3A_11 = arith.extui %sign3A_10 : i1 to i32
    %sign3A_12 = arith.subi %sign3A_8, %sign3A_11 : i32
    %ne3A = arith.cmpi ne, %sign3A_5, %sign3A_12 : i32
    %rem3A = arith.remsi %arg0, %jit3A : i32
    %ne3A_13 = arith.constant 0 : i32
    %ne3A_14 = arith.cmpi ne, %rem3A, %ne3A_13 : i32
    %and3A = arith.andi %ne3A, %ne3A_14 : i1
    %sub3A = arith.constant 1 : i32
    %sub3A_15 = arith.subi %div3A, %sub3A : i32
    %select_n3A = arith.select %and3A, %sub3A_15, %div3A : i32
    %mul3A = arith.constant 32 : i32
    %mul3A_16 = arith.muli %select_n3A, %mul3A : i32
    %jit3A_17 = arith.constant 32 : i32
    %eq3A = arith.constant 0 : i32
    %eq3A_18 = arith.cmpi eq, %jit3A_17, %eq3A : i32
    %jit3A_19 = arith.constant 1 : i32
    %select_n3A_20 = arith.select %eq3A_18, %jit3A_19, %jit3A_17 : i32
    %rem3A_21 = arith.remsi %arg0, %select_n3A_20 : i32
    %ne3A_22 = arith.constant 0 : i32
    %ne3A_23 = arith.cmpi ne, %rem3A_21, %ne3A_22 : i32
    %lt3A = arith.constant 0 : i32
    %lt3A_24 = arith.cmpi slt, %rem3A_21, %lt3A : i32
    %lt3A_25 = arith.constant 0 : i32
    %lt3A_26 = arith.cmpi slt, %select_n3A_20, %lt3A_25 : i32
    %ne3A_27 = arith.xori %lt3A_24, %lt3A_26 : i1
    %and3A_28 = arith.andi %ne3A_27, %ne3A_23 : i1
    %add3A = arith.addi %rem3A_21, %select_n3A_20 : i32
    %select_n3A_29 = arith.select %and3A_28, %add3A, %rem3A_21 : i32
    %add3A_30 = arith.constant 32 : i32
    %add3A_31 = arith.addi %select_n3A_29, %add3A_30 : i32
    %sub3A_32 = arith.constant 1 : i32
    %sub3A_33 = arith.subi %add3A_31, %sub3A_32 : i32
    %jit3A_34 = arith.constant 32 : i32
    %eq3A_35 = arith.constant 0 : i32
    %eq3A_36 = arith.cmpi eq, %jit3A_34, %eq3A_35 : i32
    %jit3A_37 = arith.constant 1 : i32
    %select_n3A_38 = arith.select %eq3A_36, %jit3A_37, %jit3A_34 : i32
    %rem3A_39 = arith.remsi %sub3A_33, %select_n3A_38 : i32
    %ne3A_40 = arith.constant 0 : i32
    %ne3A_41 = arith.cmpi ne, %rem3A_39, %ne3A_40 : i32
    %lt3A_42 = arith.constant 0 : i32
    %lt3A_43 = arith.cmpi slt, %rem3A_39, %lt3A_42 : i32
    %lt3A_44 = arith.constant 0 : i32
    %lt3A_45 = arith.cmpi slt, %select_n3A_38, %lt3A_44 : i32
    %ne3A_46 = arith.xori %lt3A_43, %lt3A_45 : i1
    %and3A_47 = arith.andi %ne3A_46, %ne3A_41 : i1
    %add3A_48 = arith.addi %rem3A_39, %select_n3A_38 : i32
    %select_n3A_49 = arith.select %and3A_47, %add3A_48, %rem3A_39 : i32
    %add3A_50 = arith.addi %mul3A_16, %select_n3A_49 : i32
    %c0_i32 = arith.constant 0 : i32
    %c0_i32_51 = arith.constant 0 : i32
    %c0_i32_52 = arith.constant 0 : i32
    return %add3A_50, %c0_i32, %c0_i32_51 : i32, i32, i32
  }
  func.func @transform_6(%arg0: i32) -> (i32, i32, i32) {
    %c0_i32 = arith.constant 0 : i32
    %c0_i32_0 = arith.constant 0 : i32
    %c0_i32_1 = arith.constant 0 : i32
    return %arg0, %c0_i32, %c0_i32_0 : i32, i32, i32
  }
}

module attributes {stable_mosaic.version = 14 : i64} {
  func.func @_combine_kernel(%arg0: i32, %arg1: memref<2x256x2048xf32, #tpu.memory_space<vmem>>, %arg2: memref<1024x1024xf32, #tpu.memory_space<vmem>>, %arg3: memref<1x1024xf32, #tpu.memory_space<vmem>>, %arg4: memref<256x1024xf32, #tpu.memory_space<vmem>>) attributes {dimension_semantics = [#tpu.dimension_semantics<arbitrary>], iteration_bounds = array<i64: 32>, scalar_prefetch = 0 : i64, scratch_operands = 0 : i64, tpu.core_type = #tpu.core_type<tc>, window_params = [{transform_indices = @transform_0, window_bounds = array<i64: 2, 256, 2048>}, {pipeline_mode = #tpu.pipeline_mode<synchronous>, transform_indices = @transform_1, window_bounds = array<i64: 1024, 1024>}, {pipeline_mode = #tpu.pipeline_mode<synchronous>, transform_indices = @transform_2, window_bounds = array<i64: 1, 1024>}, {transform_indices = @transform_3, window_bounds = array<i64: 256, 1024>}]} {
    %get3A = arith.constant 0 : index
    %get3A_0 = arith.constant 0 : index
    %get3A_1 = arith.constant 0 : index
    %get3A_2 = vector.load %arg1[%get3A, %get3A_0, %get3A_1] : memref<2x256x2048xf32, #tpu.memory_space<vmem>>, vector<2x256x2048xf32>
    %reshape3A = vector.shape_cast %get3A_2 : vector<2x256x2048xf32> to vector<2x256x16x128xf32>
    %slice3A = vector.extract_strided_slice %reshape3A {offsets = [0, 0, 0, 0], sizes = [2, 256, 16, 64], strides = [1, 1, 1, 1]} : vector<2x256x16x128xf32> to vector<2x256x16x64xf32>
    %reshape3A_3 = vector.shape_cast %slice3A : vector<2x256x16x64xf32> to vector<2x256x1024xf32>
    %slice3A_4 = vector.extract_strided_slice %reshape3A {offsets = [0, 0, 0, 64], sizes = [2, 256, 16, 1], strides = [1, 1, 1, 1]} : vector<2x256x16x128xf32> to vector<2x256x16x1xf32>
    %squeeze3A = vector.shape_cast %slice3A_4 : vector<2x256x16x1xf32> to vector<2x256x16xf32>
    %reduce_max3A = arith.constant dense<0xFF800000> : vector<256x16xf32>
    %reduce_max3A_5 = vector.multi_reduction <maximumf>, %squeeze3A, %reduce_max3A [0] : vector<2x256x16xf32> to vector<256x16xf32>
    %broadcast_in_dim3A = vector.shape_cast %reduce_max3A_5 : vector<256x16xf32> to vector<1x256x16xf32>
    %sub3A = vector.broadcast %broadcast_in_dim3A : vector<1x256x16xf32> to vector<2x256x16xf32>
    %sub3A_6 = arith.subf %squeeze3A, %sub3A : vector<2x256x16xf32>
    %exp3A = math.exp %sub3A_6 : vector<2x256x16xf32>
    %reduce_sum3A = arith.constant dense<0.000000e+00> : vector<256x16xf32>
    %reduce_sum3A_7 = vector.multi_reduction <add>, %exp3A, %reduce_sum3A [0] : vector<2x256x16xf32> to vector<256x16xf32>
    %broadcast_in_dim3A_8 = vector.shape_cast %reduce_sum3A_7 : vector<256x16xf32> to vector<1x256x16xf32>
    %div3A = vector.broadcast %broadcast_in_dim3A_8 : vector<1x256x16xf32> to vector<2x256x16xf32>
    %div3A_9 = arith.divf %exp3A, %div3A : vector<2x256x16xf32>
    %broadcast_in_dim3A_10 = vector.shape_cast %div3A_9 : vector<2x256x16xf32> to vector<2x256x16x1xf32>
    %broadcast_in_dim3A_11 = vector.shape_cast %broadcast_in_dim3A_10 : vector<2x256x16x1xf32> to vector<2x256x16x1xf32>
    %broadcast_in_dim3A_12 = vector.broadcast %broadcast_in_dim3A_11 : vector<2x256x16x1xf32> to vector<2x256x16x64xf32>
    %reshape3A_13 = vector.shape_cast %broadcast_in_dim3A_12 : vector<2x256x16x64xf32> to vector<2x256x1024xf32>
    %mul3A = arith.mulf %reshape3A_13, %reshape3A_3 : vector<2x256x1024xf32>
    %reduce_sum3A_14 = arith.constant dense<0.000000e+00> : vector<256x1024xf32>
    %reduce_sum3A_15 = vector.multi_reduction <add>, %mul3A, %reduce_sum3A_14 [0] : vector<2x256x1024xf32> to vector<256x1024xf32>
    %get3A_16 = arith.constant 0 : index
    %get3A_17 = arith.constant 0 : index
    %get3A_18 = vector.load %arg2[%get3A_16, %get3A_17] : memref<1024x1024xf32, #tpu.memory_space<vmem>>, vector<1024x1024xf32>
    %dot_general3A = arith.constant dense<0.000000e+00> : vector<256x1024xf32>
    %dot_general3A_19 = tpu.matmul %reduce_sum3A_15, %get3A_18, %dot_general3A {dimension_numbers = #tpu.dot_dimension_numbers<[1], [0], [0], [1], [0, 0, 1, 1], [], []>, transpose_lhs_hint = false} : vector<256x1024xf32>, vector<1024x1024xf32>, vector<256x1024xf32> -> vector<256x1024xf32>
    %get3A_20 = arith.constant 0 : index
    %get3A_21 = arith.constant 0 : index
    %get3A_22 = vector.load %arg3[%get3A_20, %get3A_21] : memref<1x1024xf32, #tpu.memory_space<vmem>>, vector<1x1024xf32>
    %add3A = vector.broadcast %get3A_22 : vector<1x1024xf32> to vector<256x1024xf32>
    %add3A_23 = arith.addf %dot_general3A_19, %add3A : vector<256x1024xf32>
    %swap3A = arith.constant 0 : index
    %swap3A_24 = arith.constant 0 : index
    %swap3A_25 = vector.load %arg4[%swap3A, %swap3A_24] : memref<256x1024xf32, #tpu.memory_space<vmem>>, vector<256x1024xf32>
    tpu.vector_store %arg4[%swap3A, %swap3A_24], %add3A_23 {strides = array<i32>} : memref<256x1024xf32, #tpu.memory_space<vmem>>, vector<256x1024xf32>,
    return
  }
  func.func @transform_0(%arg0: i32) -> (i32, i32, i32) {
    %c0_i32 = arith.constant 0 : i32
    %c0_i32_0 = arith.constant 0 : i32
    %c0_i32_1 = arith.constant 0 : i32
    return %c0_i32, %arg0, %c0_i32_0 : i32, i32, i32
  }
  func.func @transform_1(%arg0: i32) -> (i32, i32) {
    %c0_i32 = arith.constant 0 : i32
    %c0_i32_0 = arith.constant 0 : i32
    %c0_i32_1 = arith.constant 0 : i32
    return %c0_i32, %c0_i32_0 : i32, i32
  }
  func.func @transform_2(%arg0: i32) -> (i32, i32) {
    %c0_i32 = arith.constant 0 : i32
    %c0_i32_0 = arith.constant 0 : i32
    %c0_i32_1 = arith.constant 0 : i32
    return %c0_i32, %c0_i32_0 : i32, i32
  }
  func.func @transform_3(%arg0: i32) -> (i32, i32) {
    %c0_i32 = arith.constant 0 : i32
    %c0_i32_0 = arith.constant 0 : i32
    return %arg0, %c0_i32 : i32, i32
  }
}

</mosaic_0001>

<sc_bundles>
// kernel: kernel.10.cloned.1.call-start
scs
__scs_entry_jumppad:
0x0: {  	(pc) =	sbr.rel $0x88, $3  }
0x1: {  	(tag) =	ssettag $0x0;
	lr =	simm.s32 $0x1  }
0x2: {  	[smem:$0x3F98] =	sst lr;
	_ =	strace $0xD0000000  }
0x3: {  	_ = 	snop  }
0x4: {  	_ = 	snop  }
0x5: {  	_ = 	snop  }
0x6: {  	_ = 	snop  }
0x7: {  	_ = 	snop  }
__scs_overlays_trampoline_lowered:
0x8: {  	[smem:$0x3FA7] =	sst s0  }
0x9: {  	[smem:$0x3FA8] =	sst s1  }
0xa: {  	[smem:$0x3FA9] =	sst s2  }
0xb: {  	[smem:$0x3FAA] =	sst s3  }
0xc: {  	[smem:$0x3FAB] =	sst s4  }
0xd: {  	[smem:$0x3FAC] =	sst s5  }
0xe: {  	[smem:$0x3FAD] =	sst s6  }
0xf: {  	[smem:$0x3FAE] =	sst s7  }
0x10: {  	[smem:$0x3FAF] =	sst s8  }
0x11: {  	[smem:$0x3FB0] =	sst s9;
	s0 =	simm.s32 @!p0 $0x0  }
0x12: {  	s1 =	sld [smem:$0x3F96];
	s0 =	simm.s32 @p0 $0x1  }
0x13: {  	[smem:$0x3FB1] =	sst s0;
	s0 =	simm.s32 @!p1 $0x0  }
0x14: {  	s2 =	sld [smem:$0x3F95];
	s0 =	simm.s32 @p1 $0x1  }
0x15: {  	[smem:$0x3FB2] =	sst s0;
	s0 =	simm.s32 @!p2 $0x0  }
0x16: {  	s3 =	sld [smem:$0x3FDB];
	s0 =	simm.s32 @p2 $0x1  }
0x17: {  	s4 =	simm.s32 $0x1BF5;
	[smem:$0x3FB4] =	sst s0  }
0x18: {  	s0 =	sld [smem:$0x3F97];
	_ =	swait.ge [sflag:s4], $0x0  }
0x19: {  	s7 =	sld [smem:$0x3F98]  }
0x1a: {  	s8 =	sadd.s32 $0xFFFFE003, lr  }
0x1b: {  	s9 =	sadd.s32 $0xFFFFFEF7, lr;
	s5 =	simm.s32 $0xFFFFFFFF;
	p2 =	slt.u32 s8, $0xFFFFF086  }
0x1c: {  	p1 =	slt.u32 s9, $0xF7A;
	s5 =	simm.s32 @!p2 $0x0  }
0x1d: {  	s5 =	simm.s32 @p1 $0x1;
	p0 =	seq.s32 s7, s2  }
0x1e: {  	s7 =	smul.u32 @!p0 $0xF7A, s2;
	p2 =	seq.s32 @!p0 s5, $0x0  }
0x1f: {  	s9 =	smul.u32 $0xF7A, s1;
	s8 =	simm.s32 @!p0 $0x1BF5;
	p2 =	por !p2, p0  }
0x20: {  	[sflag:s8] =	ssyncset.s32 @!p0 $0xFFFFF086;
	s6 =	sadd.s32 @!p0 s3, s7;
	s7 =	simm.s32 @!p0 $0x108  }
0x21: {  	s3 =	sadd.s32 s3, s9;
	s6 =	sadd.s32 @!p0 $0x88, s6;
	s7 =	simm.s32 @p2 $0x1082  }
0x22: {  	[simem:s7], [sflag:s8] =	dma.local @!p0 [hbm:s6], $0xF7A  }
0x23: {  	s9 =	sor.u32 $0xD0000000, s2;
	s6 =	simm.s32 $0x108;
	_ =	swait.ge @!p0 [sflag:s8], $0x0  }
0x24: {  	s3 =	sadd.s32 $0x88, s3;
	s6 =	simm.s32 @!p1 $0x1082;
	[sflag:s4] =	ssyncset.s32 $0xFFFFF086  }
0x25: {  	[simem:s6], [sflag:s4] =	dma.local [hbm:s3], $0xF7A  }
0x26: {  	[smem:$0x3F98] =	sst s1;
	(tag) =	ssettag s2;
	_ =	strace s9  }
0x27: {  	s1 =	sld [smem:$0x3FA8]  }
0x28: {  	s2 =	sld [smem:$0x3FA9]  }
0x29: {  	s4 =	sld [smem:$0x3FAB]  }
0x2a: {  	p0 =	seq.s32 s5, $0x0;
	s5 =	sld [smem:$0x3FAC]  }
0x2b: {  	s6 =	sld [smem:$0x3FAD]  }
0x2c: {  	s7 =	sld [smem:$0x3FAE]  }
0x2d: {  	s3 =	simm.s32 $0x108;
	s8 =	sld [smem:$0x3FAF]  }
0x2e: {  	s3 =	simm.s32 @!p0 $0x1082;
	s9 =	sld [smem:$0x3FB0]  }
0x2f: {  	lr =	sadd.s32 s0, s3;
	s0 =	sld [smem:$0x3FA7]  }
0x30: {  	s3 =	sld [smem:$0x3FAA]  }
0x31: {  	[smem:$0x3FB3] =	sst s10  }
0x32: {  	s10 =	sld [smem:$0x3FB1];
	_ =	sdelay $0x3  }
0x33: {  	p0 =	seq.s32 s10, $0x1;
	s10 =	sld [smem:$0x3FB3];
	_ =	sdelay $0x3  }
0x34: {  	[smem:$0x3FB3] =	sst s10  }
0x35: {  	s10 =	sld [smem:$0x3FB2];
	_ =	sdelay $0x3  }
0x36: {  	p1 =	seq.s32 s10, $0x1;
	s10 =	sld [smem:$0x3FB3];
	_ =	sdelay $0x3  }
0x37: {  	[smem:$0x3FB3] =	sst s10  }
0x38: {  	s10 =	sld [smem:$0x3FB4]  }
0x39: {  	_ = 	snop;
	(pc) =	sbr.ind lr, $3  }
0x3a: {  	_ = 	snop  }
0x3b: {  	_ = 	snop  }
0x3c: {  	p2 =	seq.s32 s10, $0x1;
	s10 =	sld [smem:$0x3FB3]  }
0x3d: {  	_ =	shalt  }
0x3e: {  	_ =	shalt  }
0x3f: {  	_ =	shalt  }
0x40: {  	_ =	shalt  }
0x41: {  	_ =	shalt  }
0x42: {  	_ =	shalt  }
0x43: {  	_ =	shalt  }
0x44: {  	_ =	shalt  }
0x45: {  	_ =	shalt  }
0x46: {  	_ =	shalt  }
0x47: {  	_ =	shalt  }
0x48: {  	_ =	shalt  }
0x49: {  	_ =	shalt  }
0x4a: {  	_ =	shalt  }
0x4b: {  	_ =	shalt  }
0x4c: {  	_ =	shalt  }
0x4d: {  	_ =	shalt  }
0x4e: {  	_ =	shalt  }
0x4f: {  	_ =	shalt  }
0x50: {  	_ =	shalt  }
0x51: {  	_ =	shalt  }
0x52: {  	_ =	shalt  }
0x53: {  	_ =	shalt  }
0x54: {  	_ =	shalt  }
0x55: {  	_ =	shalt  }
0x56: {  	_ =	shalt  }
0x57: {  	_ =	shalt  }
0x58: {  	_ =	shalt  }
0x59: {  	_ =	shalt  }
0x5a: {  	_ =	shalt  }
0x5b: {  	_ =	shalt  }
0x5c: {  	_ =	shalt  }
0x5d: {  	_ =	shalt  }
0x5e: {  	_ =	shalt  }
0x5f: {  	_ =	shalt  }
0x60: {  	_ =	shalt  }
0x61: {  	_ =	shalt  }
0x62: {  	_ =	shalt  }
0x63: {  	_ =	shalt  }
0x64: {  	_ =	shalt  }
0x65: {  	_ =	shalt  }
0x66: {  	_ =	shalt  }
0x67: {  	_ =	shalt  }
0x68: {  	_ =	shalt  }
0x69: {  	_ =	shalt  }
0x6a: {  	_ =	shalt  }
0x6b: {  	_ =	shalt  }
0x6c: {  	_ =	shalt  }
0x6d: {  	_ =	shalt  }
0x6e: {  	_ =	shalt  }
0x6f: {  	_ =	shalt  }
0x70: {  	_ =	shalt  }
0x71: {  	_ =	shalt  }
0x72: {  	_ =	shalt  }
0x73: {  	_ =	shalt  }
0x74: {  	_ =	shalt  }
0x75: {  	_ =	shalt  }
0x76: {  	_ =	shalt  }
0x77: {  	_ =	shalt  }
0x78: {  	_ =	shalt  }
0x79: {  	_ =	shalt  }
0x7a: {  	_ =	shalt  }
0x7b: {  	_ =	shalt  }
0x7c: {  	_ =	shalt  }
0x7d: {  	_ =	shalt  }
0x7e: {  	_ =	shalt  }
0x7f: {  	_ =	shalt  }
0x80: {  	_ =	shalt  }
0x81: {  	_ =	shalt  }
0x82: {  	_ =	shalt  }
0x83: {  	_ =	shalt  }
0x84: {  	_ =	shalt  }
0x85: {  	_ =	shalt  }
0x86: {  	_ =	shalt  }
0x87: {  	_ =	shalt  }
.Lfunc_end0:
.L_simem_size_0:
called_computation.1_lowered:
.L_overlay_start_0:
0x88: {  	s2 =	sld [smem:$0x3FD9]  }
0x89: {  	s3 =	sld [smem:$0x3FFE];
	_ =	sdelay $0x1  }
0x8a: {  	s1 =	srdreg.scid  }
0x8b: {  	s0 =	sand.u32 $0x1, s1  }
0x8c: {  	s17 =	sshll.u32 s0, $0xA;
	s2 =	sadd.s32 s3, s2  }
0x8d: {  	s2 =	sadd.s32 s2, s17  }
0x8e: {  	[smem:$0x3FBF] =	sst s2  }
0x8f: {  	_ = 	snop  }
0x90: {  	s2 =	sld [smem:$0x3FD0];
	(tm) =	ssettm $0x1  }
0x91: {  	s18 =	sld [smem:$0x3FFB];
	_ =	sdelay $0x3  }
0x92: {  	_ =	strace s18  }
0x93: {  	s3 =	sld [smem:$0x3FFC];
	_ =	sdelay $0x3  }
0x94: {  	_ =	strace s3  }
0x95: {  	s3 =	sld [smem:$0x3FFD];
	_ =	sdelay $0x3  }
0x96: {  	_ =	strace s3  }
0x97: {  	_ =	strace $0x8FFFFFFF  }
0x98: {  	s19 =	sld [smem:$0x3FDB];
	_ =	sdelay $0x1  }
0x99: {  	s4 =	simm.s32 $_scs_section_size  }
0x9a: {  	s5 =	simm.s32 $_size__tile_overlayer_lowered;
	s6 =	simm.s32 $_tile_overlayer_lowered  }
0x9b: {  	s22 =	simm.s32 $0x1BFF;
	s21 =	sshll.u32 s6, $0x1;
	s3 =	sadd.s32 s4, s19  }
0x9c: {  	s7 =	simm.s32 $0x0;
	s20 =	sshll.u32 s5, $0x1;
	s5 =	sadd.s32 s21, s3  }
0x9d: {  	[timem:s7], [sflag:s22] =	dma.local [hbm:s5], s20  }
0x9e: {  	_ =	swait.ge [sflag:s22], s20  }
0x9f: {  	s4 =	ssub.s32 $0x0, s20;
	[sflag:s22] =	ssyncset.done $0x0  }
0xa0: {  	[sflag:s22] =	ssyncadd.s32 s4;
	_ =	sdelay $0x1  }
0xa1: {  	s23 =	simm.s32 $0x1B8B  }
0xa2: {  	_ =	swait.ge [sflag:s23], $0x1  }
0xa3: {  	[sflag:s23] =	ssyncset.done $0x0  }
0xa4: {  	s25 =	simm.s32 $0x1B8E;
	s24 =	sld [smem:$0x3FFE];
	[sflag:s23] =	ssyncadd.s32 $0xFFFFFFFF  }
0xa5: {  	s26 =	simm.s32 $execute0_lowered;
	[smem:$0x3FD2] =	sst s25  }
0xa6: {  	s5 =	sshll.u32 s26, $0x1;
	_ =	strace $0x80000049;
	[dreg:$0x1] =	wrdreg $0xFFFFFFFF  }
0xa7: {  	s28 =	simm.s32 $_size_execute0_lowered;
	s3 =	sadd.s32 s3, s5;
	[dreg:$0x0] =	wrdreg $0x0  }
0xa8: {  	s5 =	sshll.u32 s28, $0x1;
	[dreg:$0x2] =	wrdreg s3  }
0xa9: {  	[dreg:$0x3] =	wrdreg s5  }
0xaa: {  	[dreg:$0x4] =	wrdreg $0xC0  }
0xab: {  	_ =	task [dreg:s7], $0x5FFFF  }
0xac: {  	[dreg:$0x1] =	wrdreg $0xFFFFFFFF  }
0xad: {  	[dreg:$0x0] =	wrdreg $0x60  }
0xae: {  	[dreg:$0x2] =	wrdreg s24  }
0xaf: {  	[dreg:$0x3] =	wrdreg s2  }
0xb0: {  	[dreg:$0x4] =	wrdreg $0x9  }
0xb1: {  	_ =	task.clear_ibuf [dreg:s7], $0x5FFFF;
	_ =	strace $0x90000049  }
0xb2: {  	s29 =	simm.s32 $0x9;
	_ =	strace $0x8000004B  }
0xb3: {  	_ =	swait.ge [sflag:s29], $0x1  }
0xb4: {  	[sflag:s29] =	ssyncadd.s32 $0xFFFFFFFF  }
0xb5: {  	_ =	strace $0x9000004B  }
0xb6: {  	_ =	sfence  }
0xb7: {  	s30 =	sld [smem:$0x0];
	_ =	sdelay $0x2  }
0xb8: {  	s31 =	sshll.u32 s1, $0xD;
	s1 =	sshrl.u32 s1, $0x2  }
0xb9: {  	s3 =	sand.u32 $0x4000, s31;
	s1 =	sadd.s32 s1, s30  }
0xba: {  	s0 =	sor.u32 s3, s0;
	s1 =	sshll.u32 s1, $0x11  }
0xbb: {  	s0 =	sor.u32 s1, s0  }
0xbc: {  	s0 =	sadd.s32 $0x8F2B, s0  }
0xbd: {  	[sflag:s0] =	ssyncadd.remote.s32 $0x1  }
0xbe: {  	_ =	sfence.sel $0xFFFF  }
0xbf: {  	[dreg:$0x0] =	wrdreg $0xFFFFFFFF;
	(pc) =	sbr.abs _section_cstart, $3  }
0xc0: {  	[dreg:$0x1] =	wrdreg $0xFFFFFFFF  }
0xc1: {  	_ =	task.clear_ibuf [dreg:s7], $0x2FFFF;
	_ =	strace $0x9FFFFFFF  }
0xc2: {  	(tm) =	ssettm $0x7FFFFFFF  }
0xc3: {  	_ =	shalt  }
tec
execute0_lowered:
.L_overlay_start_1:
0x0: {  	(tag) =	ssettag $0x1  }
0x1: {  	s2 =	rddreg [dreg:$0x0]  }
0x2: {  	s30 =	rddreg [dreg:$0x1];
	s0 =	srdreg.scid;
	s3 =	simm.s32 $0x0  }
0x3: {  	s1 =	stileid.u32;
	s4 =	sand.u32 $0x1, s0;
	[smem:$0x7FF] =	sst s3  }
0x4: {  	s5 =	sshll.u32 s1, $0xE;
	[dreg:$0xb] =	wrdreg s4;
	s6 =	sshll.u32 s4, $0xD  }
0x5: {  	s0 =	sadd.s32 $0x400000, s2;
	s1 =	sor.u32 s6, s5;
	_ =	strace $0x8000004A  }
0x6: {  	[dreg:$0xc] =	wrdreg s0;
	s7 =	sshrl.u32 s1, $0x3;
	s5 =	sshll.u32 s1, $0x4  }
0x7: {  	s9 =	sor.u32 $0x200, s1;
	s6 =	sor.u32 $0x400, s1;
	s4 =	sadd.s32 s30, s7  }
0x8: {  	s8 =	sadd.s32 s0, s5;
	s10 =	sshrl.u32 s9, $0x3;
	[dreg:$0x3] =	wrdreg s4  }
0x9: {  	s5 =	sshll.u32 s9, $0x4;
	[dreg:$0x4] =	wrdreg s8;
	s4 =	sadd.s32 s30, s10  }
0xa: {  	s12 =	sshrl.u32 s6, $0x3;
	s11 =	sadd.s32 s0, s5;
	[dreg:$0x5] =	wrdreg s4  }
0xb: {  	s14 =	sshll.u32 s6, $0x4;
	s13 =	sadd.s32 s30, s12;
	[dreg:$0x6] =	wrdreg s11  }
0xc: {  	s16 =	sor.u32 $0x600, s1;
	s15 =	sadd.s32 s0, s14;
	[dreg:$0x7] =	wrdreg s13  }
0xd: {  	s17 =	sshrl.u32 s16, $0x3;
	[dreg:$0x8] =	wrdreg s15  }
0xe: {  	s5 =	sshll.u32 s16, $0x4;
	s4 =	sadd.s32 s30, s17;
	s18 =	rddreg [dreg:$0x3]  }
0xf: {  	s19 =	sadd.s32 s0, s5;
	[dreg:$0x9] =	wrdreg s4  }
0x10: {  	[dreg:$0xa] =	wrdreg s19;
	s4 =	simm.s32 $0x2  }
0x11: {  	[tilespmem:s3], [sflag:$0x2] =	stream.linear.gather [hbm4b:s18+s3], $0x200, $0x38;
	[tilespmem:$0x10200] =	vst v63  }
0x12: {  	_ =	swait.ge [sflag:s4], $0x200  }
0x13: {  	[sflag:s4] =	ssyncset.done $0x0  }
0x14: {  	s6 =	simm.s32 $0x1;
	s5 =	simm.s32 $0x200;
	[sflag:s4] =	ssyncadd.s32 $0xFFFFFE00  }
0x15: {  	[tilespmem:s5], [sflag:$0x1] =	stream.indirect.gather [hbm4b:s2+s5], $0x80, s3, s5, $0xb8;
	[tilespmem:$0x10200] =	vst v63  }
0x16: {  	_ =	swait.ge [sflag:s6], $0x10000  }
0x17: {  	[sflag:s6] =	ssyncset.done $0x0  }
0x18: {  	s7 =	rddreg [dreg:$0x4];
	[sflag:s6] =	ssyncadd.s32 $0xFFFF0000  }
0x19: {  	[hbm4b:s7+s3] =	stream.linear.scatter [tilespmem:s5], [sflag:$0x2], $0x10000, $0x38;
	[tilespmem:$0x10200] =	vst v63  }
0x1a: {  	_ =	swait.ge [sflag:s4], $0x10000  }
0x1b: {  	[sflag:s4] =	ssyncset.done $0x0  }
0x1c: {  	s20 =	rddreg [dreg:$0x5];
	[sflag:s4] =	ssyncadd.s32 $0xFFFF0000  }
0x1d: {  	[tilespmem:s3], [sflag:$0x2] =	stream.linear.gather [hbm4b:s20+s3], $0x200, $0x38;
	[tilespmem:$0x10200] =	vst v63  }
0x1e: {  	_ =	swait.ge [sflag:s4], $0x200  }
0x1f: {  	[sflag:s4] =	ssyncset.done $0x0  }
0x20: {  	[sflag:s4] =	ssyncadd.s32 $0xFFFFFE00  }
0x21: {  	[tilespmem:s5], [sflag:$0x1] =	stream.indirect.gather [hbm4b:s2+s5], $0x80, s3, s5, $0xb8;
	[tilespmem:$0x10200] =	vst v63  }
0x22: {  	_ =	swait.ge [sflag:s6], $0x10000  }
0x23: {  	[sflag:s6] =	ssyncset.done $0x0  }
0x24: {  	s21 =	rddreg [dreg:$0x6];
	[sflag:s6] =	ssyncadd.s32 $0xFFFF0000  }
0x25: {  	[hbm4b:s21+s3] =	stream.linear.scatter [tilespmem:s5], [sflag:$0x2], $0x10000, $0x38;
	[tilespmem:$0x10200] =	vst v63  }
0x26: {  	_ =	swait.ge [sflag:s4], $0x10000  }
0x27: {  	[sflag:s4] =	ssyncset.done $0x0  }
0x28: {  	s22 =	rddreg [dreg:$0x7];
	[sflag:s4] =	ssyncadd.s32 $0xFFFF0000  }
0x29: {  	[tilespmem:s3], [sflag:$0x2] =	stream.linear.gather [hbm4b:s22+s3], $0x200, $0x38;
	[tilespmem:$0x10200] =	vst v63  }
0x2a: {  	_ =	swait.ge [sflag:s4], $0x200  }
0x2b: {  	[sflag:s4] =	ssyncset.done $0x0  }
0x2c: {  	[sflag:s4] =	ssyncadd.s32 $0xFFFFFE00  }
0x2d: {  	[tilespmem:s5], [sflag:$0x1] =	stream.indirect.gather [hbm4b:s2+s5], $0x80, s3, s5, $0xb8;
	[tilespmem:$0x10200] =	vst v63  }
0x2e: {  	_ =	swait.ge [sflag:s6], $0x10000  }
0x2f: {  	[sflag:s6] =	ssyncset.done $0x0  }
0x30: {  	s23 =	rddreg [dreg:$0x8];
	[sflag:s6] =	ssyncadd.s32 $0xFFFF0000  }
0x31: {  	[hbm4b:s23+s3] =	stream.linear.scatter [tilespmem:s5], [sflag:$0x2], $0x10000, $0x38;
	[tilespmem:$0x10200] =	vst v63  }
0x32: {  	_ =	swait.ge [sflag:s4], $0x10000  }
0x33: {  	[sflag:s4] =	ssyncset.done $0x0  }
0x34: {  	s24 =	rddreg [dreg:$0x9];
	[sflag:s4] =	ssyncadd.s32 $0xFFFF0000  }
0x35: {  	[tilespmem:s3], [sflag:$0x2] =	stream.linear.gather [hbm4b:s24+s3], $0x200, $0x38;
	[tilespmem:$0x10200] =	vst v63  }
0x36: {  	_ =	swait.ge [sflag:s4], $0x200  }
0x37: {  	[sflag:s4] =	ssyncset.done $0x0  }
0x38: {  	[sflag:s4] =	ssyncadd.s32 $0xFFFFFE00  }
0x39: {  	[tilespmem:s5], [sflag:$0x1] =	stream.indirect.gather [hbm4b:s2+s5], $0x80, s3, s5, $0xb8;
	[tilespmem:$0x10200] =	vst v63  }
0x3a: {  	_ =	swait.ge [sflag:s6], $0x10000  }
0x3b: {  	[sflag:s6] =	ssyncset.done $0x0  }
0x3c: {  	s25 =	rddreg [dreg:$0xa];
	[sflag:s6] =	ssyncadd.s32 $0xFFFF0000  }
0x3d: {  	[hbm4b:s25+s3] =	stream.linear.scatter [tilespmem:s5], [sflag:$0x2], $0x10000, $0x38;
	[tilespmem:$0x10200] =	vst v63  }
0x3e: {  	s8 =	sor.u32 $0x800, s1;
	_ =	swait.ge [sflag:s4], $0x10000  }
0x3f: {  	s26 =	sshrl.u32 s8, $0x3;
	[sflag:s4] =	ssyncset.done $0x0  }
0x40: {  	s7 =	sadd.s32 s30, s26;
	[sflag:s4] =	ssyncadd.s32 $0xFFFF0000  }
0x41: {  	[tilespmem:s3], [sflag:$0x2] =	stream.linear.gather [hbm4b:s7+s3], $0x200, $0x38;
	[tilespmem:$0x10200] =	vst v63  }
0x42: {  	_ =	swait.ge [sflag:s4], $0x200  }
0x43: {  	[sflag:s4] =	ssyncset.done $0x0  }
0x44: {  	[sflag:s4] =	ssyncadd.s32 $0xFFFFFE00  }
0x45: {  	[tilespmem:s5], [sflag:$0x1] =	stream.indirect.gather [hbm4b:s2+s5], $0x80, s3, s5, $0xb8;
	[tilespmem:$0x10200] =	vst v63  }
0x46: {  	_ =	swait.ge [sflag:s6], $0x10000  }
0x47: {  	s8 =	sshll.u32 s8, $0x4;
	[sflag:s6] =	ssyncset.done $0x0  }
0x48: {  	s8 =	sadd.s32 s0, s8;
	[sflag:s6] =	ssyncadd.s32 $0xFFFF0000  }
0x49: {  	[hbm4b:s8+s3] =	stream.linear.scatter [tilespmem:s5], [sflag:$0x2], $0x10000, $0x38;
	[tilespmem:$0x10200] =	vst v63  }
0x4a: {  	s10 =	sor.u32 $0xA00, s1;
	_ =	swait.ge [sflag:s4], $0x10000  }
0x4b: {  	s9 =	sshrl.u32 s10, $0x3;
	[sflag:s4] =	ssyncset.done $0x0  }
0x4c: {  	s9 =	sadd.s32 s30, s9;
	[sflag:s4] =	ssyncadd.s32 $0xFFFF0000  }
0x4d: {  	[tilespmem:s3], [sflag:$0x2] =	stream.linear.gather [hbm4b:s9+s3], $0x200, $0x38;
	[tilespmem:$0x10200] =	vst v63  }
0x4e: {  	_ =	swait.ge [sflag:s4], $0x200  }
0x4f: {  	[sflag:s4] =	ssyncset.done $0x0  }
0x50: {  	[sflag:s4] =	ssyncadd.s32 $0xFFFFFE00  }
0x51: {  	[tilespmem:s5], [sflag:$0x1] =	stream.indirect.gather [hbm4b:s2+s5], $0x80, s3, s5, $0xb8;
	[tilespmem:$0x10200] =	vst v63  }
0x52: {  	_ =	swait.ge [sflag:s6], $0x10000  }
0x53: {  	s10 =	sshll.u32 s10, $0x4;
	[sflag:s6] =	ssyncset.done $0x0  }
0x54: {  	s10 =	sadd.s32 s0, s10;
	[sflag:s6] =	ssyncadd.s32 $0xFFFF0000  }
0x55: {  	[hbm4b:s10+s3] =	stream.linear.scatter [tilespmem:s5], [sflag:$0x2], $0x10000, $0x38;
	[tilespmem:$0x10200] =	vst v63  }
0x56: {  	s12 =	sor.u32 $0xC00, s1;
	_ =	swait.ge [sflag:s4], $0x10000  }
0x57: {  	s11 =	sshrl.u32 s12, $0x3;
	[sflag:s4] =	ssyncset.done $0x0  }
0x58: {  	s11 =	sadd.s32 s30, s11;
	[sflag:s4] =	ssyncadd.s32 $0xFFFF0000  }
0x59: {  	[tilespmem:s3], [sflag:$0x2] =	stream.linear.gather [hbm4b:s11+s3], $0x200, $0x38;
	[tilespmem:$0x10200] =	vst v63  }
0x5a: {  	_ =	swait.ge [sflag:s4], $0x200  }
0x5b: {  	[sflag:s4] =	ssyncset.done $0x0  }
0x5c: {  	[sflag:s4] =	ssyncadd.s32 $0xFFFFFE00  }
0x5d: {  	[tilespmem:s5], [sflag:$0x1] =	stream.indirect.gather [hbm4b:s2+s5], $0x80, s3, s5, $0xb8;
	[tilespmem:$0x10200] =	vst v63  }
0x5e: {  	_ =	swait.ge [sflag:s6], $0x10000  }
0x5f: {  	s12 =	sshll.u32 s12, $0x4;
	[sflag:s6] =	ssyncset.done $0x0  }
0x60: {  	s12 =	sadd.s32 s0, s12;
	[sflag:s6] =	ssyncadd.s32 $0xFFFF0000  }
0x61: {  	[hbm4b:s12+s3] =	stream.linear.scatter [tilespmem:s5], [sflag:$0x2], $0x10000, $0x38;
	[tilespmem:$0x10200] =	vst v63  }
0x62: {  	s14 =	sor.u32 $0xE00, s1;
	_ =	swait.ge [sflag:s4], $0x10000  }
0x63: {  	s13 =	sshrl.u32 s14, $0x3;
	[sflag:s4] =	ssyncset.done $0x0  }
0x64: {  	s13 =	sadd.s32 s30, s13;
	[sflag:s4] =	ssyncadd.s32 $0xFFFF0000  }
0x65: {  	[tilespmem:s3], [sflag:$0x2] =	stream.linear.gather [hbm4b:s13+s3], $0x200, $0x38;
	[tilespmem:$0x10200] =	vst v63  }
0x66: {  	_ =	swait.ge [sflag:s4], $0x200  }
0x67: {  	[sflag:s4] =	ssyncset.done $0x0  }
0x68: {  	[sflag:s4] =	ssyncadd.s32 $0xFFFFFE00  }
0x69: {  	[tilespmem:s5], [sflag:$0x1] =	stream.indirect.gather [hbm4b:s2+s5], $0x80, s3, s5, $0xb8;
	[tilespmem:$0x10200] =	vst v63  }
0x6a: {  	_ =	swait.ge [sflag:s6], $0x10000  }
0x6b: {  	s14 =	sshll.u32 s14, $0x4;
	[sflag:s6] =	ssyncset.done $0x0  }
0x6c: {  	s14 =	sadd.s32 s0, s14;
	[sflag:s6] =	ssyncadd.s32 $0xFFFF0000  }
0x6d: {  	[hbm4b:s14+s3] =	stream.linear.scatter [tilespmem:s5], [sflag:$0x2], $0x10000, $0x38;
	[tilespmem:$0x10200] =	vst v63  }
0x6e: {  	s16 =	sor.u32 $0x1000, s1;
	_ =	swait.ge [sflag:s4], $0x10000  }
0x6f: {  	s15 =	sshrl.u32 s16, $0x3;
	[sflag:s4] =	ssyncset.done $0x0  }
0x70: {  	s15 =	sadd.s32 s30, s15;
	[sflag:s4] =	ssyncadd.s32 $0xFFFF0000  }
0x71: {  	[tilespmem:s3], [sflag:$0x2] =	stream.linear.gather [hbm4b:s15+s3], $0x200, $0x38;
	[tilespmem:$0x10200] =	vst v63  }
0x72: {  	_ =	swait.ge [sflag:s4], $0x200  }
0x73: {  	[sflag:s4] =	ssyncset.done $0x0  }
0x74: {  	[sflag:s4] =	ssyncadd.s32 $0xFFFFFE00  }
0x75: {  	[tilespmem:s5], [sflag:$0x1] =	stream.indirect.gather [hbm4b:s2+s5], $0x80, s3, s5, $0xb8;
	[tilespmem:$0x10200] =	vst v63  }
0x76: {  	_ =	swait.ge [sflag:s6], $0x10000  }
0x77: {  	s16 =	sshll.u32 s16, $0x4;
	[sflag:s6] =	ssyncset.done $0x0  }
0x78: {  	s16 =	sadd.s32 s0, s16;
	[sflag:s6] =	ssyncadd.s32 $0xFFFF0000  }
0x79: {  	[hbm4b:s16+s3] =	stream.linear.scatter [tilespmem:s5], [sflag:$0x2], $0x10000, $0x38;
	[tilespmem:$0x10200] =	vst v63  }
0x7a: {  	s18 =	sor.u32 $0x1200, s1;
	_ =	swait.ge [sflag:s4], $0x10000  }
0x7b: {  	s17 =	sshrl.u32 s18, $0x3;
	[sflag:s4] =	ssyncset.done $0x0  }
0x7c: {  	s17 =	sadd.s32 s30, s17;
	[sflag:s4] =	ssyncadd.s32 $0xFFFF0000  }
0x7d: {  	[tilespmem:s3], [sflag:$0x2] =	stream.linear.gather [hbm4b:s17+s3], $0x200, $0x38;
	[tilespmem:$0x10200] =	vst v63  }
0x7e: {  	_ =	swait.ge [sflag:s4], $0x200  }
0x7f: {  	[sflag:s4] =	ssyncset.done $0x0  }
0x80: {  	[sflag:s4] =	ssyncadd.s32 $0xFFFFFE00  }
0x81: {  	[tilespmem:s5], [sflag:$0x1] =	stream.indirect.gather [hbm4b:s2+s5], $0x80, s3, s5, $0xb8;
	[tilespmem:$0x10200] =	vst v63  }
0x82: {  	_ =	swait.ge [sflag:s6], $0x10000  }
0x83: {  	s18 =	sshll.u32 s18, $0x4;
	[sflag:s6] =	ssyncset.done $0x0  }
0x84: {  	s18 =	sadd.s32 s0, s18;
	[sflag:s6] =	ssyncadd.s32 $0xFFFF0000  }
0x85: {  	[hbm4b:s18+s3] =	stream.linear.scatter [tilespmem:s5], [sflag:$0x2], $0x10000, $0x38;
	[tilespmem:$0x10200] =	vst v63  }
0x86: {  	s20 =	sor.u32 $0x1400, s1;
	_ =	swait.ge [sflag:s4], $0x10000  }
0x87: {  	s19 =	sshrl.u32 s20, $0x3;
	[sflag:s4] =	ssyncset.done $0x0  }
0x88: {  	s19 =	sadd.s32 s30, s19;
	[sflag:s4] =	ssyncadd.s32 $0xFFFF0000  }
0x89: {  	[tilespmem:s3], [sflag:$0x2] =	stream.linear.gather [hbm4b:s19+s3], $0x200, $0x38;
	[tilespmem:$0x10200] =	vst v63  }
0x8a: {  	_ =	swait.ge [sflag:s4], $0x200  }
0x8b: {  	[sflag:s4] =	ssyncset.done $0x0  }
0x8c: {  	[sflag:s4] =	ssyncadd.s32 $0xFFFFFE00  }
0x8d: {  	[tilespmem:s5], [sflag:$0x1] =	stream.indirect.gather [hbm4b:s2+s5], $0x80, s3, s5, $0xb8;
	[tilespmem:$0x10200] =	vst v63  }
0x8e: {  	_ =	swait.ge [sflag:s6], $0x10000  }
0x8f: {  	s20 =	sshll.u32 s20, $0x4;
	[sflag:s6] =	ssyncset.done $0x0  }
0x90: {  	s20 =	sadd.s32 s0, s20;
	[sflag:s6] =	ssyncadd.s32 $0xFFFF0000  }
0x91: {  	[hbm4b:s20+s3] =	stream.linear.scatter [tilespmem:s5], [sflag:$0x2], $0x10000, $0x38;
	[tilespmem:$0x10200] =	vst v63  }
0x92: {  	s22 =	sor.u32 $0x1600, s1;
	_ =	swait.ge [sflag:s4], $0x10000  }
0x93: {  	s21 =	sshrl.u32 s22, $0x3;
	[sflag:s4] =	ssyncset.done $0x0  }
0x94: {  	s21 =	sadd.s32 s30, s21;
	[sflag:s4] =	ssyncadd.s32 $0xFFFF0000  }
0x95: {  	[tilespmem:s3], [sflag:$0x2] =	stream.linear.gather [hbm4b:s21+s3], $0x200, $0x38;
	[tilespmem:$0x10200] =	vst v63  }
0x96: {  	_ =	swait.ge [sflag:s4], $0x200  }
0x97: {  	[sflag:s4] =	ssyncset.done $0x0  }
0x98: {  	[sflag:s4] =	ssyncadd.s32 $0xFFFFFE00  }
0x99: {  	[tilespmem:s5], [sflag:$0x1] =	stream.indirect.gather [hbm4b:s2+s5], $0x80, s3, s5, $0xb8;
	[tilespmem:$0x10200] =	vst v63  }
0x9a: {  	_ =	swait.ge [sflag:s6], $0x10000  }
0x9b: {  	s22 =	sshll.u32 s22, $0x4;
	[sflag:s6] =	ssyncset.done $0x0  }
0x9c: {  	s22 =	sadd.s32 s0, s22;
	[sflag:s6] =	ssyncadd.s32 $0xFFFF0000  }
0x9d: {  	[hbm4b:s22+s3] =	stream.linear.scatter [tilespmem:s5], [sflag:$0x2], $0x10000, $0x38;
	[tilespmem:$0x10200] =	vst v63  }
0x9e: {  	s24 =	sor.u32 $0x1800, s1;
	_ =	swait.ge [sflag:s4], $0x10000  }
0x9f: {  	s23 =	sshrl.u32 s24, $0x3;
	[sflag:s4] =	ssyncset.done $0x0  }
0xa0: {  	s23 =	sadd.s32 s30, s23;
	[sflag:s4] =	ssyncadd.s32 $0xFFFF0000  }
0xa1: {  	[tilespmem:s3], [sflag:$0x2] =	stream.linear.gather [hbm4b:s23+s3], $0x200, $0x38;
	[tilespmem:$0x10200] =	vst v63  }
0xa2: {  	_ =	swait.ge [sflag:s4], $0x200  }
0xa3: {  	[sflag:s4] =	ssyncset.done $0x0  }
0xa4: {  	[sflag:s4] =	ssyncadd.s32 $0xFFFFFE00  }
0xa5: {  	[tilespmem:s5], [sflag:$0x1] =	stream.indirect.gather [hbm4b:s2+s5], $0x80, s3, s5, $0xb8;
	[tilespmem:$0x10200] =	vst v63  }
0xa6: {  	_ =	swait.ge [sflag:s6], $0x10000  }
0xa7: {  	s24 =	sshll.u32 s24, $0x4;
	[sflag:s6] =	ssyncset.done $0x0  }
0xa8: {  	s24 =	sadd.s32 s0, s24;
	[sflag:s6] =	ssyncadd.s32 $0xFFFF0000  }
0xa9: {  	[hbm4b:s24+s3] =	stream.linear.scatter [tilespmem:s5], [sflag:$0x2], $0x10000, $0x38;
	[tilespmem:$0x10200] =	vst v63  }
0xaa: {  	s26 =	sor.u32 $0x1A00, s1;
	_ =	swait.ge [sflag:s4], $0x10000  }
0xab: {  	s25 =	sshrl.u32 s26, $0x3;
	[sflag:s4] =	ssyncset.done $0x0  }
0xac: {  	s25 =	sadd.s32 s30, s25;
	[sflag:s4] =	ssyncadd.s32 $0xFFFF0000  }
0xad: {  	[tilespmem:s3], [sflag:$0x2] =	stream.linear.gather [hbm4b:s25+s3], $0x200, $0x38;
	[tilespmem:$0x10200] =	vst v63  }
0xae: {  	_ =	swait.ge [sflag:s4], $0x200  }
0xaf: {  	[sflag:s4] =	ssyncset.done $0x0  }
0xb0: {  	[sflag:s4] =	ssyncadd.s32 $0xFFFFFE00  }
0xb1: {  	[tilespmem:s5], [sflag:$0x1] =	stream.indirect.gather [hbm4b:s2+s5], $0x80, s3, s5, $0xb8;
	[tilespmem:$0x10200] =	vst v63  }
0xb2: {  	_ =	swait.ge [sflag:s6], $0x10000  }
0xb3: {  	s26 =	sshll.u32 s26, $0x4;
	[sflag:s6] =	ssyncset.done $0x0  }
0xb4: {  	s26 =	sadd.s32 s0, s26;
	[sflag:s6] =	ssyncadd.s32 $0xFFFF0000  }
0xb5: {  	[hbm4b:s26+s3] =	stream.linear.scatter [tilespmem:s5], [sflag:$0x2], $0x10000, $0x38;
	[tilespmem:$0x10200] =	vst v63  }
0xb6: {  	s29 =	sor.u32 $0x1C00, s1;
	_ =	swait.ge [sflag:s4], $0x10000  }
0xb7: {  	s28 =	sshrl.u32 s29, $0x3;
	[sflag:s4] =	ssyncset.done $0x0  }
0xb8: {  	s28 =	sadd.s32 s30, s28;
	[sflag:s4] =	ssyncadd.s32 $0xFFFF0000  }
0xb9: {  	[tilespmem:s3], [sflag:$0x2] =	stream.linear.gather [hbm4b:s28+s3], $0x200, $0x38;
	[tilespmem:$0x10200] =	vst v63  }
0xba: {  	_ =	swait.ge [sflag:s4], $0x200  }
0xbb: {  	[sflag:s4] =	ssyncset.done $0x0  }
0xbc: {  	[sflag:s4] =	ssyncadd.s32 $0xFFFFFE00  }
0xbd: {  	[tilespmem:s5], [sflag:$0x1] =	stream.indirect.gather [hbm4b:s2+s5], $0x80, s3, s5, $0xb8;
	[tilespmem:$0x10200] =	vst v63  }
0xbe: {  	_ =	swait.ge [sflag:s6], $0x10000  }
0xbf: {  	s29 =	sshll.u32 s29, $0x4;
	[sflag:s6] =	ssyncset.done $0x0  }
0xc0: {  	s29 =	sadd.s32 s0, s29;
	[sflag:s6] =	ssyncadd.s32 $0xFFFF0000  }
0xc1: {  	[hbm4b:s29+s3] =	stream.linear.scatter [tilespmem:s5], [sflag:$0x2], $0x10000, $0x38;
	[tilespmem:$0x10200] =	vst v63  }
0xc2: {  	s1 =	sor.u32 $0x1E00, s1;
	_ =	swait.ge [sflag:s4], $0x10000  }
0xc3: {  	s31 =	sshrl.u32 s1, $0x3;
	[sflag:s4] =	ssyncset.done $0x0  }
0xc4: {  	s30 =	sadd.s32 s30, s31;
	[sflag:s4] =	ssyncadd.s32 $0xFFFF0000  }
0xc5: {  	[tilespmem:s3], [sflag:$0x2] =	stream.linear.gather [hbm4b:s30+s3], $0x200, $0x38;
	[tilespmem:$0x10200] =	vst v63  }
0xc6: {  	_ =	swait.ge [sflag:s4], $0x200  }
0xc7: {  	[sflag:s4] =	ssyncset.done $0x0;
	s0 =	rddreg [dreg:$0xb]  }
0xc8: {  	s31 =	ssub.s32 $0x2, s0;
	[sflag:s4] =	ssyncadd.s32 $0xFFFFFE00  }
0xc9: {  	[tilespmem:s5], [sflag:$0x1] =	stream.indirect.gather [hbm4b:s2+s5], $0x80, s3, s5, $0xb8;
	[tilespmem:$0x10200] =	vst v63  }
0xca: {  	s0 =	sshrl.u32 s31, $0x1  }
0xcb: {  	s0 =	ssub.s32 s31, s0  }
0xcc: {  	s0 =	smax.u32 s0, $0x1  }
0xcd: {  	p0 =	sne.s32 s0, $0x1  }
.Ltmp0:
0xce: {  	_ =	swait.ge [sflag:s6], $0x10000;
	(pc) =	sbr.rel @!p0 .LBB2_2-.Ltmp0, $4  }
0xcf: {  	s1 =	sshll.u32 s1, $0x4;
	[sflag:s6] =	ssyncset.done $0x0;
	s31 =	rddreg [dreg:$0xc]  }
0xd0: {  	s31 =	sadd.s32 s31, s1;
	[sflag:s6] =	ssyncadd.s32 $0xFFFF0000  }
0xd1: {  	[hbm4b:s31+s3] =	stream.linear.scatter [tilespmem:s5], [sflag:$0x2], $0x10000, $0x38;
	[tilespmem:$0x10200] =	vst v63  }
0xd2: {  	s0 =	sadd.s32 $0xFFFFFFFF, s0;
	_ =	swait.ge [sflag:s4], $0x10000  }
.LBB2_1:
0xd3: {  	[sflag:s4] =	ssyncset.done $0x0  }
0xd4: {  	s1 =	rddreg [dreg:$0x3];
	[sflag:s4] =	ssyncadd.s32 $0xFFFF0000  }
0xd5: {  	[tilespmem:s3], [sflag:$0x2] =	stream.linear.gather [hbm4b:s1+s3], $0x200, $0x38;
	[tilespmem:$0x10200] =	vst v63  }
0xd6: {  	_ =	swait.ge [sflag:s4], $0x200  }
0xd7: {  	[sflag:s4] =	ssyncset.done $0x0  }
0xd8: {  	[sflag:s4] =	ssyncadd.s32 $0xFFFFFE00  }
0xd9: {  	[tilespmem:s5], [sflag:$0x1] =	stream.indirect.gather [hbm4b:s2+s5], $0x80, s3, s5, $0xb8;
	[tilespmem:$0x10200] =	vst v63  }
0xda: {  	_ =	swait.ge [sflag:s6], $0x10000  }
0xdb: {  	[sflag:s6] =	ssyncset.done $0x0  }
0xdc: {  	s1 =	rddreg [dreg:$0x4];
	[sflag:s6] =	ssyncadd.s32 $0xFFFF0000  }
0xdd: {  	[hbm4b:s1+s3] =	stream.linear.scatter [tilespmem:s5], [sflag:$0x2], $0x10000, $0x38;
	[tilespmem:$0x10200] =	vst v63  }
0xde: {  	_ =	swait.ge [sflag:s4], $0x10000  }
0xdf: {  	[sflag:s4] =	ssyncset.done $0x0  }
0xe0: {  	s1 =	rddreg [dreg:$0x5];
	[sflag:s4] =	ssyncadd.s32 $0xFFFF0000  }
0xe1: {  	[tilespmem:s3], [sflag:$0x2] =	stream.linear.gather [hbm4b:s1+s3], $0x200, $0x38;
	[tilespmem:$0x10200] =	vst v63  }
0xe2: {  	_ =	swait.ge [sflag:s4], $0x200  }
0xe3: {  	[sflag:s4] =	ssyncset.done $0x0  }
0xe4: {  	[sflag:s4] =	ssyncadd.s32 $0xFFFFFE00  }
0xe5: {  	[tilespmem:s5], [sflag:$0x1] =	stream.indirect.gather [hbm4b:s2+s5], $0x80, s3, s5, $0xb8;
	[tilespmem:$0x10200] =	vst v63  }
0xe6: {  	_ =	swait.ge [sflag:s6], $0x10000  }
0xe7: {  	[sflag:s6] =	ssyncset.done $0x0  }
0xe8: {  	s1 =	rddreg [dreg:$0x6];
	[sflag:s6] =	ssyncadd.s32 $0xFFFF0000  }
0xe9: {  	[hbm4b:s1+s3] =	stream.linear.scatter [tilespmem:s5], [sflag:$0x2], $0x10000, $0x38;
	[tilespmem:$0x10200] =	vst v63  }
0xea: {  	_ =	swait.ge [sflag:s4], $0x10000  }
0xeb: {  	[sflag:s4] =	ssyncset.done $0x0  }
0xec: {  	s1 =	rddreg [dreg:$0x7];
	[sflag:s4] =	ssyncadd.s32 $0xFFFF0000  }
0xed: {  	[tilespmem:s3], [sflag:$0x2] =	stream.linear.gather [hbm4b:s1+s3], $0x200, $0x38;
	[tilespmem:$0x10200] =	vst v63  }
0xee: {  	_ =	swait.ge [sflag:s4], $0x200  }
0xef: {  	[sflag:s4] =	ssyncset.done $0x0  }
0xf0: {  	[sflag:s4] =	ssyncadd.s32 $0xFFFFFE00  }
0xf1: {  	[tilespmem:s5], [sflag:$0x1] =	stream.indirect.gather [hbm4b:s2+s5], $0x80, s3, s5, $0xb8;
	[tilespmem:$0x10200] =	vst v63  }
0xf2: {  	_ =	swait.ge [sflag:s6], $0x10000  }
0xf3: {  	[sflag:s6] =	ssyncset.done $0x0  }
0xf4: {  	s1 =	rddreg [dreg:$0x8];
	[sflag:s6] =	ssyncadd.s32 $0xFFFF0000  }
0xf5: {  	[hbm4b:s1+s3] =	stream.linear.scatter [tilespmem:s5], [sflag:$0x2], $0x10000, $0x38;
	[tilespmem:$0x10200] =	vst v63  }
0xf6: {  	_ =	swait.ge [sflag:s4], $0x10000  }
0xf7: {  	[sflag:s4] =	ssyncset.done $0x0  }
0xf8: {  	s1 =	rddreg [dreg:$0x9];
	[sflag:s4] =	ssyncadd.s32 $0xFFFF0000  }
0xf9: {  	[tilespmem:s3], [sflag:$0x2] =	stream.linear.gather [hbm4b:s1+s3], $0x200, $0x38;
	[tilespmem:$0x10200] =	vst v63  }
0xfa: {  	_ =	swait.ge [sflag:s4], $0x200  }
0xfb: {  	[sflag:s4] =	ssyncset.done $0x0  }
0xfc: {  	[sflag:s4] =	ssyncadd.s32 $0xFFFFFE00  }
0xfd: {  	[tilespmem:s5], [sflag:$0x1] =	stream.indirect.gather [hbm4b:s2+s5], $0x80, s3, s5, $0xb8;
	[tilespmem:$0x10200] =	vst v63  }
0xfe: {  	_ =	swait.ge [sflag:s6], $0x10000  }
0xff: {  	[sflag:s6] =	ssyncset.done $0x0  }
0x100: {  	s1 =	rddreg [dreg:$0xa];
	[sflag:s6] =	ssyncadd.s32 $0xFFFF0000  }
0x101: {  	[hbm4b:s1+s3] =	stream.linear.scatter [tilespmem:s5], [sflag:$0x2], $0x10000, $0x38;
	[tilespmem:$0x10200] =	vst v63  }
0x102: {  	_ =	swait.ge [sflag:s4], $0x10000  }
0x103: {  	[sflag:s4] =	ssyncset.done $0x0  }
0x104: {  	[sflag:s4] =	ssyncadd.s32 $0xFFFF0000  }
0x105: {  	[tilespmem:s3], [sflag:$0x2] =	stream.linear.gather [hbm4b:s7+s3], $0x200, $0x38;
	[tilespmem:$0x10200] =	vst v63  }
0x106: {  	_ =	swait.ge [sflag:s4], $0x200  }
0x107: {  	[sflag:s4] =	ssyncset.done $0x0  }
0x108: {  	[sflag:s4] =	ssyncadd.s32 $0xFFFFFE00  }
0x109: {  	[tilespmem:s5], [sflag:$0x1] =	stream.indirect.gather [hbm4b:s2+s5], $0x80, s3, s5, $0xb8;
	[tilespmem:$0x10200] =	vst v63  }
0x10a: {  	_ =	swait.ge [sflag:s6], $0x10000  }
0x10b: {  	[sflag:s6] =	ssyncset.done $0x0  }
0x10c: {  	[sflag:s6] =	ssyncadd.s32 $0xFFFF0000  }
0x10d: {  	[hbm4b:s8+s3] =	stream.linear.scatter [tilespmem:s5], [sflag:$0x2], $0x10000, $0x38;
	[tilespmem:$0x10200] =	vst v63  }
0x10e: {  	_ =	swait.ge [sflag:s4], $0x10000  }
0x10f: {  	[sflag:s4] =	ssyncset.done $0x0  }
0x110: {  	[sflag:s4] =	ssyncadd.s32 $0xFFFF0000  }
0x111: {  	[tilespmem:s3], [sflag:$0x2] =	stream.linear.gather [hbm4b:s9+s3], $0x200, $0x38;
	[tilespmem:$0x10200] =	vst v63  }
0x112: {  	_ =	swait.ge [sflag:s4], $0x200  }
0x113: {  	[sflag:s4] =	ssyncset.done $0x0  }
0x114: {  	[sflag:s4] =	ssyncadd.s32 $0xFFFFFE00  }
0x115: {  	[tilespmem:s5], [sflag:$0x1] =	stream.indirect.gather [hbm4b:s2+s5], $0x80, s3, s5, $0xb8;
	[tilespmem:$0x10200] =	vst v63  }
0x116: {  	_ =	swait.ge [sflag:s6], $0x10000  }
0x117: {  	[sflag:s6] =	ssyncset.done $0x0  }
0x118: {  	[sflag:s6] =	ssyncadd.s32 $0xFFFF0000  }
0x119: {  	[hbm4b:s10+s3] =	stream.linear.scatter [tilespmem:s5], [sflag:$0x2], $0x10000, $0x38;
	[tilespmem:$0x10200] =	vst v63  }
0x11a: {  	_ =	swait.ge [sflag:s4], $0x10000  }
0x11b: {  	[sflag:s4] =	ssyncset.done $0x0  }
0x11c: {  	[sflag:s4] =	ssyncadd.s32 $0xFFFF0000  }
0x11d: {  	[tilespmem:s3], [sflag:$0x2] =	stream.linear.gather [hbm4b:s11+s3], $0x200, $0x38;
	[tilespmem:$0x10200] =	vst v63  }
0x11e: {  	_ =	swait.ge [sflag:s4], $0x200  }
0x11f: {  	[sflag:s4] =	ssyncset.done $0x0  }
0x120: {  	[sflag:s4] =	ssyncadd.s32 $0xFFFFFE00  }
0x121: {  	[tilespmem:s5], [sflag:$0x1] =	stream.indirect.gather [hbm4b:s2+s5], $0x80, s3, s5, $0xb8;
	[tilespmem:$0x10200] =	vst v63  }
0x122: {  	_ =	swait.ge [sflag:s6], $0x10000  }
0x123: {  	[sflag:s6] =	ssyncset.done $0x0  }
0x124: {  	[sflag:s6] =	ssyncadd.s32 $0xFFFF0000  }
0x125: {  	[hbm4b:s12+s3] =	stream.linear.scatter [tilespmem:s5], [sflag:$0x2], $0x10000, $0x38;
	[tilespmem:$0x10200] =	vst v63  }
0x126: {  	_ =	swait.ge [sflag:s4], $0x10000  }
0x127: {  	[sflag:s4] =	ssyncset.done $0x0  }
0x128: {  	[sflag:s4] =	ssyncadd.s32 $0xFFFF0000  }
0x129: {  	[tilespmem:s3], [sflag:$0x2] =	stream.linear.gather [hbm4b:s13+s3], $0x200, $0x38;
	[tilespmem:$0x10200] =	vst v63  }
0x12a: {  	_ =	swait.ge [sflag:s4], $0x200  }
0x12b: {  	[sflag:s4] =	ssyncset.done $0x0  }
0x12c: {  	[sflag:s4] =	ssyncadd.s32 $0xFFFFFE00  }
0x12d: {  	[tilespmem:s5], [sflag:$0x1] =	stream.indirect.gather [hbm4b:s2+s5], $0x80, s3, s5, $0xb8;
	[tilespmem:$0x10200] =	vst v63  }
0x12e: {  	_ =	swait.ge [sflag:s6], $0x10000  }
0x12f: {  	[sflag:s6] =	ssyncset.done $0x0  }
0x130: {  	[sflag:s6] =	ssyncadd.s32 $0xFFFF0000  }
0x131: {  	[hbm4b:s14+s3] =	stream.linear.scatter [tilespmem:s5], [sflag:$0x2], $0x10000, $0x38;
	[tilespmem:$0x10200] =	vst v63  }
0x132: {  	_ =	swait.ge [sflag:s4], $0x10000  }
0x133: {  	[sflag:s4] =	ssyncset.done $0x0  }
0x134: {  	[sflag:s4] =	ssyncadd.s32 $0xFFFF0000  }
0x135: {  	[tilespmem:s3], [sflag:$0x2] =	stream.linear.gather [hbm4b:s15+s3], $0x200, $0x38;
	[tilespmem:$0x10200] =	vst v63  }
0x136: {  	_ =	swait.ge [sflag:s4], $0x200  }
0x137: {  	[sflag:s4] =	ssyncset.done $0x0  }
0x138: {  	[sflag:s4] =	ssyncadd.s32 $0xFFFFFE00  }
0x139: {  	[tilespmem:s5], [sflag:$0x1] =	stream.indirect.gather [hbm4b:s2+s5], $0x80, s3, s5, $0xb8;
	[tilespmem:$0x10200] =	vst v63  }
0x13a: {  	_ =	swait.ge [sflag:s6], $0x10000  }
0x13b: {  	[sflag:s6] =	ssyncset.done $0x0  }
0x13c: {  	[sflag:s6] =	ssyncadd.s32 $0xFFFF0000  }
0x13d: {  	[hbm4b:s16+s3] =	stream.linear.scatter [tilespmem:s5], [sflag:$0x2], $0x10000, $0x38;
	[tilespmem:$0x10200] =	vst v63  }
0x13e: {  	_ =	swait.ge [sflag:s4], $0x10000  }
0x13f: {  	[sflag:s4] =	ssyncset.done $0x0  }
0x140: {  	[sflag:s4] =	ssyncadd.s32 $0xFFFF0000  }
0x141: {  	[tilespmem:s3], [sflag:$0x2] =	stream.linear.gather [hbm4b:s17+s3], $0x200, $0x38;
	[tilespmem:$0x10200] =	vst v63  }
0x142: {  	_ =	swait.ge [sflag:s4], $0x200  }
0x143: {  	[sflag:s4] =	ssyncset.done $0x0  }
0x144: {  	[sflag:s4] =	ssyncadd.s32 $0xFFFFFE00  }
0x145: {  	[tilespmem:s5], [sflag:$0x1] =	stream.indirect.gather [hbm4b:s2+s5], $0x80, s3, s5, $0xb8;
	[tilespmem:$0x10200] =	vst v63  }
0x146: {  	_ =	swait.ge [sflag:s6], $0x10000  }
0x147: {  	[sflag:s6] =	ssyncset.done $0x0  }
0x148: {  	[sflag:s6] =	ssyncadd.s32 $0xFFFF0000  }
0x149: {  	[hbm4b:s18+s3] =	stream.linear.scatter [tilespmem:s5], [sflag:$0x2], $0x10000, $0x38;
	[tilespmem:$0x10200] =	vst v63  }
0x14a: {  	_ =	swait.ge [sflag:s4], $0x10000  }
0x14b: {  	[sflag:s4] =	ssyncset.done $0x0  }
0x14c: {  	[sflag:s4] =	ssyncadd.s32 $0xFFFF0000  }
0x14d: {  	[tilespmem:s3], [sflag:$0x2] =	stream.linear.gather [hbm4b:s19+s3], $0x200, $0x38;
	[tilespmem:$0x10200] =	vst v63  }
0x14e: {  	_ =	swait.ge [sflag:s4], $0x200  }
0x14f: {  	[sflag:s4] =	ssyncset.done $0x0  }
0x150: {  	[sflag:s4] =	ssyncadd.s32 $0xFFFFFE00  }
0x151: {  	[tilespmem:s5], [sflag:$0x1] =	stream.indirect.gather [hbm4b:s2+s5], $0x80, s3, s5, $0xb8;
	[tilespmem:$0x10200] =	vst v63  }
0x152: {  	_ =	swait.ge [sflag:s6], $0x10000  }
0x153: {  	[sflag:s6] =	ssyncset.done $0x0  }
0x154: {  	[sflag:s6] =	ssyncadd.s32 $0xFFFF0000  }
0x155: {  	[hbm4b:s20+s3] =	stream.linear.scatter [tilespmem:s5], [sflag:$0x2], $0x10000, $0x38;
	[tilespmem:$0x10200] =	vst v63  }
0x156: {  	_ =	swait.ge [sflag:s4], $0x10000  }
0x157: {  	[sflag:s4] =	ssyncset.done $0x0  }
0x158: {  	[sflag:s4] =	ssyncadd.s32 $0xFFFF0000  }
0x159: {  	[tilespmem:s3], [sflag:$0x2] =	stream.linear.gather [hbm4b:s21+s3], $0x200, $0x38;
	[tilespmem:$0x10200] =	vst v63  }
0x15a: {  	_ =	swait.ge [sflag:s4], $0x200  }
0x15b: {  	[sflag:s4] =	ssyncset.done $0x0  }
0x15c: {  	[sflag:s4] =	ssyncadd.s32 $0xFFFFFE00  }
0x15d: {  	[tilespmem:s5], [sflag:$0x1] =	stream.indirect.gather [hbm4b:s2+s5], $0x80, s3, s5, $0xb8;
	[tilespmem:$0x10200] =	vst v63  }
0x15e: {  	_ =	swait.ge [sflag:s6], $0x10000  }
0x15f: {  	[sflag:s6] =	ssyncset.done $0x0  }
0x160: {  	[sflag:s6] =	ssyncadd.s32 $0xFFFF0000  }
0x161: {  	[hbm4b:s22+s3] =	stream.linear.scatter [tilespmem:s5], [sflag:$0x2], $0x10000, $0x38;
	[tilespmem:$0x10200] =	vst v63  }
0x162: {  	_ =	swait.ge [sflag:s4], $0x10000  }
0x163: {  	[sflag:s4] =	ssyncset.done $0x0  }
0x164: {  	[sflag:s4] =	ssyncadd.s32 $0xFFFF0000  }
0x165: {  	[tilespmem:s3], [sflag:$0x2] =	stream.linear.gather [hbm4b:s23+s3], $0x200, $0x38;
	[tilespmem:$0x10200] =	vst v63  }
0x166: {  	_ =	swait.ge [sflag:s4], $0x200  }
0x167: {  	[sflag:s4] =	ssyncset.done $0x0  }
0x168: {  	[sflag:s4] =	ssyncadd.s32 $0xFFFFFE00  }
0x169: {  	[tilespmem:s5], [sflag:$0x1] =	stream.indirect.gather [hbm4b:s2+s5], $0x80, s3, s5, $0xb8;
	[tilespmem:$0x10200] =	vst v63  }
0x16a: {  	_ =	swait.ge [sflag:s6], $0x10000  }
0x16b: {  	[sflag:s6] =	ssyncset.done $0x0  }
0x16c: {  	[sflag:s6] =	ssyncadd.s32 $0xFFFF0000  }
0x16d: {  	[hbm4b:s24+s3] =	stream.linear.scatter [tilespmem:s5], [sflag:$0x2], $0x10000, $0x38;
	[tilespmem:$0x10200] =	vst v63  }
0x16e: {  	_ =	swait.ge [sflag:s4], $0x10000  }
0x16f: {  	[sflag:s4] =	ssyncset.done $0x0  }
0x170: {  	[sflag:s4] =	ssyncadd.s32 $0xFFFF0000  }
0x171: {  	[tilespmem:s3], [sflag:$0x2] =	stream.linear.gather [hbm4b:s25+s3], $0x200, $0x38;
	[tilespmem:$0x10200] =	vst v63  }
0x172: {  	_ =	swait.ge [sflag:s4], $0x200  }
0x173: {  	[sflag:s4] =	ssyncset.done $0x0  }
0x174: {  	[sflag:s4] =	ssyncadd.s32 $0xFFFFFE00  }
0x175: {  	[tilespmem:s5], [sflag:$0x1] =	stream.indirect.gather [hbm4b:s2+s5], $0x80, s3, s5, $0xb8;
	[tilespmem:$0x10200] =	vst v63  }
0x176: {  	_ =	swait.ge [sflag:s6], $0x10000  }
0x177: {  	[sflag:s6] =	ssyncset.done $0x0  }
0x178: {  	[sflag:s6] =	ssyncadd.s32 $0xFFFF0000  }
0x179: {  	[hbm4b:s26+s3] =	stream.linear.scatter [tilespmem:s5], [sflag:$0x2], $0x10000, $0x38;
	[tilespmem:$0x10200] =	vst v63  }
0x17a: {  	_ =	swait.ge [sflag:s4], $0x10000  }
0x17b: {  	[sflag:s4] =	ssyncset.done $0x0  }
0x17c: {  	[sflag:s4] =	ssyncadd.s32 $0xFFFF0000  }
0x17d: {  	[tilespmem:s3], [sflag:$0x2] =	stream.linear.gather [hbm4b:s28+s3], $0x200, $0x38;
	[tilespmem:$0x10200] =	vst v63  }
0x17e: {  	_ =	swait.ge [sflag:s4], $0x200  }
0x17f: {  	[sflag:s4] =	ssyncset.done $0x0  }
0x180: {  	[sflag:s4] =	ssyncadd.s32 $0xFFFFFE00  }
0x181: {  	[tilespmem:s5], [sflag:$0x1] =	stream.indirect.gather [hbm4b:s2+s5], $0x80, s3, s5, $0xb8;
	[tilespmem:$0x10200] =	vst v63  }
0x182: {  	_ =	swait.ge [sflag:s6], $0x10000  }
0x183: {  	[sflag:s6] =	ssyncset.done $0x0  }
0x184: {  	[sflag:s6] =	ssyncadd.s32 $0xFFFF0000  }
0x185: {  	[hbm4b:s29+s3] =	stream.linear.scatter [tilespmem:s5], [sflag:$0x2], $0x10000, $0x38;
	[tilespmem:$0x10200] =	vst v63  }
0x186: {  	_ =	swait.ge [sflag:s4], $0x10000  }
0x187: {  	[sflag:s4] =	ssyncset.done $0x0  }
0x188: {  	[sflag:s4] =	ssyncadd.s32 $0xFFFF0000  }
0x189: {  	[tilespmem:s3], [sflag:$0x2] =	stream.linear.gather [hbm4b:s30+s3], $0x200, $0x38;
	[tilespmem:$0x10200] =	vst v63  }
0x18a: {  	_ =	swait.ge [sflag:s4], $0x200  }
0x18b: {  	[sflag:s4] =	ssyncset.done $0x0  }
0x18c: {  	p0 =	sne.s32 s0, $0x1;
	[sflag:s4] =	ssyncadd.s32 $0xFFFFFE00  }
0x18d: {  	[tilespmem:s5], [sflag:$0x1] =	stream.indirect.gather [hbm4b:s2+s5], $0x80, s3, s5, $0xb8;
	[tilespmem:$0x10200] =	vst v63  }
.Ltmp1:
0x18e: {  	_ =	swait.ge [sflag:s6], $0x10000;
	(pc) =	sbr.rel @p0 .LBB2_1-.Ltmp1, $4  }
0x18f: {  	[sflag:s6] =	ssyncset.done $0x0  }
0x190: {  	[sflag:s6] =	ssyncadd.s32 $0xFFFF0000  }
0x191: {  	[hbm4b:s31+s3] =	stream.linear.scatter [tilespmem:s5], [sflag:$0x2], $0x10000, $0x38;
	[tilespmem:$0x10200] =	vst v63  }
0x192: {  	s0 =	sadd.s32 $0xFFFFFFFF, s0;
	_ =	swait.ge [sflag:s4], $0x10000  }
.LBB2_2:
0x193: {  	[sflag:s4] =	ssyncset.done $0x0  }
0x194: {  	[sflag:s4] =	ssyncadd.s32 $0xFFFF0000  }
0x195: {  	_ =	sfence.sel $0x180000  }
0x196: {  	[bflag:$0x0] =	sbarrier.arrive $0xFFFF  }
0x197: {  	_ =	strace $0x9000004A  }
0x198: {  	s0 =	stileid.u32;
	[bflag:$0x2] =	sbarrier.arrive $0xFFFF  }
0x199: {  	p0 =	sne.s32 s0, $0x0;
	s0 =	rddreg [dreg:$0x2]  }
0x19a: {  	s0 =	sadd.s32 @!p0 $0x100000, s0  }
0x19b: {  	[sflag:s0] =	ssyncadd.tile.s32 @!p0 $0x1;
	_ =	shalt  }
.Lfunc_end2:
_tile_overlayer_lowered:
.L_overlay_start_2:
0x19c: {  	(tag) =	ssettag $0x2  }
0x19d: {  	s0 =	rddreg [dreg:$0x0];
	s2 =	stileid.u32  }
0x19e: {  	s1 =	rddreg [dreg:$0x1];
	p0 =	sne.s32 s2, $0x0  }
0x19f: {  	s3 =	rddreg [dreg:$0x2];
	[bflag:$0x3] =	sbarrier.arrive $0xFFFF;
	s2 =	simm.s32 @!p0 $0x1C02  }
0x1a0: {  	[timem:s3], [sflag:s2] =	dma.local @!p0 [hbm:s0], s1  }
0x1a1: {  	s0 =	simm.s32 @!p0 $0x2  }
0x1a2: {  	_ =	swait.ge @!p0 [sflag:s0], s1  }
0x1a3: {  	s1 =	ssub.s32 @!p0 $0x0, s1;
	[sflag:s0] =	ssyncset.done @!p0 $0x0  }
0x1a4: {  	[sflag:s0] =	ssyncadd.s32 @!p0 s1  }
0x1a5: {  	[bflag:$0x3] =	sbarrier.arrive $0xFFFF  }
0x1a6: {  	_ =	shalt  }

// kernel: kernel.7.cloned.1.call-start
scs
__scs_entry_jumppad:
0x0: {  	(pc) =	sbr.rel $0x88, $3  }
0x1: {  	(tag) =	ssettag $0x0;
	lr =	simm.s32 $0x1  }
0x2: {  	[smem:$0x3F98] =	sst lr;
	_ =	strace $0xD0000000  }
0x3: {  	_ = 	snop  }
0x4: {  	_ = 	snop  }
0x5: {  	_ = 	snop  }
0x6: {  	_ = 	snop  }
0x7: {  	_ = 	snop  }
__scs_overlays_trampoline_lowered:
0x8: {  	[smem:$0x3FA7] =	sst s0  }
0x9: {  	[smem:$0x3FA8] =	sst s1  }
0xa: {  	[smem:$0x3FA9] =	sst s2  }
0xb: {  	[smem:$0x3FAA] =	sst s3  }
0xc: {  	[smem:$0x3FAB] =	sst s4  }
0xd: {  	[smem:$0x3FAC] =	sst s5  }
0xe: {  	[smem:$0x3FAD] =	sst s6  }
0xf: {  	[smem:$0x3FAE] =	sst s7  }
0x10: {  	[smem:$0x3FAF] =	sst s8  }
0x11: {  	[smem:$0x3FB0] =	sst s9;
	s0 =	simm.s32 @!p0 $0x0  }
0x12: {  	s1 =	sld [smem:$0x3F96];
	s0 =	simm.s32 @p0 $0x1  }
0x13: {  	[smem:$0x3FB1] =	sst s0;
	s0 =	simm.s32 @!p1 $0x0  }
0x14: {  	s2 =	sld [smem:$0x3F95];
	s0 =	simm.s32 @p1 $0x1  }
0x15: {  	[smem:$0x3FB2] =	sst s0;
	s0 =	simm.s32 @!p2 $0x0  }
0x16: {  	s3 =	sld [smem:$0x3FDB];
	s0 =	simm.s32 @p2 $0x1  }
0x17: {  	s4 =	simm.s32 $0x1BF5;
	[smem:$0x3FB4] =	sst s0  }
0x18: {  	s0 =	sld [smem:$0x3F97];
	_ =	swait.ge [sflag:s4], $0x0  }
0x19: {  	s7 =	sld [smem:$0x3F98]  }
0x1a: {  	s8 =	sadd.s32 $0xFFFFE003, lr  }
0x1b: {  	s9 =	sadd.s32 $0xFFFFFEF7, lr;
	s5 =	simm.s32 $0xFFFFFFFF;
	p2 =	slt.u32 s8, $0xFFFFF086  }
0x1c: {  	p1 =	slt.u32 s9, $0xF7A;
	s5 =	simm.s32 @!p2 $0x0  }
0x1d: {  	s5 =	simm.s32 @p1 $0x1;
	p0 =	seq.s32 s7, s2  }
0x1e: {  	s7 =	smul.u32 @!p0 $0xF7A, s2;
	p2 =	seq.s32 @!p0 s5, $0x0  }
0x1f: {  	s9 =	smul.u32 $0xF7A, s1;
	s8 =	simm.s32 @!p0 $0x1BF5;
	p2 =	por !p2, p0  }
0x20: {  	[sflag:s8] =	ssyncset.s32 @!p0 $0xFFFFF086;
	s6 =	sadd.s32 @!p0 s3, s7;
	s7 =	simm.s32 @!p0 $0x108  }
0x21: {  	s3 =	sadd.s32 s3, s9;
	s6 =	sadd.s32 @!p0 $0x88, s6;
	s7 =	simm.s32 @p2 $0x1082  }
0x22: {  	[simem:s7], [sflag:s8] =	dma.local @!p0 [hbm:s6], $0xF7A  }
0x23: {  	s9 =	sor.u32 $0xD0000000, s2;
	s6 =	simm.s32 $0x108;
	_ =	swait.ge @!p0 [sflag:s8], $0x0  }
0x24: {  	s3 =	sadd.s32 $0x88, s3;
	s6 =	simm.s32 @!p1 $0x1082;
	[sflag:s4] =	ssyncset.s32 $0xFFFFF086  }
0x25: {  	[simem:s6], [sflag:s4] =	dma.local [hbm:s3], $0xF7A  }
0x26: {  	[smem:$0x3F98] =	sst s1;
	(tag) =	ssettag s2;
	_ =	strace s9  }
0x27: {  	s1 =	sld [smem:$0x3FA8]  }
0x28: {  	s2 =	sld [smem:$0x3FA9]  }
0x29: {  	s4 =	sld [smem:$0x3FAB]  }
0x2a: {  	p0 =	seq.s32 s5, $0x0;
	s5 =	sld [smem:$0x3FAC]  }
0x2b: {  	s6 =	sld [smem:$0x3FAD]  }
0x2c: {  	s7 =	sld [smem:$0x3FAE]  }
0x2d: {  	s3 =	simm.s32 $0x108;
	s8 =	sld [smem:$0x3FAF]  }
0x2e: {  	s3 =	simm.s32 @!p0 $0x1082;
	s9 =	sld [smem:$0x3FB0]  }
0x2f: {  	lr =	sadd.s32 s0, s3;
	s0 =	sld [smem:$0x3FA7]  }
0x30: {  	s3 =	sld [smem:$0x3FAA]  }
0x31: {  	[smem:$0x3FB3] =	sst s10  }
0x32: {  	s10 =	sld [smem:$0x3FB1];
	_ =	sdelay $0x3  }
0x33: {  	p0 =	seq.s32 s10, $0x1;
	s10 =	sld [smem:$0x3FB3];
	_ =	sdelay $0x3  }
0x34: {  	[smem:$0x3FB3] =	sst s10  }
0x35: {  	s10 =	sld [smem:$0x3FB2];
	_ =	sdelay $0x3  }
0x36: {  	p1 =	seq.s32 s10, $0x1;
	s10 =	sld [smem:$0x3FB3];
	_ =	sdelay $0x3  }
0x37: {  	[smem:$0x3FB3] =	sst s10  }
0x38: {  	s10 =	sld [smem:$0x3FB4]  }
0x39: {  	_ = 	snop;
	(pc) =	sbr.ind lr, $3  }
0x3a: {  	_ = 	snop  }
0x3b: {  	_ = 	snop  }
0x3c: {  	p2 =	seq.s32 s10, $0x1;
	s10 =	sld [smem:$0x3FB3]  }
0x3d: {  	_ =	shalt  }
0x3e: {  	_ =	shalt  }
0x3f: {  	_ =	shalt  }
0x40: {  	_ =	shalt  }
0x41: {  	_ =	shalt  }
0x42: {  	_ =	shalt  }
0x43: {  	_ =	shalt  }
0x44: {  	_ =	shalt  }
0x45: {  	_ =	shalt  }
0x46: {  	_ =	shalt  }
0x47: {  	_ =	shalt  }
0x48: {  	_ =	shalt  }
0x49: {  	_ =	shalt  }
0x4a: {  	_ =	shalt  }
0x4b: {  	_ =	shalt  }
0x4c: {  	_ =	shalt  }
0x4d: {  	_ =	shalt  }
0x4e: {  	_ =	shalt  }
0x4f: {  	_ =	shalt  }
0x50: {  	_ =	shalt  }
0x51: {  	_ =	shalt  }
0x52: {  	_ =	shalt  }
0x53: {  	_ =	shalt  }
0x54: {  	_ =	shalt  }
0x55: {  	_ =	shalt  }
0x56: {  	_ =	shalt  }
0x57: {  	_ =	shalt  }
0x58: {  	_ =	shalt  }
0x59: {  	_ =	shalt  }
0x5a: {  	_ =	shalt  }
0x5b: {  	_ =	shalt  }
0x5c: {  	_ =	shalt  }
0x5d: {  	_ =	shalt  }
0x5e: {  	_ =	shalt  }
0x5f: {  	_ =	shalt  }
0x60: {  	_ =	shalt  }
0x61: {  	_ =	shalt  }
0x62: {  	_ =	shalt  }
0x63: {  	_ =	shalt  }
0x64: {  	_ =	shalt  }
0x65: {  	_ =	shalt  }
0x66: {  	_ =	shalt  }
0x67: {  	_ =	shalt  }
0x68: {  	_ =	shalt  }
0x69: {  	_ =	shalt  }
0x6a: {  	_ =	shalt  }
0x6b: {  	_ =	shalt  }
0x6c: {  	_ =	shalt  }
0x6d: {  	_ =	shalt  }
0x6e: {  	_ =	shalt  }
0x6f: {  	_ =	shalt  }
0x70: {  	_ =	shalt  }
0x71: {  	_ =	shalt  }
0x72: {  	_ =	shalt  }
0x73: {  	_ =	shalt  }
0x74: {  	_ =	shalt  }
0x75: {  	_ =	shalt  }
0x76: {  	_ =	shalt  }
0x77: {  	_ =	shalt  }
0x78: {  	_ =	shalt  }
0x79: {  	_ =	shalt  }
0x7a: {  	_ =	shalt  }
0x7b: {  	_ =	shalt  }
0x7c: {  	_ =	shalt  }
0x7d: {  	_ =	shalt  }
0x7e: {  	_ =	shalt  }
0x7f: {  	_ =	shalt  }
0x80: {  	_ =	shalt  }
0x81: {  	_ =	shalt  }
0x82: {  	_ =	shalt  }
0x83: {  	_ =	shalt  }
0x84: {  	_ =	shalt  }
0x85: {  	_ =	shalt  }
0x86: {  	_ =	shalt  }
0x87: {  	_ =	shalt  }
.Lfunc_end0:
.L_simem_size_0:
called_computation_lowered:
.L_overlay_start_0:
0x88: {  	s2 =	sld [smem:$0x3FD9]  }
0x89: {  	s3 =	sld [smem:$0x3FFE];
	_ =	sdelay $0x1  }
0x8a: {  	s1 =	srdreg.scid  }
0x8b: {  	s0 =	sand.u32 $0x1, s1  }
0x8c: {  	s16 =	sshll.u32 s0, $0xA;
	s2 =	sadd.s32 s3, s2  }
0x8d: {  	s2 =	sadd.s32 s2, s16  }
0x8e: {  	[smem:$0x3FBF] =	sst s2  }
0x8f: {  	_ = 	snop  }
0x90: {  	(tm) =	ssettm $0x1  }
0x91: {  	s17 =	sld [smem:$0x3FFB];
	_ =	sdelay $0x3  }
0x92: {  	_ =	strace s17  }
0x93: {  	s2 =	sld [smem:$0x3FFC];
	_ =	sdelay $0x3  }
0x94: {  	_ =	strace s2  }
0x95: {  	s2 =	sld [smem:$0x3FFD];
	_ =	sdelay $0x3  }
0x96: {  	_ =	strace s2  }
0x97: {  	_ =	strace $0x8FFFFFFF  }
0x98: {  	s18 =	sld [smem:$0x3FDB];
	_ =	sdelay $0x1  }
0x99: {  	s19 =	simm.s32 $_scs_section_size  }
0x9a: {  	s4 =	simm.s32 $_size__tile_overlayer_lowered;
	s5 =	simm.s32 $_tile_overlayer_lowered  }
0x9b: {  	s22 =	simm.s32 $0x1BFF;
	s21 =	sshll.u32 s5, $0x1;
	s2 =	sadd.s32 s19, s18  }
0x9c: {  	s6 =	simm.s32 $0x0;
	s20 =	sshll.u32 s4, $0x1;
	s4 =	sadd.s32 s21, s2  }
0x9d: {  	[timem:s6], [sflag:s22] =	dma.local [hbm:s4], s20  }
0x9e: {  	_ =	swait.ge [sflag:s22], s20  }
0x9f: {  	s3 =	ssub.s32 $0x0, s20;
	[sflag:s22] =	ssyncset.done $0x0  }
0xa0: {  	[sflag:s22] =	ssyncadd.s32 s3;
	_ =	sdelay $0x1  }
0xa1: {  	s23 =	simm.s32 $0x1B8B  }
0xa2: {  	_ =	swait.ge [sflag:s23], $0x1  }
0xa3: {  	[sflag:s23] =	ssyncset.done $0x0  }
0xa4: {  	s25 =	simm.s32 $0x1B8E;
	s24 =	sld [smem:$0x3FFE];
	[sflag:s23] =	ssyncadd.s32 $0xFFFFFFFF  }
0xa5: {  	s26 =	simm.s32 $execute0_lowered;
	[smem:$0x3FD2] =	sst s25  }
0xa6: {  	s4 =	sshll.u32 s26, $0x1;
	_ =	strace $0x80000046;
	[dreg:$0x1] =	wrdreg $0xFFFFFFFF  }
0xa7: {  	s28 =	simm.s32 $_size_execute0_lowered;
	s2 =	sadd.s32 s2, s4;
	[dreg:$0x0] =	wrdreg $0x0  }
0xa8: {  	s4 =	sshll.u32 s28, $0x1;
	[dreg:$0x2] =	wrdreg s2  }
0xa9: {  	[dreg:$0x3] =	wrdreg s4  }
0xaa: {  	[dreg:$0x4] =	wrdreg $0xC0  }
0xab: {  	_ =	task [dreg:s6], $0x5FFFF  }
0xac: {  	[dreg:$0x1] =	wrdreg $0xFFFFFFFF  }
0xad: {  	[dreg:$0x0] =	wrdreg $0x60  }
0xae: {  	[dreg:$0x2] =	wrdreg s24  }
0xaf: {  	[dreg:$0x3] =	wrdreg $0x9  }
0xb0: {  	_ =	task.clear_ibuf [dreg:s6], $0x4FFFF;
	_ =	strace $0x90000046  }
0xb1: {  	s29 =	simm.s32 $0x9;
	_ =	strace $0x80000048  }
0xb2: {  	_ =	swait.ge [sflag:s29], $0x1  }
0xb3: {  	[sflag:s29] =	ssyncadd.s32 $0xFFFFFFFF  }
0xb4: {  	_ =	strace $0x90000048  }
0xb5: {  	_ =	sfence  }
0xb6: {  	s30 =	sld [smem:$0x0];
	_ =	sdelay $0x2  }
0xb7: {  	s31 =	sshll.u32 s1, $0xD;
	s1 =	sshrl.u32 s1, $0x2  }
0xb8: {  	s3 =	sand.u32 $0x4000, s31;
	s1 =	sadd.s32 s1, s30  }
0xb9: {  	s0 =	sor.u32 s3, s0;
	s1 =	sshll.u32 s1, $0x11  }
0xba: {  	s0 =	sor.u32 s1, s0  }
0xbb: {  	s0 =	sadd.s32 $0x8F2B, s0  }
0xbc: {  	[sflag:s0] =	ssyncadd.remote.s32 $0x1  }
0xbd: {  	_ =	sfence.sel $0xFFFF  }
0xbe: {  	[dreg:$0x0] =	wrdreg $0xFFFFFFFF;
	(pc) =	sbr.abs _section_cstart, $3  }
0xbf: {  	[dreg:$0x1] =	wrdreg $0xFFFFFFFF  }
0xc0: {  	_ =	task.clear_ibuf [dreg:s6], $0x2FFFF;
	_ =	strace $0x9FFFFFFF  }
0xc1: {  	(tm) =	ssettm $0x7FFFFFFF  }
tec
execute0_lowered:
.L_overlay_start_1:
0x0: {  	(tag) =	ssettag $0x1  }
0x1: {  	s4 =	rddreg [dreg:$0x0];
	s0 =	srdreg.scid  }
0x2: {  	s1 =	stileid.u32;
	s2 =	simm.s32 $0x0;
	s31 =	sand.u32 $0x1, s0  }
0x3: {  	s1 =	sshll.u32 s1, $0xE;
	[smem:$0x7FF] =	sst s2;
	s3 =	sshll.u32 s31, $0xD  }
0x4: {  	s30 =	sadd.s32 $0x8000, s4;
	s0 =	sadd.s32 $0x500000, s4;
	s1 =	sor.u32 s3, s1  }
0x5: {  	_ =	strace $0x80000047;
	s3 =	sshrl.u32 s1, $0x3;
	s5 =	sshll.u32 s1, $0x4  }
0x6: {  	s9 =	sor.u32 $0x200, s1;
	s6 =	sor.u32 $0x400, s1;
	s3 =	sadd.s32 s30, s3  }
0x7: {  	s8 =	sadd.s32 s0, s5;
	s10 =	sshrl.u32 s9, $0x3;
	[dreg:$0x2] =	wrdreg s3  }
0x8: {  	s5 =	sshll.u32 s9, $0x4;
	[dreg:$0x3] =	wrdreg s8;
	s3 =	sadd.s32 s30, s10  }
0x9: {  	s12 =	sshrl.u32 s6, $0x3;
	s11 =	sadd.s32 s0, s5;
	[dreg:$0x4] =	wrdreg s3  }
0xa: {  	s14 =	sshll.u32 s6, $0x4;
	s13 =	sadd.s32 s30, s12;
	[dreg:$0x5] =	wrdreg s11  }
0xb: {  	s16 =	sor.u32 $0x600, s1;
	s15 =	sadd.s32 s0, s14;
	[dreg:$0x6] =	wrdreg s13  }
0xc: {  	s17 =	sshrl.u32 s16, $0x3;
	[dreg:$0x7] =	wrdreg s15  }
0xd: {  	s5 =	sshll.u32 s16, $0x4;
	s3 =	sadd.s32 s30, s17;
	s18 =	rddreg [dreg:$0x2]  }
0xe: {  	s19 =	sadd.s32 s0, s5;
	[dreg:$0x8] =	wrdreg s3  }
0xf: {  	[dreg:$0x9] =	wrdreg s19;
	s3 =	simm.s32 $0x2  }
0x10: {  	[tilespmem:s2], [sflag:$0x2] =	stream.linear.gather [hbm4b:s18+s2], $0x200, $0x38;
	[tilespmem:$0x10200] =	vst v63  }
0x11: {  	_ =	swait.ge [sflag:s3], $0x200  }
0x12: {  	s4 =	sadd.s32 $0x300000, s4;
	[sflag:s3] =	ssyncset.done $0x0  }
0x13: {  	s6 =	simm.s32 $0x1;
	s5 =	simm.s32 $0x200;
	[sflag:s3] =	ssyncadd.s32 $0xFFFFFE00  }
0x14: {  	[tilespmem:s5], [sflag:$0x1] =	stream.indirect.gather [hbm4b:s4+s5], $0x80, s2, s5, $0xb8;
	[tilespmem:$0x10200] =	vst v63  }
0x15: {  	_ =	swait.ge [sflag:s6], $0x10000  }
0x16: {  	[sflag:s6] =	ssyncset.done $0x0  }
0x17: {  	s7 =	rddreg [dreg:$0x3];
	[sflag:s6] =	ssyncadd.s32 $0xFFFF0000  }
0x18: {  	[hbm4b:s7+s2] =	stream.linear.scatter [tilespmem:s5], [sflag:$0x2], $0x10000, $0x38;
	[tilespmem:$0x10200] =	vst v63  }
0x19: {  	_ =	swait.ge [sflag:s3], $0x10000  }
0x1a: {  	[sflag:s3] =	ssyncset.done $0x0  }
0x1b: {  	s20 =	rddreg [dreg:$0x4];
	[sflag:s3] =	ssyncadd.s32 $0xFFFF0000  }
0x1c: {  	[tilespmem:s2], [sflag:$0x2] =	stream.linear.gather [hbm4b:s20+s2], $0x200, $0x38;
	[tilespmem:$0x10200] =	vst v63  }
0x1d: {  	_ =	swait.ge [sflag:s3], $0x200  }
0x1e: {  	[sflag:s3] =	ssyncset.done $0x0  }
0x1f: {  	[sflag:s3] =	ssyncadd.s32 $0xFFFFFE00  }
0x20: {  	[tilespmem:s5], [sflag:$0x1] =	stream.indirect.gather [hbm4b:s4+s5], $0x80, s2, s5, $0xb8;
	[tilespmem:$0x10200] =	vst v63  }
0x21: {  	_ =	swait.ge [sflag:s6], $0x10000  }
0x22: {  	[sflag:s6] =	ssyncset.done $0x0  }
0x23: {  	s21 =	rddreg [dreg:$0x5];
	[sflag:s6] =	ssyncadd.s32 $0xFFFF0000  }
0x24: {  	[hbm4b:s21+s2] =	stream.linear.scatter [tilespmem:s5], [sflag:$0x2], $0x10000, $0x38;
	[tilespmem:$0x10200] =	vst v63  }
0x25: {  	_ =	swait.ge [sflag:s3], $0x10000  }
0x26: {  	[sflag:s3] =	ssyncset.done $0x0  }
0x27: {  	s22 =	rddreg [dreg:$0x6];
	[sflag:s3] =	ssyncadd.s32 $0xFFFF0000  }
0x28: {  	[tilespmem:s2], [sflag:$0x2] =	stream.linear.gather [hbm4b:s22+s2], $0x200, $0x38;
	[tilespmem:$0x10200] =	vst v63  }
0x29: {  	_ =	swait.ge [sflag:s3], $0x200  }
0x2a: {  	[sflag:s3] =	ssyncset.done $0x0  }
0x2b: {  	[sflag:s3] =	ssyncadd.s32 $0xFFFFFE00  }
0x2c: {  	[tilespmem:s5], [sflag:$0x1] =	stream.indirect.gather [hbm4b:s4+s5], $0x80, s2, s5, $0xb8;
	[tilespmem:$0x10200] =	vst v63  }
0x2d: {  	_ =	swait.ge [sflag:s6], $0x10000  }
0x2e: {  	[sflag:s6] =	ssyncset.done $0x0  }
0x2f: {  	s23 =	rddreg [dreg:$0x7];
	[sflag:s6] =	ssyncadd.s32 $0xFFFF0000  }
0x30: {  	[hbm4b:s23+s2] =	stream.linear.scatter [tilespmem:s5], [sflag:$0x2], $0x10000, $0x38;
	[tilespmem:$0x10200] =	vst v63  }
0x31: {  	_ =	swait.ge [sflag:s3], $0x10000  }
0x32: {  	[sflag:s3] =	ssyncset.done $0x0  }
0x33: {  	s24 =	rddreg [dreg:$0x8];
	[sflag:s3] =	ssyncadd.s32 $0xFFFF0000  }
0x34: {  	[tilespmem:s2], [sflag:$0x2] =	stream.linear.gather [hbm4b:s24+s2], $0x200, $0x38;
	[tilespmem:$0x10200] =	vst v63  }
0x35: {  	_ =	swait.ge [sflag:s3], $0x200  }
0x36: {  	[sflag:s3] =	ssyncset.done $0x0  }
0x37: {  	[sflag:s3] =	ssyncadd.s32 $0xFFFFFE00  }
0x38: {  	[tilespmem:s5], [sflag:$0x1] =	stream.indirect.gather [hbm4b:s4+s5], $0x80, s2, s5, $0xb8;
	[tilespmem:$0x10200] =	vst v63  }
0x39: {  	_ =	swait.ge [sflag:s6], $0x10000  }
0x3a: {  	[sflag:s6] =	ssyncset.done $0x0  }
0x3b: {  	s25 =	rddreg [dreg:$0x9];
	[sflag:s6] =	ssyncadd.s32 $0xFFFF0000  }
0x3c: {  	[hbm4b:s25+s2] =	stream.linear.scatter [tilespmem:s5], [sflag:$0x2], $0x10000, $0x38;
	[tilespmem:$0x10200] =	vst v63  }
0x3d: {  	s8 =	sor.u32 $0x800, s1;
	_ =	swait.ge [sflag:s3], $0x10000  }
0x3e: {  	s26 =	sshrl.u32 s8, $0x3;
	[sflag:s3] =	ssyncset.done $0x0  }
0x3f: {  	s7 =	sadd.s32 s30, s26;
	[sflag:s3] =	ssyncadd.s32 $0xFFFF0000  }
0x40: {  	[tilespmem:s2], [sflag:$0x2] =	stream.linear.gather [hbm4b:s7+s2], $0x200, $0x38;
	[tilespmem:$0x10200] =	vst v63  }
0x41: {  	_ =	swait.ge [sflag:s3], $0x200  }
0x42: {  	[sflag:s3] =	ssyncset.done $0x0  }
0x43: {  	[sflag:s3] =	ssyncadd.s32 $0xFFFFFE00  }
0x44: {  	[tilespmem:s5], [sflag:$0x1] =	stream.indirect.gather [hbm4b:s4+s5], $0x80, s2, s5, $0xb8;
	[tilespmem:$0x10200] =	vst v63  }
0x45: {  	_ =	swait.ge [sflag:s6], $0x10000  }
0x46: {  	s8 =	sshll.u32 s8, $0x4;
	[sflag:s6] =	ssyncset.done $0x0  }
0x47: {  	s8 =	sadd.s32 s0, s8;
	[sflag:s6] =	ssyncadd.s32 $0xFFFF0000  }
0x48: {  	[hbm4b:s8+s2] =	stream.linear.scatter [tilespmem:s5], [sflag:$0x2], $0x10000, $0x38;
	[tilespmem:$0x10200] =	vst v63  }
0x49: {  	s10 =	sor.u32 $0xA00, s1;
	_ =	swait.ge [sflag:s3], $0x10000  }
0x4a: {  	s9 =	sshrl.u32 s10, $0x3;
	[sflag:s3] =	ssyncset.done $0x0  }
0x4b: {  	s9 =	sadd.s32 s30, s9;
	[sflag:s3] =	ssyncadd.s32 $0xFFFF0000  }
0x4c: {  	[tilespmem:s2], [sflag:$0x2] =	stream.linear.gather [hbm4b:s9+s2], $0x200, $0x38;
	[tilespmem:$0x10200] =	vst v63  }
0x4d: {  	_ =	swait.ge [sflag:s3], $0x200  }
0x4e: {  	[sflag:s3] =	ssyncset.done $0x0  }
0x4f: {  	[sflag:s3] =	ssyncadd.s32 $0xFFFFFE00  }
0x50: {  	[tilespmem:s5], [sflag:$0x1] =	stream.indirect.gather [hbm4b:s4+s5], $0x80, s2, s5, $0xb8;
	[tilespmem:$0x10200] =	vst v63  }
0x51: {  	_ =	swait.ge [sflag:s6], $0x10000  }
0x52: {  	s10 =	sshll.u32 s10, $0x4;
	[sflag:s6] =	ssyncset.done $0x0  }
0x53: {  	s10 =	sadd.s32 s0, s10;
	[sflag:s6] =	ssyncadd.s32 $0xFFFF0000  }
0x54: {  	[hbm4b:s10+s2] =	stream.linear.scatter [tilespmem:s5], [sflag:$0x2], $0x10000, $0x38;
	[tilespmem:$0x10200] =	vst v63  }
0x55: {  	s12 =	sor.u32 $0xC00, s1;
	_ =	swait.ge [sflag:s3], $0x10000  }
0x56: {  	s11 =	sshrl.u32 s12, $0x3;
	[sflag:s3] =	ssyncset.done $0x0  }
0x57: {  	s11 =	sadd.s32 s30, s11;
	[sflag:s3] =	ssyncadd.s32 $0xFFFF0000  }
0x58: {  	[tilespmem:s2], [sflag:$0x2] =	stream.linear.gather [hbm4b:s11+s2], $0x200, $0x38;
	[tilespmem:$0x10200] =	vst v63  }
0x59: {  	_ =	swait.ge [sflag:s3], $0x200  }
0x5a: {  	[sflag:s3] =	ssyncset.done $0x0  }
0x5b: {  	[sflag:s3] =	ssyncadd.s32 $0xFFFFFE00  }
0x5c: {  	[tilespmem:s5], [sflag:$0x1] =	stream.indirect.gather [hbm4b:s4+s5], $0x80, s2, s5, $0xb8;
	[tilespmem:$0x10200] =	vst v63  }
0x5d: {  	_ =	swait.ge [sflag:s6], $0x10000  }
0x5e: {  	s12 =	sshll.u32 s12, $0x4;
	[sflag:s6] =	ssyncset.done $0x0  }
0x5f: {  	s12 =	sadd.s32 s0, s12;
	[sflag:s6] =	ssyncadd.s32 $0xFFFF0000  }
0x60: {  	[hbm4b:s12+s2] =	stream.linear.scatter [tilespmem:s5], [sflag:$0x2], $0x10000, $0x38;
	[tilespmem:$0x10200] =	vst v63  }
0x61: {  	s14 =	sor.u32 $0xE00, s1;
	_ =	swait.ge [sflag:s3], $0x10000  }
0x62: {  	s13 =	sshrl.u32 s14, $0x3;
	[sflag:s3] =	ssyncset.done $0x0  }
0x63: {  	s13 =	sadd.s32 s30, s13;
	[sflag:s3] =	ssyncadd.s32 $0xFFFF0000  }
0x64: {  	[tilespmem:s2], [sflag:$0x2] =	stream.linear.gather [hbm4b:s13+s2], $0x200, $0x38;
	[tilespmem:$0x10200] =	vst v63  }
0x65: {  	_ =	swait.ge [sflag:s3], $0x200  }
0x66: {  	[sflag:s3] =	ssyncset.done $0x0  }
0x67: {  	[sflag:s3] =	ssyncadd.s32 $0xFFFFFE00  }
0x68: {  	[tilespmem:s5], [sflag:$0x1] =	stream.indirect.gather [hbm4b:s4+s5], $0x80, s2, s5, $0xb8;
	[tilespmem:$0x10200] =	vst v63  }
0x69: {  	_ =	swait.ge [sflag:s6], $0x10000  }
0x6a: {  	s14 =	sshll.u32 s14, $0x4;
	[sflag:s6] =	ssyncset.done $0x0  }
0x6b: {  	s14 =	sadd.s32 s0, s14;
	[sflag:s6] =	ssyncadd.s32 $0xFFFF0000  }
0x6c: {  	[hbm4b:s14+s2] =	stream.linear.scatter [tilespmem:s5], [sflag:$0x2], $0x10000, $0x38;
	[tilespmem:$0x10200] =	vst v63  }
0x6d: {  	s16 =	sor.u32 $0x1000, s1;
	_ =	swait.ge [sflag:s3], $0x10000  }
0x6e: {  	s15 =	sshrl.u32 s16, $0x3;
	[sflag:s3] =	ssyncset.done $0x0  }
0x6f: {  	s15 =	sadd.s32 s30, s15;
	[sflag:s3] =	ssyncadd.s32 $0xFFFF0000  }
0x70: {  	[tilespmem:s2], [sflag:$0x2] =	stream.linear.gather [hbm4b:s15+s2], $0x200, $0x38;
	[tilespmem:$0x10200] =	vst v63  }
0x71: {  	_ =	swait.ge [sflag:s3], $0x200  }
0x72: {  	[sflag:s3] =	ssyncset.done $0x0  }
0x73: {  	[sflag:s3] =	ssyncadd.s32 $0xFFFFFE00  }
0x74: {  	[tilespmem:s5], [sflag:$0x1] =	stream.indirect.gather [hbm4b:s4+s5], $0x80, s2, s5, $0xb8;
	[tilespmem:$0x10200] =	vst v63  }
0x75: {  	_ =	swait.ge [sflag:s6], $0x10000  }
0x76: {  	s16 =	sshll.u32 s16, $0x4;
	[sflag:s6] =	ssyncset.done $0x0  }
0x77: {  	s16 =	sadd.s32 s0, s16;
	[sflag:s6] =	ssyncadd.s32 $0xFFFF0000  }
0x78: {  	[hbm4b:s16+s2] =	stream.linear.scatter [tilespmem:s5], [sflag:$0x2], $0x10000, $0x38;
	[tilespmem:$0x10200] =	vst v63  }
0x79: {  	s18 =	sor.u32 $0x1200, s1;
	_ =	swait.ge [sflag:s3], $0x10000  }
0x7a: {  	s17 =	sshrl.u32 s18, $0x3;
	[sflag:s3] =	ssyncset.done $0x0  }
0x7b: {  	s17 =	sadd.s32 s30, s17;
	[sflag:s3] =	ssyncadd.s32 $0xFFFF0000  }
0x7c: {  	[tilespmem:s2], [sflag:$0x2] =	stream.linear.gather [hbm4b:s17+s2], $0x200, $0x38;
	[tilespmem:$0x10200] =	vst v63  }
0x7d: {  	_ =	swait.ge [sflag:s3], $0x200  }
0x7e: {  	[sflag:s3] =	ssyncset.done $0x0  }
0x7f: {  	[sflag:s3] =	ssyncadd.s32 $0xFFFFFE00  }
0x80: {  	[tilespmem:s5], [sflag:$0x1] =	stream.indirect.gather [hbm4b:s4+s5], $0x80, s2, s5, $0xb8;
	[tilespmem:$0x10200] =	vst v63  }
0x81: {  	_ =	swait.ge [sflag:s6], $0x10000  }
0x82: {  	s18 =	sshll.u32 s18, $0x4;
	[sflag:s6] =	ssyncset.done $0x0  }
0x83: {  	s18 =	sadd.s32 s0, s18;
	[sflag:s6] =	ssyncadd.s32 $0xFFFF0000  }
0x84: {  	[hbm4b:s18+s2] =	stream.linear.scatter [tilespmem:s5], [sflag:$0x2], $0x10000, $0x38;
	[tilespmem:$0x10200] =	vst v63  }
0x85: {  	s20 =	sor.u32 $0x1400, s1;
	_ =	swait.ge [sflag:s3], $0x10000  }
0x86: {  	s19 =	sshrl.u32 s20, $0x3;
	[sflag:s3] =	ssyncset.done $0x0  }
0x87: {  	s19 =	sadd.s32 s30, s19;
	[sflag:s3] =	ssyncadd.s32 $0xFFFF0000  }
0x88: {  	[tilespmem:s2], [sflag:$0x2] =	stream.linear.gather [hbm4b:s19+s2], $0x200, $0x38;
	[tilespmem:$0x10200] =	vst v63  }
0x89: {  	_ =	swait.ge [sflag:s3], $0x200  }
0x8a: {  	[sflag:s3] =	ssyncset.done $0x0  }
0x8b: {  	[sflag:s3] =	ssyncadd.s32 $0xFFFFFE00  }
0x8c: {  	[tilespmem:s5], [sflag:$0x1] =	stream.indirect.gather [hbm4b:s4+s5], $0x80, s2, s5, $0xb8;
	[tilespmem:$0x10200] =	vst v63  }
0x8d: {  	_ =	swait.ge [sflag:s6], $0x10000  }
0x8e: {  	s20 =	sshll.u32 s20, $0x4;
	[sflag:s6] =	ssyncset.done $0x0  }
0x8f: {  	s20 =	sadd.s32 s0, s20;
	[sflag:s6] =	ssyncadd.s32 $0xFFFF0000  }
0x90: {  	[hbm4b:s20+s2] =	stream.linear.scatter [tilespmem:s5], [sflag:$0x2], $0x10000, $0x38;
	[tilespmem:$0x10200] =	vst v63  }
0x91: {  	s22 =	sor.u32 $0x1600, s1;
	_ =	swait.ge [sflag:s3], $0x10000  }
0x92: {  	s21 =	sshrl.u32 s22, $0x3;
	[sflag:s3] =	ssyncset.done $0x0  }
0x93: {  	s21 =	sadd.s32 s30, s21;
	[sflag:s3] =	ssyncadd.s32 $0xFFFF0000  }
0x94: {  	[tilespmem:s2], [sflag:$0x2] =	stream.linear.gather [hbm4b:s21+s2], $0x200, $0x38;
	[tilespmem:$0x10200] =	vst v63  }
0x95: {  	_ =	swait.ge [sflag:s3], $0x200  }
0x96: {  	[sflag:s3] =	ssyncset.done $0x0  }
0x97: {  	[sflag:s3] =	ssyncadd.s32 $0xFFFFFE00  }
0x98: {  	[tilespmem:s5], [sflag:$0x1] =	stream.indirect.gather [hbm4b:s4+s5], $0x80, s2, s5, $0xb8;
	[tilespmem:$0x10200] =	vst v63  }
0x99: {  	_ =	swait.ge [sflag:s6], $0x10000  }
0x9a: {  	s22 =	sshll.u32 s22, $0x4;
	[sflag:s6] =	ssyncset.done $0x0  }
0x9b: {  	s22 =	sadd.s32 s0, s22;
	[sflag:s6] =	ssyncadd.s32 $0xFFFF0000  }
0x9c: {  	[hbm4b:s22+s2] =	stream.linear.scatter [tilespmem:s5], [sflag:$0x2], $0x10000, $0x38;
	[tilespmem:$0x10200] =	vst v63  }
0x9d: {  	s24 =	sor.u32 $0x1800, s1;
	_ =	swait.ge [sflag:s3], $0x10000  }
0x9e: {  	s23 =	sshrl.u32 s24, $0x3;
	[sflag:s3] =	ssyncset.done $0x0  }
0x9f: {  	s23 =	sadd.s32 s30, s23;
	[sflag:s3] =	ssyncadd.s32 $0xFFFF0000  }
0xa0: {  	[tilespmem:s2], [sflag:$0x2] =	stream.linear.gather [hbm4b:s23+s2], $0x200, $0x38;
	[tilespmem:$0x10200] =	vst v63  }
0xa1: {  	_ =	swait.ge [sflag:s3], $0x200  }
0xa2: {  	[sflag:s3] =	ssyncset.done $0x0  }
0xa3: {  	[sflag:s3] =	ssyncadd.s32 $0xFFFFFE00  }
0xa4: {  	[tilespmem:s5], [sflag:$0x1] =	stream.indirect.gather [hbm4b:s4+s5], $0x80, s2, s5, $0xb8;
	[tilespmem:$0x10200] =	vst v63  }
0xa5: {  	_ =	swait.ge [sflag:s6], $0x10000  }
0xa6: {  	s24 =	sshll.u32 s24, $0x4;
	[sflag:s6] =	ssyncset.done $0x0  }
0xa7: {  	s24 =	sadd.s32 s0, s24;
	[sflag:s6] =	ssyncadd.s32 $0xFFFF0000  }
0xa8: {  	[hbm4b:s24+s2] =	stream.linear.scatter [tilespmem:s5], [sflag:$0x2], $0x10000, $0x38;
	[tilespmem:$0x10200] =	vst v63  }
0xa9: {  	s26 =	sor.u32 $0x1A00, s1;
	_ =	swait.ge [sflag:s3], $0x10000  }
0xaa: {  	s25 =	sshrl.u32 s26, $0x3;
	[sflag:s3] =	ssyncset.done $0x0  }
0xab: {  	s25 =	sadd.s32 s30, s25;
	[sflag:s3] =	ssyncadd.s32 $0xFFFF0000  }
0xac: {  	[tilespmem:s2], [sflag:$0x2] =	stream.linear.gather [hbm4b:s25+s2], $0x200, $0x38;
	[tilespmem:$0x10200] =	vst v63  }
0xad: {  	_ =	swait.ge [sflag:s3], $0x200  }
0xae: {  	[sflag:s3] =	ssyncset.done $0x0  }
0xaf: {  	[sflag:s3] =	ssyncadd.s32 $0xFFFFFE00  }
0xb0: {  	[tilespmem:s5], [sflag:$0x1] =	stream.indirect.gather [hbm4b:s4+s5], $0x80, s2, s5, $0xb8;
	[tilespmem:$0x10200] =	vst v63  }
0xb1: {  	_ =	swait.ge [sflag:s6], $0x10000  }
0xb2: {  	s26 =	sshll.u32 s26, $0x4;
	[sflag:s6] =	ssyncset.done $0x0  }
0xb3: {  	s26 =	sadd.s32 s0, s26;
	[dreg:$0xa] =	wrdreg s0;
	[sflag:s6] =	ssyncadd.s32 $0xFFFF0000  }
0xb4: {  	[hbm4b:s26+s2] =	stream.linear.scatter [tilespmem:s5], [sflag:$0x2], $0x10000, $0x38;
	[tilespmem:$0x10200] =	vst v63  }
0xb5: {  	s29 =	sor.u32 $0x1C00, s1;
	_ =	swait.ge [sflag:s3], $0x10000  }
0xb6: {  	s28 =	sshrl.u32 s29, $0x3;
	[sflag:s3] =	ssyncset.done $0x0  }
0xb7: {  	s28 =	sadd.s32 s30, s28;
	[sflag:s3] =	ssyncadd.s32 $0xFFFF0000  }
0xb8: {  	[tilespmem:s2], [sflag:$0x2] =	stream.linear.gather [hbm4b:s28+s2], $0x200, $0x38;
	[tilespmem:$0x10200] =	vst v63  }
0xb9: {  	_ =	swait.ge [sflag:s3], $0x200  }
0xba: {  	[sflag:s3] =	ssyncset.done $0x0  }
0xbb: {  	[sflag:s3] =	ssyncadd.s32 $0xFFFFFE00  }
0xbc: {  	[tilespmem:s5], [sflag:$0x1] =	stream.indirect.gather [hbm4b:s4+s5], $0x80, s2, s5, $0xb8;
	[tilespmem:$0x10200] =	vst v63  }
0xbd: {  	_ =	swait.ge [sflag:s6], $0x10000  }
0xbe: {  	s29 =	sshll.u32 s29, $0x4;
	[sflag:s6] =	ssyncset.done $0x0  }
0xbf: {  	s29 =	sadd.s32 s0, s29;
	s1 =	sor.u32 $0x1E00, s1;
	[sflag:s6] =	ssyncadd.s32 $0xFFFF0000  }
0xc0: {  	[hbm4b:s29+s2] =	stream.linear.scatter [tilespmem:s5], [sflag:$0x2], $0x10000, $0x38;
	[tilespmem:$0x10200] =	vst v63  }
0xc1: {  	s0 =	sshrl.u32 s1, $0x3;
	_ =	swait.ge [sflag:s3], $0x10000  }
0xc2: {  	s30 =	sadd.s32 s30, s0;
	s0 =	ssub.s32 $0x2, s31;
	[sflag:s3] =	ssyncset.done $0x0  }
0xc3: {  	s31 =	sshrl.u32 s0, $0x1;
	[sflag:s3] =	ssyncadd.s32 $0xFFFF0000  }
0xc4: {  	[tilespmem:s2], [sflag:$0x2] =	stream.linear.gather [hbm4b:s30+s2], $0x200, $0x38;
	[tilespmem:$0x10200] =	vst v63  }
0xc5: {  	s0 =	ssub.s32 s0, s31;
	_ =	swait.ge [sflag:s3], $0x200  }
0xc6: {  	s0 =	smax.u32 s0, $0x1;
	[sflag:s3] =	ssyncset.done $0x0  }
0xc7: {  	p0 =	sne.s32 s0, $0x1;
	[sflag:s3] =	ssyncadd.s32 $0xFFFFFE00  }
0xc8: {  	[tilespmem:s5], [sflag:$0x1] =	stream.indirect.gather [hbm4b:s4+s5], $0x80, s2, s5, $0xb8;
	[tilespmem:$0x10200] =	vst v63  }
.Ltmp0:
0xc9: {  	_ =	swait.ge [sflag:s6], $0x10000;
	(pc) =	sbr.rel @!p0 .LBB2_2-.Ltmp0, $4  }
0xca: {  	s1 =	sshll.u32 s1, $0x4;
	[sflag:s6] =	ssyncset.done $0x0;
	s31 =	rddreg [dreg:$0xa]  }
0xcb: {  	s31 =	sadd.s32 s31, s1;
	[sflag:s6] =	ssyncadd.s32 $0xFFFF0000  }
0xcc: {  	[hbm4b:s31+s2] =	stream.linear.scatter [tilespmem:s5], [sflag:$0x2], $0x10000, $0x38;
	[tilespmem:$0x10200] =	vst v63  }
0xcd: {  	s0 =	sadd.s32 $0xFFFFFFFF, s0;
	_ =	swait.ge [sflag:s3], $0x10000  }
.LBB2_1:
0xce: {  	[sflag:s3] =	ssyncset.done $0x0  }
0xcf: {  	s1 =	rddreg [dreg:$0x2];
	[sflag:s3] =	ssyncadd.s32 $0xFFFF0000  }
0xd0: {  	[tilespmem:s2], [sflag:$0x2] =	stream.linear.gather [hbm4b:s1+s2], $0x200, $0x38;
	[tilespmem:$0x10200] =	vst v63  }
0xd1: {  	_ =	swait.ge [sflag:s3], $0x200  }
0xd2: {  	[sflag:s3] =	ssyncset.done $0x0  }
0xd3: {  	[sflag:s3] =	ssyncadd.s32 $0xFFFFFE00  }
0xd4: {  	[tilespmem:s5], [sflag:$0x1] =	stream.indirect.gather [hbm4b:s4+s5], $0x80, s2, s5, $0xb8;
	[tilespmem:$0x10200] =	vst v63  }
0xd5: {  	_ =	swait.ge [sflag:s6], $0x10000  }
0xd6: {  	[sflag:s6] =	ssyncset.done $0x0  }
0xd7: {  	s1 =	rddreg [dreg:$0x3];
	[sflag:s6] =	ssyncadd.s32 $0xFFFF0000  }
0xd8: {  	[hbm4b:s1+s2] =	stream.linear.scatter [tilespmem:s5], [sflag:$0x2], $0x10000, $0x38;
	[tilespmem:$0x10200] =	vst v63  }
0xd9: {  	_ =	swait.ge [sflag:s3], $0x10000  }
0xda: {  	[sflag:s3] =	ssyncset.done $0x0  }
0xdb: {  	s1 =	rddreg [dreg:$0x4];
	[sflag:s3] =	ssyncadd.s32 $0xFFFF0000  }
0xdc: {  	[tilespmem:s2], [sflag:$0x2] =	stream.linear.gather [hbm4b:s1+s2], $0x200, $0x38;
	[tilespmem:$0x10200] =	vst v63  }
0xdd: {  	_ =	swait.ge [sflag:s3], $0x200  }
0xde: {  	[sflag:s3] =	ssyncset.done $0x0  }
0xdf: {  	[sflag:s3] =	ssyncadd.s32 $0xFFFFFE00  }
0xe0: {  	[tilespmem:s5], [sflag:$0x1] =	stream.indirect.gather [hbm4b:s4+s5], $0x80, s2, s5, $0xb8;
	[tilespmem:$0x10200] =	vst v63  }
0xe1: {  	_ =	swait.ge [sflag:s6], $0x10000  }
0xe2: {  	[sflag:s6] =	ssyncset.done $0x0  }
0xe3: {  	s1 =	rddreg [dreg:$0x5];
	[sflag:s6] =	ssyncadd.s32 $0xFFFF0000  }
0xe4: {  	[hbm4b:s1+s2] =	stream.linear.scatter [tilespmem:s5], [sflag:$0x2], $0x10000, $0x38;
	[tilespmem:$0x10200] =	vst v63  }
0xe5: {  	_ =	swait.ge [sflag:s3], $0x10000  }
0xe6: {  	[sflag:s3] =	ssyncset.done $0x0  }
0xe7: {  	s1 =	rddreg [dreg:$0x6];
	[sflag:s3] =	ssyncadd.s32 $0xFFFF0000  }
0xe8: {  	[tilespmem:s2], [sflag:$0x2] =	stream.linear.gather [hbm4b:s1+s2], $0x200, $0x38;
	[tilespmem:$0x10200] =	vst v63  }
0xe9: {  	_ =	swait.ge [sflag:s3], $0x200  }
0xea: {  	[sflag:s3] =	ssyncset.done $0x0  }
0xeb: {  	[sflag:s3] =	ssyncadd.s32 $0xFFFFFE00  }
0xec: {  	[tilespmem:s5], [sflag:$0x1] =	stream.indirect.gather [hbm4b:s4+s5], $0x80, s2, s5, $0xb8;
	[tilespmem:$0x10200] =	vst v63  }
0xed: {  	_ =	swait.ge [sflag:s6], $0x10000  }
0xee: {  	[sflag:s6] =	ssyncset.done $0x0  }
0xef: {  	s1 =	rddreg [dreg:$0x7];
	[sflag:s6] =	ssyncadd.s32 $0xFFFF0000  }
0xf0: {  	[hbm4b:s1+s2] =	stream.linear.scatter [tilespmem:s5], [sflag:$0x2], $0x10000, $0x38;
	[tilespmem:$0x10200] =	vst v63  }
0xf1: {  	_ =	swait.ge [sflag:s3], $0x10000  }
0xf2: {  	[sflag:s3] =	ssyncset.done $0x0  }
0xf3: {  	s1 =	rddreg [dreg:$0x8];
	[sflag:s3] =	ssyncadd.s32 $0xFFFF0000  }
0xf4: {  	[tilespmem:s2], [sflag:$0x2] =	stream.linear.gather [hbm4b:s1+s2], $0x200, $0x38;
	[tilespmem:$0x10200] =	vst v63  }
0xf5: {  	_ =	swait.ge [sflag:s3], $0x200  }
0xf6: {  	[sflag:s3] =	ssyncset.done $0x0  }
0xf7: {  	[sflag:s3] =	ssyncadd.s32 $0xFFFFFE00  }
0xf8: {  	[tilespmem:s5], [sflag:$0x1] =	stream.indirect.gather [hbm4b:s4+s5], $0x80, s2, s5, $0xb8;
	[tilespmem:$0x10200] =	vst v63  }
0xf9: {  	_ =	swait.ge [sflag:s6], $0x10000  }
0xfa: {  	[sflag:s6] =	ssyncset.done $0x0  }
0xfb: {  	s1 =	rddreg [dreg:$0x9];
	[sflag:s6] =	ssyncadd.s32 $0xFFFF0000  }
0xfc: {  	[hbm4b:s1+s2] =	stream.linear.scatter [tilespmem:s5], [sflag:$0x2], $0x10000, $0x38;
	[tilespmem:$0x10200] =	vst v63  }
0xfd: {  	_ =	swait.ge [sflag:s3], $0x10000  }
0xfe: {  	[sflag:s3] =	ssyncset.done $0x0  }
0xff: {  	[sflag:s3] =	ssyncadd.s32 $0xFFFF0000  }
0x100: {  	[tilespmem:s2], [sflag:$0x2] =	stream.linear.gather [hbm4b:s7+s2], $0x200, $0x38;
	[tilespmem:$0x10200] =	vst v63  }
0x101: {  	_ =	swait.ge [sflag:s3], $0x200  }
0x102: {  	[sflag:s3] =	ssyncset.done $0x0  }
0x103: {  	[sflag:s3] =	ssyncadd.s32 $0xFFFFFE00  }
0x104: {  	[tilespmem:s5], [sflag:$0x1] =	stream.indirect.gather [hbm4b:s4+s5], $0x80, s2, s5, $0xb8;
	[tilespmem:$0x10200] =	vst v63  }
0x105: {  	_ =	swait.ge [sflag:s6], $0x10000  }
0x106: {  	[sflag:s6] =	ssyncset.done $0x0  }
0x107: {  	[sflag:s6] =	ssyncadd.s32 $0xFFFF0000  }
0x108: {  	[hbm4b:s8+s2] =	stream.linear.scatter [tilespmem:s5], [sflag:$0x2], $0x10000, $0x38;
	[tilespmem:$0x10200] =	vst v63  }
0x109: {  	_ =	swait.ge [sflag:s3], $0x10000  }
0x10a: {  	[sflag:s3] =	ssyncset.done $0x0  }
0x10b: {  	[sflag:s3] =	ssyncadd.s32 $0xFFFF0000  }
0x10c: {  	[tilespmem:s2], [sflag:$0x2] =	stream.linear.gather [hbm4b:s9+s2], $0x200, $0x38;
	[tilespmem:$0x10200] =	vst v63  }
0x10d: {  	_ =	swait.ge [sflag:s3], $0x200  }
0x10e: {  	[sflag:s3] =	ssyncset.done $0x0  }
0x10f: {  	[sflag:s3] =	ssyncadd.s32 $0xFFFFFE00  }
0x110: {  	[tilespmem:s5], [sflag:$0x1] =	stream.indirect.gather [hbm4b:s4+s5], $0x80, s2, s5, $0xb8;
	[tilespmem:$0x10200] =	vst v63  }
0x111: {  	_ =	swait.ge [sflag:s6], $0x10000  }
0x112: {  	[sflag:s6] =	ssyncset.done $0x0  }
0x113: {  	[sflag:s6] =	ssyncadd.s32 $0xFFFF0000  }
0x114: {  	[hbm4b:s10+s2] =	stream.linear.scatter [tilespmem:s5], [sflag:$0x2], $0x10000, $0x38;
	[tilespmem:$0x10200] =	vst v63  }
0x115: {  	_ =	swait.ge [sflag:s3], $0x10000  }
0x116: {  	[sflag:s3] =	ssyncset.done $0x0  }
0x117: {  	[sflag:s3] =	ssyncadd.s32 $0xFFFF0000  }
0x118: {  	[tilespmem:s2], [sflag:$0x2] =	stream.linear.gather [hbm4b:s11+s2], $0x200, $0x38;
	[tilespmem:$0x10200] =	vst v63  }
0x119: {  	_ =	swait.ge [sflag:s3], $0x200  }
0x11a: {  	[sflag:s3] =	ssyncset.done $0x0  }
0x11b: {  	[sflag:s3] =	ssyncadd.s32 $0xFFFFFE00  }
0x11c: {  	[tilespmem:s5], [sflag:$0x1] =	stream.indirect.gather [hbm4b:s4+s5], $0x80, s2, s5, $0xb8;
	[tilespmem:$0x10200] =	vst v63  }
0x11d: {  	_ =	swait.ge [sflag:s6], $0x10000  }
0x11e: {  	[sflag:s6] =	ssyncset.done $0x0  }
0x11f: {  	[sflag:s6] =	ssyncadd.s32 $0xFFFF0000  }
0x120: {  	[hbm4b:s12+s2] =	stream.linear.scatter [tilespmem:s5], [sflag:$0x2], $0x10000, $0x38;
	[tilespmem:$0x10200] =	vst v63  }
0x121: {  	_ =	swait.ge [sflag:s3], $0x10000  }
0x122: {  	[sflag:s3] =	ssyncset.done $0x0  }
0x123: {  	[sflag:s3] =	ssyncadd.s32 $0xFFFF0000  }
0x124: {  	[tilespmem:s2], [sflag:$0x2] =	stream.linear.gather [hbm4b:s13+s2], $0x200, $0x38;
	[tilespmem:$0x10200] =	vst v63  }
0x125: {  	_ =	swait.ge [sflag:s3], $0x200  }
0x126: {  	[sflag:s3] =	ssyncset.done $0x0  }
0x127: {  	[sflag:s3] =	ssyncadd.s32 $0xFFFFFE00  }
0x128: {  	[tilespmem:s5], [sflag:$0x1] =	stream.indirect.gather [hbm4b:s4+s5], $0x80, s2, s5, $0xb8;
	[tilespmem:$0x10200] =	vst v63  }
0x129: {  	_ =	swait.ge [sflag:s6], $0x10000  }
0x12a: {  	[sflag:s6] =	ssyncset.done $0x0  }
0x12b: {  	[sflag:s6] =	ssyncadd.s32 $0xFFFF0000  }
0x12c: {  	[hbm4b:s14+s2] =	stream.linear.scatter [tilespmem:s5], [sflag:$0x2], $0x10000, $0x38;
	[tilespmem:$0x10200] =	vst v63  }
0x12d: {  	_ =	swait.ge [sflag:s3], $0x10000  }
0x12e: {  	[sflag:s3] =	ssyncset.done $0x0  }
0x12f: {  	[sflag:s3] =	ssyncadd.s32 $0xFFFF0000  }
0x130: {  	[tilespmem:s2], [sflag:$0x2] =	stream.linear.gather [hbm4b:s15+s2], $0x200, $0x38;
	[tilespmem:$0x10200] =	vst v63  }
0x131: {  	_ =	swait.ge [sflag:s3], $0x200  }
0x132: {  	[sflag:s3] =	ssyncset.done $0x0  }
0x133: {  	[sflag:s3] =	ssyncadd.s32 $0xFFFFFE00  }
0x134: {  	[tilespmem:s5], [sflag:$0x1] =	stream.indirect.gather [hbm4b:s4+s5], $0x80, s2, s5, $0xb8;
	[tilespmem:$0x10200] =	vst v63  }
0x135: {  	_ =	swait.ge [sflag:s6], $0x10000  }
0x136: {  	[sflag:s6] =	ssyncset.done $0x0  }
0x137: {  	[sflag:s6] =	ssyncadd.s32 $0xFFFF0000  }
0x138: {  	[hbm4b:s16+s2] =	stream.linear.scatter [tilespmem:s5], [sflag:$0x2], $0x10000, $0x38;
	[tilespmem:$0x10200] =	vst v63  }
0x139: {  	_ =	swait.ge [sflag:s3], $0x10000  }
0x13a: {  	[sflag:s3] =	ssyncset.done $0x0  }
0x13b: {  	[sflag:s3] =	ssyncadd.s32 $0xFFFF0000  }
0x13c: {  	[tilespmem:s2], [sflag:$0x2] =	stream.linear.gather [hbm4b:s17+s2], $0x200, $0x38;
	[tilespmem:$0x10200] =	vst v63  }
0x13d: {  	_ =	swait.ge [sflag:s3], $0x200  }
0x13e: {  	[sflag:s3] =	ssyncset.done $0x0  }
0x13f: {  	[sflag:s3] =	ssyncadd.s32 $0xFFFFFE00  }
0x140: {  	[tilespmem:s5], [sflag:$0x1] =	stream.indirect.gather [hbm4b:s4+s5], $0x80, s2, s5, $0xb8;
	[tilespmem:$0x10200] =	vst v63  }
0x141: {  	_ =	swait.ge [sflag:s6], $0x10000  }
0x142: {  	[sflag:s6] =	ssyncset.done $0x0  }
0x143: {  	[sflag:s6] =	ssyncadd.s32 $0xFFFF0000  }
0x144: {  	[hbm4b:s18+s2] =	stream.linear.scatter [tilespmem:s5], [sflag:$0x2], $0x10000, $0x38;
	[tilespmem:$0x10200] =	vst v63  }
0x145: {  	_ =	swait.ge [sflag:s3], $0x10000  }
0x146: {  	[sflag:s3] =	ssyncset.done $0x0  }
0x147: {  	[sflag:s3] =	ssyncadd.s32 $0xFFFF0000  }
0x148: {  	[tilespmem:s2], [sflag:$0x2] =	stream.linear.gather [hbm4b:s19+s2], $0x200, $0x38;
	[tilespmem:$0x10200] =	vst v63  }
0x149: {  	_ =	swait.ge [sflag:s3], $0x200  }
0x14a: {  	[sflag:s3] =	ssyncset.done $0x0  }
0x14b: {  	[sflag:s3] =	ssyncadd.s32 $0xFFFFFE00  }
0x14c: {  	[tilespmem:s5], [sflag:$0x1] =	stream.indirect.gather [hbm4b:s4+s5], $0x80, s2, s5, $0xb8;
	[tilespmem:$0x10200] =	vst v63  }
0x14d: {  	_ =	swait.ge [sflag:s6], $0x10000  }
0x14e: {  	[sflag:s6] =	ssyncset.done $0x0  }
0x14f: {  	[sflag:s6] =	ssyncadd.s32 $0xFFFF0000  }
0x150: {  	[hbm4b:s20+s2] =	stream.linear.scatter [tilespmem:s5], [sflag:$0x2], $0x10000, $0x38;
	[tilespmem:$0x10200] =	vst v63  }
0x151: {  	_ =	swait.ge [sflag:s3], $0x10000  }
0x152: {  	[sflag:s3] =	ssyncset.done $0x0  }
0x153: {  	[sflag:s3] =	ssyncadd.s32 $0xFFFF0000  }
0x154: {  	[tilespmem:s2], [sflag:$0x2] =	stream.linear.gather [hbm4b:s21+s2], $0x200, $0x38;
	[tilespmem:$0x10200] =	vst v63  }
0x155: {  	_ =	swait.ge [sflag:s3], $0x200  }
0x156: {  	[sflag:s3] =	ssyncset.done $0x0  }
0x157: {  	[sflag:s3] =	ssyncadd.s32 $0xFFFFFE00  }
0x158: {  	[tilespmem:s5], [sflag:$0x1] =	stream.indirect.gather [hbm4b:s4+s5], $0x80, s2, s5, $0xb8;
	[tilespmem:$0x10200] =	vst v63  }
0x159: {  	_ =	swait.ge [sflag:s6], $0x10000  }
0x15a: {  	[sflag:s6] =	ssyncset.done $0x0  }
0x15b: {  	[sflag:s6] =	ssyncadd.s32 $0xFFFF0000  }
0x15c: {  	[hbm4b:s22+s2] =	stream.linear.scatter [tilespmem:s5], [sflag:$0x2], $0x10000, $0x38;
	[tilespmem:$0x10200] =	vst v63  }
0x15d: {  	_ =	swait.ge [sflag:s3], $0x10000  }
0x15e: {  	[sflag:s3] =	ssyncset.done $0x0  }
0x15f: {  	[sflag:s3] =	ssyncadd.s32 $0xFFFF0000  }
0x160: {  	[tilespmem:s2], [sflag:$0x2] =	stream.linear.gather [hbm4b:s23+s2], $0x200, $0x38;
	[tilespmem:$0x10200] =	vst v63  }
0x161: {  	_ =	swait.ge [sflag:s3], $0x200  }
0x162: {  	[sflag:s3] =	ssyncset.done $0x0  }
0x163: {  	[sflag:s3] =	ssyncadd.s32 $0xFFFFFE00  }
0x164: {  	[tilespmem:s5], [sflag:$0x1] =	stream.indirect.gather [hbm4b:s4+s5], $0x80, s2, s5, $0xb8;
	[tilespmem:$0x10200] =	vst v63  }
0x165: {  	_ =	swait.ge [sflag:s6], $0x10000  }
0x166: {  	[sflag:s6] =	ssyncset.done $0x0  }
0x167: {  	[sflag:s6] =	ssyncadd.s32 $0xFFFF0000  }
0x168: {  	[hbm4b:s24+s2] =	stream.linear.scatter [tilespmem:s5], [sflag:$0x2], $0x10000, $0x38;
	[tilespmem:$0x10200] =	vst v63  }
0x169: {  	_ =	swait.ge [sflag:s3], $0x10000  }
0x16a: {  	[sflag:s3] =	ssyncset.done $0x0  }
0x16b: {  	[sflag:s3] =	ssyncadd.s32 $0xFFFF0000  }
0x16c: {  	[tilespmem:s2], [sflag:$0x2] =	stream.linear.gather [hbm4b:s25+s2], $0x200, $0x38;
	[tilespmem:$0x10200] =	vst v63  }
0x16d: {  	_ =	swait.ge [sflag:s3], $0x200  }
0x16e: {  	[sflag:s3] =	ssyncset.done $0x0  }
0x16f: {  	[sflag:s3] =	ssyncadd.s32 $0xFFFFFE00  }
0x170: {  	[tilespmem:s5], [sflag:$0x1] =	stream.indirect.gather [hbm4b:s4+s5], $0x80, s2, s5, $0xb8;
	[tilespmem:$0x10200] =	vst v63  }
0x171: {  	_ =	swait.ge [sflag:s6], $0x10000  }
0x172: {  	[sflag:s6] =	ssyncset.done $0x0  }
0x173: {  	[sflag:s6] =	ssyncadd.s32 $0xFFFF0000  }
0x174: {  	[hbm4b:s26+s2] =	stream.linear.scatter [tilespmem:s5], [sflag:$0x2], $0x10000, $0x38;
	[tilespmem:$0x10200] =	vst v63  }
0x175: {  	_ =	swait.ge [sflag:s3], $0x10000  }
0x176: {  	[sflag:s3] =	ssyncset.done $0x0  }
0x177: {  	[sflag:s3] =	ssyncadd.s32 $0xFFFF0000  }
0x178: {  	[tilespmem:s2], [sflag:$0x2] =	stream.linear.gather [hbm4b:s28+s2], $0x200, $0x38;
	[tilespmem:$0x10200] =	vst v63  }
0x179: {  	_ =	swait.ge [sflag:s3], $0x200  }
0x17a: {  	[sflag:s3] =	ssyncset.done $0x0  }
0x17b: {  	[sflag:s3] =	ssyncadd.s32 $0xFFFFFE00  }
0x17c: {  	[tilespmem:s5], [sflag:$0x1] =	stream.indirect.gather [hbm4b:s4+s5], $0x80, s2, s5, $0xb8;
	[tilespmem:$0x10200] =	vst v63  }
0x17d: {  	_ =	swait.ge [sflag:s6], $0x10000  }
0x17e: {  	[sflag:s6] =	ssyncset.done $0x0  }
0x17f: {  	[sflag:s6] =	ssyncadd.s32 $0xFFFF0000  }
0x180: {  	[hbm4b:s29+s2] =	stream.linear.scatter [tilespmem:s5], [sflag:$0x2], $0x10000, $0x38;
	[tilespmem:$0x10200] =	vst v63  }
0x181: {  	_ =	swait.ge [sflag:s3], $0x10000  }
0x182: {  	[sflag:s3] =	ssyncset.done $0x0  }
0x183: {  	[sflag:s3] =	ssyncadd.s32 $0xFFFF0000  }
0x184: {  	[tilespmem:s2], [sflag:$0x2] =	stream.linear.gather [hbm4b:s30+s2], $0x200, $0x38;
	[tilespmem:$0x10200] =	vst v63  }
0x185: {  	_ =	swait.ge [sflag:s3], $0x200  }
0x186: {  	[sflag:s3] =	ssyncset.done $0x0  }
0x187: {  	p0 =	sne.s32 s0, $0x1;
	[sflag:s3] =	ssyncadd.s32 $0xFFFFFE00  }
0x188: {  	[tilespmem:s5], [sflag:$0x1] =	stream.indirect.gather [hbm4b:s4+s5], $0x80, s2, s5, $0xb8;
	[tilespmem:$0x10200] =	vst v63  }
.Ltmp1:
0x189: {  	_ =	swait.ge [sflag:s6], $0x10000;
	(pc) =	sbr.rel @p0 .LBB2_1-.Ltmp1, $4  }
0x18a: {  	[sflag:s6] =	ssyncset.done $0x0  }
0x18b: {  	[sflag:s6] =	ssyncadd.s32 $0xFFFF0000  }
0x18c: {  	[hbm4b:s31+s2] =	stream.linear.scatter [tilespmem:s5], [sflag:$0x2], $0x10000, $0x38;
	[tilespmem:$0x10200] =	vst v63  }
0x18d: {  	s0 =	sadd.s32 $0xFFFFFFFF, s0;
	_ =	swait.ge [sflag:s3], $0x10000  }
.LBB2_2:
0x18e: {  	[sflag:s3] =	ssyncset.done $0x0  }
0x18f: {  	[sflag:s3] =	ssyncadd.s32 $0xFFFF0000  }
0x190: {  	_ =	sfence.sel $0x180000  }
0x191: {  	[bflag:$0x0] =	sbarrier.arrive $0xFFFF  }
0x192: {  	_ =	strace $0x90000047  }
0x193: {  	s0 =	stileid.u32;
	[bflag:$0x2] =	sbarrier.arrive $0xFFFF  }
0x194: {  	p0 =	sne.s32 s0, $0x0;
	s0 =	rddreg [dreg:$0x1]  }
0x195: {  	s0 =	sadd.s32 @!p0 $0x100000, s0  }
0x196: {  	[sflag:s0] =	ssyncadd.tile.s32 @!p0 $0x1;
	_ =	shalt  }
.Lfunc_end2:
_tile_overlayer_lowered:
.L_overlay_start_2:
0x197: {  	(tag) =	ssettag $0x2  }
0x198: {  	s0 =	rddreg [dreg:$0x0];
	s2 =	stileid.u32  }
0x199: {  	s1 =	rddreg [dreg:$0x1];
	p0 =	sne.s32 s2, $0x0  }
0x19a: {  	s3 =	rddreg [dreg:$0x2];
	[bflag:$0x3] =	sbarrier.arrive $0xFFFF;
	s2 =	simm.s32 @!p0 $0x1C02  }
0x19b: {  	[timem:s3], [sflag:s2] =	dma.local @!p0 [hbm:s0], s1  }
0x19c: {  	s0 =	simm.s32 @!p0 $0x2  }
0x19d: {  	_ =	swait.ge @!p0 [sflag:s0], s1  }
0x19e: {  	s1 =	ssub.s32 @!p0 $0x0, s1;
	[sflag:s0] =	ssyncset.done @!p0 $0x0  }
0x19f: {  	[sflag:s0] =	ssyncadd.s32 @!p0 s1  }
0x1a0: {  	[bflag:$0x3] =	sbarrier.arrive $0xFFFF  }
0x1a1: {  	_ =	shalt  }

</sc_bundles>
